<compile_context>
chip_gen: v7x
topology: tpu7x:2x2x1
jax: 0.10.2.dev20260603
libtpu: 0.0.44.dev20260713+nightly
codegen_flags: <defaults>
</compile_context>

<pallas_src>
import functools

import jax
import jax.numpy as jnp
from jax import lax
from jax.experimental import pallas as pl
from jax.experimental.pallas import tpu as pltpu
from jax.experimental.pallas import tpu_sc as plsc

_B = 16384
_L = 200
_D = 32
_N = _B * _L

_NC = 2
_NS = 16
_NW = _NC * _NS

_F = 4
_CD = _F * _D
_NCOMP = 6 ** _F
_N4 = _N // _F

_SUB = 128
_K = 2
_CSUB = _SUB * _K
_CHUNK = _CSUB * _F
_ROWS_PER_W = _N4 // _NW
_N_CHUNKS = _ROWS_PER_W // _CSUB


@functools.cache
def _build():
    mesh = plsc.VectorSubcoreMesh(core_axis_name="c", subcore_axis_name="s")

    @functools.partial(
        pl.kernel,
        mesh=mesh,
        compiler_params=pltpu.CompilerParams(use_tc_tiling_on_sc=False,
                                             needs_layout_passes=False),
        out_type=jax.ShapeDtypeStruct((_N4, _CD), jnp.float32),
        scratch_types=[
            pltpu.VMEM((_CHUNK,), jnp.int32),
            pltpu.VMEM((_CHUNK,), jnp.int32),
            pltpu.VMEM((_CSUB,), jnp.int32),
            pltpu.VMEM((_CSUB,), jnp.int32),
            pltpu.VMEM((_CSUB, _CD), jnp.float32),
            pltpu.VMEM((_CSUB, _CD), jnp.float32),
            pltpu.VMEM_SHARED((_NCOMP, _CD), jnp.float32),
            pltpu.SemaphoreType.DMA,
            pltpu.SemaphoreType.DMA,
            pltpu.SemaphoreType.DMA,
            pltpu.SemaphoreType.DMA,
            pltpu.SemaphoreType.DMA,
            pltpu.SemaphoreType.DMA,
        ],
    )
    def emb(idx_hbm, ctable_hbm, out_hbm, idx0, idx1, cidx0, cidx1,
            rows0, rows1, ct_v, isem0, isem1, gsem0, gsem1, osem0, osem1):
        wid = lax.axis_index("s") * _NC + lax.axis_index("c")
        crow0 = wid * _ROWS_PER_W

        @pl.when(lax.axis_index("s") == 0)
        def _():
            pltpu.sync_copy(ctable_hbm, ct_v)
        plsc.subcore_barrier()

        def cbase(c):
            return pl.multiple_of(crow0 + c * _CSUB, _CSUB)

        def idx_src(c):
            return idx_hbm.at[pl.ds(pl.multiple_of(cbase(c) * _F, _CHUNK),
                                    _CHUNK)]

        def out_dst(c):
            return out_hbm.at[pl.ds(cbase(c), _CSUB)]

        lanes = lax.iota(jnp.int32, 16)

        def compute_comp(idxb, cidxb):
            for g in range(_CSUB // 16):
                base = lanes * _F + g * 64
                a0 = plsc.load_gather(idxb, [base])
                a1 = plsc.load_gather(idxb, [base + 1])
                a2 = plsc.load_gather(idxb, [base + 2])
                a3 = plsc.load_gather(idxb, [base + 3])
                cidxb[pl.ds(g * 16, 16)] = ((a0 * 6 + a1) * 6 + a2) * 6 + a3

        def fire_gathers(cidxb, rowsb, gsem):
            for j in range(_K):
                pltpu.async_copy(ct_v.at[cidxb.at[pl.ds(j * _SUB, _SUB)]],
                                 rowsb.at[pl.ds(j * _SUB, _SUB)], gsem)

        def wait_gathers(cidxb, rowsb, gsem):
            for j in range(_K):
                pltpu.make_async_copy(ct_v.at[cidxb.at[pl.ds(j * _SUB, _SUB)]],
                                      rowsb.at[pl.ds(j * _SUB, _SUB)],
                                      gsem).wait()

        def wait_copy(src, dst, sem):
            pltpu.make_async_copy(src, dst, sem).wait()

        pltpu.async_copy(idx_src(0), idx0, isem0)
        pltpu.async_copy(idx_src(1), idx1, isem1)
        wait_copy(idx_src(0), idx0, isem0)
        compute_comp(idx0, cidx0)
        fire_gathers(cidx0, rows0, gsem0)

        def body(t, carry):
            c = t * 2
            wait_gathers(cidx0, rows0, gsem0)
            pltpu.async_copy(rows0, out_dst(c), osem0)

            @pl.when(c + 2 < _N_CHUNKS)
            def _():
                pltpu.async_copy(idx_src(c + 2), idx0, isem0)

            wait_copy(idx_src(c + 1), idx1, isem1)
            compute_comp(idx1, cidx1)

            @pl.when(t > 0)
            def _():
                wait_copy(rows1, out_dst(c - 1), osem1)

            fire_gathers(cidx1, rows1, gsem1)

            wait_gathers(cidx1, rows1, gsem1)
            pltpu.async_copy(rows1, out_dst(c + 1), osem1)

            @pl.when(c + 3 < _N_CHUNKS)
            def _():
                pltpu.async_copy(idx_src(c + 3), idx1, isem1)

            @pl.when(c + 2 < _N_CHUNKS)
            def _():
                wait_copy(idx_src(c + 2), idx0, isem0)
                compute_comp(idx0, cidx0)
                wait_copy(rows0, out_dst(c), osem0)
                fire_gathers(cidx0, rows0, gsem0)

            return carry

        lax.fori_loop(0, _N_CHUNKS // 2, body, 0)

        wait_copy(rows0, out_dst(_N_CHUNKS - 2), osem0)
        wait_copy(rows1, out_dst(_N_CHUNKS - 1), osem1)

    return emb


def kernel(action, table):
    idx = action.reshape(_N)
    combos = jnp.arange(_NCOMP)
    ctable = jnp.concatenate(
        [jnp.take(table, (combos // (6 ** (_F - 1 - m))) % 6, axis=0)
         for m in range(_F)], axis=1)
    rows = _build()(idx, ctable)
    return rows.reshape(_B, _L * _D)

# --- scband reference (transcript-rebuilt; emitter-appended) ---
"""Pipeline reference for scband-action-embedding-representation-4741643895572 (READ-ONLY COPY).

The authoritative reference and input builder live on the scoring server;
editing this copy changes nothing except your own understanding.
"""

import jax, jax.numpy as jnp
import numpy as np

NUM_ACTIONS = 6
ACTION_DIM = 32
BATCH = 16384
HIST = 200

def setup_inputs(seed: int = 0) -> dict:
    key = jax.random.key(seed)
    k1, k2 = jax.random.split(key)
    action = jax.random.randint(k1, (BATCH, HIST), 0, NUM_ACTIONS, dtype=jnp.int64 if jax.config.jax_enable_x64 else jnp.int32).astype(jnp.int32)
    # nn.Embedding default init: N(0, 1)
    table = jax.random.normal(k2, (NUM_ACTIONS, ACTION_DIM), dtype=jnp.float32)
    return {"action": action, "table": table}

def reference(action, table):
    # nn.Embedding lookup
    emb = jnp.take(table, action, axis=0)  # [B, L, D]
    # nn.Flatten(start_dim=-2): merge last two dims
    out = emb.reshape(emb.shape[:-2] + (emb.shape[-2] * emb.shape[-1],))
    return out

if __name__ == "__main__":
    import jax
    _d = setup_inputs()
    print(jax.jit(kernel)(*tuple(_d.values())))

</pallas_src>

<mosaic_0001>
#map = affine_map<(d0, d1) -> (0)>
#map1 = affine_map<(d0, d1) -> (0, 0)>
module attributes {stable_mosaic.version = 14 : i64} {
  func.func @emb(%arg0: i32, %arg1: i32, %arg2: memref<3276800xi32, #tpu.memory_space<hbm>>, %arg3: memref<1296x128xf32, #tpu.memory_space<hbm>>, %arg4: memref<819200x128xf32, #tpu.memory_space<hbm>>, %arg5: memref<1024xi32, #tpu.memory_space<vmem>>, %arg6: memref<1024xi32, #tpu.memory_space<vmem>>, %arg7: memref<256xi32, #tpu.memory_space<vmem>>, %arg8: memref<256xi32, #tpu.memory_space<vmem>>, %arg9: memref<256x128xf32, #tpu.memory_space<vmem>>, %arg10: memref<256x128xf32, #tpu.memory_space<vmem>>, %arg11: memref<1296x128xf32, #tpu.memory_space<vmem_shared>>, %arg12: memref<!tpu.dma_semaphore, #tpu.memory_space<semaphore_mem>>, %arg13: memref<!tpu.dma_semaphore, #tpu.memory_space<semaphore_mem>>, %arg14: memref<!tpu.dma_semaphore, #tpu.memory_space<semaphore_mem>>, %arg15: memref<!tpu.dma_semaphore, #tpu.memory_space<semaphore_mem>>, %arg16: memref<!tpu.dma_semaphore, #tpu.memory_space<semaphore_mem>>, %arg17: memref<!tpu.dma_semaphore, #tpu.memory_space<semaphore_mem>>) attributes {dimension_semantics = [#tpu.dimension_semantics<core_parallel>, #tpu.dimension_semantics<subcore_parallel>], iteration_bounds = array<i64: 2, 16>, scalar_prefetch = 0 : i64, scratch_operands = 13 : i64, tpu.core_type = #tpu.core_type<sc_vector_subcore>, window_params = [{transform_indices = #map}, {transform_indices = #map1}, {transform_indices = #map1}]} {
    %mul3A = arith.constant 2 : i32
    %mul3A_0 = arith.muli %arg1, %mul3A : i32
    %add3A = arith.addi %mul3A_0, %arg0 : i32
    %mul3A_1 = arith.constant 25600 : i32
    %mul3A_2 = arith.muli %add3A, %mul3A_1 : i32
    %eq3A = arith.constant 0 : i32
    %eq3A_3 = arith.cmpi eq, %arg1, %eq3A : i32
    %convert_element_type3A = arith.extui %eq3A_3 : i1 to i32
    %cond3A = arith.constant 0 : i32
    %cond3A_4 = arith.cmpi ne, %convert_element_type3A, %cond3A : i32
    scf.if %cond3A_4 {
      "tpu.region"() ({
        %run_scoped3A = tpu.sem_alloc : memref<!tpu.dma_semaphore, #tpu.memory_space<semaphore_mem>>
        tpu.enqueue_dma source(%arg3 : memref<1296x128xf32, #tpu.memory_space<hbm>>) target(%arg11 : memref<1296x128xf32, #tpu.memory_space<vmem_shared>>) target_semaphore(%run_scoped3A : memref<!tpu.dma_semaphore, #tpu.memory_space<semaphore_mem>>)
        tpu.wait_dma2 semaphore(%run_scoped3A : memref<!tpu.dma_semaphore, #tpu.memory_space<semaphore_mem>>) src(%arg3 : memref<1296x128xf32, #tpu.memory_space<hbm>>) dst(%arg11 : memref<1296x128xf32, #tpu.memory_space<vmem_shared>>)
        tpu.yield
      }) : () -> ()
    } else {
    }
    %barrier3A = arith.constant 0 : index
    tpu.barrier barrier_id(%barrier3A)
    %iota3A = tpu.iota {dimensions = array<i32: 0>} : vector<16xi32>
    %add3A_5 = arith.constant 0 : i32
    %add3A_6 = arith.addi %mul3A_2, %add3A_5 : i32
    %multiple_of3A = tpu.assume_multiple %add3A_6, 256 : i32
    %mul3A_7 = arith.constant 4 : i32
    %mul3A_8 = arith.muli %multiple_of3A, %mul3A_7 : i32
    %multiple_of3A_9 = tpu.assume_multiple %mul3A_8, 1024 : i32
    %dma_start3A = tpu.memref_slice %arg2[%multiple_of3A_9] : memref<3276800xi32, #tpu.memory_space<hbm>> -> memref<1024xi32, #tpu.memory_space<hbm>>
    %dma_start3A_10 = tpu.memref_slice %arg2[%multiple_of3A_9] : memref<3276800xi32, #tpu.memory_space<hbm>> -> memref<1024xi32, #tpu.memory_space<hbm>>
    tpu.enqueue_dma source(%dma_start3A_10 : memref<1024xi32, #tpu.memory_space<hbm>>) target(%arg5 : memref<1024xi32, #tpu.memory_space<vmem>>) target_semaphore(%arg12 : memref<!tpu.dma_semaphore, #tpu.memory_space<semaphore_mem>>)
    %add3A_11 = arith.constant 256 : i32
    %add3A_12 = arith.addi %mul3A_2, %add3A_11 : i32
    %multiple_of3A_13 = tpu.assume_multiple %add3A_12, 256 : i32
    %mul3A_14 = arith.constant 4 : i32
    %mul3A_15 = arith.muli %multiple_of3A_13, %mul3A_14 : i32
    %multiple_of3A_16 = tpu.assume_multiple %mul3A_15, 1024 : i32
    %dma_start3A_17 = tpu.memref_slice %arg2[%multiple_of3A_16] : memref<3276800xi32, #tpu.memory_space<hbm>> -> memref<1024xi32, #tpu.memory_space<hbm>>
    %dma_start3A_18 = tpu.memref_slice %arg2[%multiple_of3A_16] : memref<3276800xi32, #tpu.memory_space<hbm>> -> memref<1024xi32, #tpu.memory_space<hbm>>
    tpu.enqueue_dma source(%dma_start3A_18 : memref<1024xi32, #tpu.memory_space<hbm>>) target(%arg6 : memref<1024xi32, #tpu.memory_space<vmem>>) target_semaphore(%arg13 : memref<!tpu.dma_semaphore, #tpu.memory_space<semaphore_mem>>)
    %add3A_19 = arith.constant 0 : i32
    %add3A_20 = arith.addi %mul3A_2, %add3A_19 : i32
    %multiple_of3A_21 = tpu.assume_multiple %add3A_20, 256 : i32
    %mul3A_22 = arith.constant 4 : i32
    %mul3A_23 = arith.muli %multiple_of3A_21, %mul3A_22 : i32
    %multiple_of3A_24 = tpu.assume_multiple %mul3A_23, 1024 : i32
    %dma_wait3A = tpu.memref_slice %arg2[%multiple_of3A_24] : memref<3276800xi32, #tpu.memory_space<hbm>> -> memref<1024xi32, #tpu.memory_space<hbm>>
    %dma_wait3A_25 = tpu.memref_slice %arg2[%multiple_of3A_24] : memref<3276800xi32, #tpu.memory_space<hbm>> -> memref<1024xi32, #tpu.memory_space<hbm>>
    tpu.wait_dma2 semaphore(%arg12 : memref<!tpu.dma_semaphore, #tpu.memory_space<semaphore_mem>>) src(%dma_wait3A_25 : memref<1024xi32, #tpu.memory_space<hbm>>) dst(%arg5 : memref<1024xi32, #tpu.memory_space<vmem>>)
    %mul3A_26 = arith.constant 4 : i32
    %mul3A_27 = vector.broadcast %mul3A_26 : i32 to vector<16xi32>
    %mul3A_28 = arith.muli %iota3A, %mul3A_27 : vector<16xi32>
    %add3A_29 = arith.constant 0 : i32
    %add3A_30 = vector.broadcast %add3A_29 : i32 to vector<16xi32>
    %add3A_31 = arith.addi %mul3A_28, %add3A_30 : vector<16xi32>
    %gather3A = tpu.vector_load_idx %arg5[%add3A_31] : memref<1024xi32, #tpu.memory_space<vmem>>[vector<16xi32>], vector<16xi32>,
    %add3A_32 = arith.constant 1 : i32
    %add3A_33 = vector.broadcast %add3A_32 : i32 to vector<16xi32>
    %add3A_34 = arith.addi %add3A_31, %add3A_33 : vector<16xi32>
    %gather3A_35 = tpu.vector_load_idx %arg5[%add3A_34] : memref<1024xi32, #tpu.memory_space<vmem>>[vector<16xi32>], vector<16xi32>,
    %add3A_36 = arith.constant 2 : i32
    %add3A_37 = vector.broadcast %add3A_36 : i32 to vector<16xi32>
    %add3A_38 = arith.addi %add3A_31, %add3A_37 : vector<16xi32>
    %gather3A_39 = tpu.vector_load_idx %arg5[%add3A_38] : memref<1024xi32, #tpu.memory_space<vmem>>[vector<16xi32>], vector<16xi32>,
    %add3A_40 = arith.constant 3 : i32
    %add3A_41 = vector.broadcast %add3A_40 : i32 to vector<16xi32>
    %add3A_42 = arith.addi %add3A_31, %add3A_41 : vector<16xi32>
    %gather3A_43 = tpu.vector_load_idx %arg5[%add3A_42] : memref<1024xi32, #tpu.memory_space<vmem>>[vector<16xi32>], vector<16xi32>,
    %mul3A_44 = arith.constant 6 : i32
    %mul3A_45 = vector.broadcast %mul3A_44 : i32 to vector<16xi32>
    %mul3A_46 = arith.muli %gather3A, %mul3A_45 : vector<16xi32>
    %add3A_47 = arith.addi %mul3A_46, %gather3A_35 : vector<16xi32>
    %mul3A_48 = arith.constant 6 : i32
    %mul3A_49 = vector.broadcast %mul3A_48 : i32 to vector<16xi32>
    %mul3A_50 = arith.muli %add3A_47, %mul3A_49 : vector<16xi32>
    %add3A_51 = arith.addi %mul3A_50, %gather3A_39 : vector<16xi32>
    %mul3A_52 = arith.constant 6 : i32
    %mul3A_53 = vector.broadcast %mul3A_52 : i32 to vector<16xi32>
    %mul3A_54 = arith.muli %add3A_51, %mul3A_53 : vector<16xi32>
    %add3A_55 = arith.addi %mul3A_54, %gather3A_43 : vector<16xi32>
    %swap3A = arith.constant 0 : index
    %swap3A_56 = tpu.vector_load %arg7[%swap3A] {strides = array<i32>} : memref<256xi32, #tpu.memory_space<vmem>>, vector<16xi32>,
    tpu.vector_store %arg7[%swap3A], %add3A_55 {strides = array<i32>} : memref<256xi32, #tpu.memory_space<vmem>>, vector<16xi32>,
    %mul3A_57 = arith.constant 4 : i32
    %mul3A_58 = vector.broadcast %mul3A_57 : i32 to vector<16xi32>
    %mul3A_59 = arith.muli %iota3A, %mul3A_58 : vector<16xi32>
    %add3A_60 = arith.constant 64 : i32
    %add3A_61 = vector.broadcast %add3A_60 : i32 to vector<16xi32>
    %add3A_62 = arith.addi %mul3A_59, %add3A_61 : vector<16xi32>
    %gather3A_63 = tpu.vector_load_idx %arg5[%add3A_62] : memref<1024xi32, #tpu.memory_space<vmem>>[vector<16xi32>], vector<16xi32>,
    %add3A_64 = arith.constant 1 : i32
    %add3A_65 = vector.broadcast %add3A_64 : i32 to vector<16xi32>
    %add3A_66 = arith.addi %add3A_62, %add3A_65 : vector<16xi32>
    %gather3A_67 = tpu.vector_load_idx %arg5[%add3A_66] : memref<1024xi32, #tpu.memory_space<vmem>>[vector<16xi32>], vector<16xi32>,
    %add3A_68 = arith.constant 2 : i32
    %add3A_69 = vector.broadcast %add3A_68 : i32 to vector<16xi32>
    %add3A_70 = arith.addi %add3A_62, %add3A_69 : vector<16xi32>
    %gather3A_71 = tpu.vector_load_idx %arg5[%add3A_70] : memref<1024xi32, #tpu.memory_space<vmem>>[vector<16xi32>], vector<16xi32>,
    %add3A_72 = arith.constant 3 : i32
    %add3A_73 = vector.broadcast %add3A_72 : i32 to vector<16xi32>
    %add3A_74 = arith.addi %add3A_62, %add3A_73 : vector<16xi32>
    %gather3A_75 = tpu.vector_load_idx %arg5[%add3A_74] : memref<1024xi32, #tpu.memory_space<vmem>>[vector<16xi32>], vector<16xi32>,
    %mul3A_76 = arith.constant 6 : i32
    %mul3A_77 = vector.broadcast %mul3A_76 : i32 to vector<16xi32>
    %mul3A_78 = arith.muli %gather3A_63, %mul3A_77 : vector<16xi32>
    %add3A_79 = arith.addi %mul3A_78, %gather3A_67 : vector<16xi32>
    %mul3A_80 = arith.constant 6 : i32
    %mul3A_81 = vector.broadcast %mul3A_80 : i32 to vector<16xi32>
    %mul3A_82 = arith.muli %add3A_79, %mul3A_81 : vector<16xi32>
    %add3A_83 = arith.addi %mul3A_82, %gather3A_71 : vector<16xi32>
    %mul3A_84 = arith.constant 6 : i32
    %mul3A_85 = vector.broadcast %mul3A_84 : i32 to vector<16xi32>
    %mul3A_86 = arith.muli %add3A_83, %mul3A_85 : vector<16xi32>
    %add3A_87 = arith.addi %mul3A_86, %gather3A_75 : vector<16xi32>
    %swap3A_88 = arith.constant 16 : index
    %swap3A_89 = tpu.vector_load %arg7[%swap3A_88] {strides = array<i32>} : memref<256xi32, #tpu.memory_space<vmem>>, vector<16xi32>,
    tpu.vector_store %arg7[%swap3A_88], %add3A_87 {strides = array<i32>} : memref<256xi32, #tpu.memory_space<vmem>>, vector<16xi32>,
    %mul3A_90 = arith.constant 4 : i32
    %mul3A_91 = vector.broadcast %mul3A_90 : i32 to vector<16xi32>
    %mul3A_92 = arith.muli %iota3A, %mul3A_91 : vector<16xi32>
    %add3A_93 = arith.constant 128 : i32
    %add3A_94 = vector.broadcast %add3A_93 : i32 to vector<16xi32>
    %add3A_95 = arith.addi %mul3A_92, %add3A_94 : vector<16xi32>
    %gather3A_96 = tpu.vector_load_idx %arg5[%add3A_95] : memref<1024xi32, #tpu.memory_space<vmem>>[vector<16xi32>], vector<16xi32>,
    %add3A_97 = arith.constant 1 : i32
    %add3A_98 = vector.broadcast %add3A_97 : i32 to vector<16xi32>
    %add3A_99 = arith.addi %add3A_95, %add3A_98 : vector<16xi32>
    %gather3A_100 = tpu.vector_load_idx %arg5[%add3A_99] : memref<1024xi32, #tpu.memory_space<vmem>>[vector<16xi32>], vector<16xi32>,
    %add3A_101 = arith.constant 2 : i32
    %add3A_102 = vector.broadcast %add3A_101 : i32 to vector<16xi32>
    %add3A_103 = arith.addi %add3A_95, %add3A_102 : vector<16xi32>
    %gather3A_104 = tpu.vector_load_idx %arg5[%add3A_103] : memref<1024xi32, #tpu.memory_space<vmem>>[vector<16xi32>], vector<16xi32>,
    %add3A_105 = arith.constant 3 : i32
    %add3A_106 = vector.broadcast %add3A_105 : i32 to vector<16xi32>
    %add3A_107 = arith.addi %add3A_95, %add3A_106 : vector<16xi32>
    %gather3A_108 = tpu.vector_load_idx %arg5[%add3A_107] : memref<1024xi32, #tpu.memory_space<vmem>>[vector<16xi32>], vector<16xi32>,
    %mul3A_109 = arith.constant 6 : i32
    %mul3A_110 = vector.broadcast %mul3A_109 : i32 to vector<16xi32>
    %mul3A_111 = arith.muli %gather3A_96, %mul3A_110 : vector<16xi32>
    %add3A_112 = arith.addi %mul3A_111, %gather3A_100 : vector<16xi32>
    %mul3A_113 = arith.constant 6 : i32
    %mul3A_114 = vector.broadcast %mul3A_113 : i32 to vector<16xi32>
    %mul3A_115 = arith.muli %add3A_112, %mul3A_114 : vector<16xi32>
    %add3A_116 = arith.addi %mul3A_115, %gather3A_104 : vector<16xi32>
    %mul3A_117 = arith.constant 6 : i32
    %mul3A_118 = vector.broadcast %mul3A_117 : i32 to vector<16xi32>
    %mul3A_119 = arith.muli %add3A_116, %mul3A_118 : vector<16xi32>
    %add3A_120 = arith.addi %mul3A_119, %gather3A_108 : vector<16xi32>
    %swap3A_121 = arith.constant 32 : index
    %swap3A_122 = tpu.vector_load %arg7[%swap3A_121] {strides = array<i32>} : memref<256xi32, #tpu.memory_space<vmem>>, vector<16xi32>,
    tpu.vector_store %arg7[%swap3A_121], %add3A_120 {strides = array<i32>} : memref<256xi32, #tpu.memory_space<vmem>>, vector<16xi32>,
    %mul3A_123 = arith.constant 4 : i32
    %mul3A_124 = vector.broadcast %mul3A_123 : i32 to vector<16xi32>
    %mul3A_125 = arith.muli %iota3A, %mul3A_124 : vector<16xi32>
    %add3A_126 = arith.constant 192 : i32
    %add3A_127 = vector.broadcast %add3A_126 : i32 to vector<16xi32>
    %add3A_128 = arith.addi %mul3A_125, %add3A_127 : vector<16xi32>
    %gather3A_129 = tpu.vector_load_idx %arg5[%add3A_128] : memref<1024xi32, #tpu.memory_space<vmem>>[vector<16xi32>], vector<16xi32>,
    %add3A_130 = arith.constant 1 : i32
    %add3A_131 = vector.broadcast %add3A_130 : i32 to vector<16xi32>
    %add3A_132 = arith.addi %add3A_128, %add3A_131 : vector<16xi32>
    %gather3A_133 = tpu.vector_load_idx %arg5[%add3A_132] : memref<1024xi32, #tpu.memory_space<vmem>>[vector<16xi32>], vector<16xi32>,
    %add3A_134 = arith.constant 2 : i32
    %add3A_135 = vector.broadcast %add3A_134 : i32 to vector<16xi32>
    %add3A_136 = arith.addi %add3A_128, %add3A_135 : vector<16xi32>
    %gather3A_137 = tpu.vector_load_idx %arg5[%add3A_136] : memref<1024xi32, #tpu.memory_space<vmem>>[vector<16xi32>], vector<16xi32>,
    %add3A_138 = arith.constant 3 : i32
    %add3A_139 = vector.broadcast %add3A_138 : i32 to vector<16xi32>
    %add3A_140 = arith.addi %add3A_128, %add3A_139 : vector<16xi32>
    %gather3A_141 = tpu.vector_load_idx %arg5[%add3A_140] : memref<1024xi32, #tpu.memory_space<vmem>>[vector<16xi32>], vector<16xi32>,
    %mul3A_142 = arith.constant 6 : i32
    %mul3A_143 = vector.broadcast %mul3A_142 : i32 to vector<16xi32>
    %mul3A_144 = arith.muli %gather3A_129, %mul3A_143 : vector<16xi32>
    %add3A_145 = arith.addi %mul3A_144, %gather3A_133 : vector<16xi32>
    %mul3A_146 = arith.constant 6 : i32
    %mul3A_147 = vector.broadcast %mul3A_146 : i32 to vector<16xi32>
    %mul3A_148 = arith.muli %add3A_145, %mul3A_147 : vector<16xi32>
    %add3A_149 = arith.addi %mul3A_148, %gather3A_137 : vector<16xi32>
    %mul3A_150 = arith.constant 6 : i32
    %mul3A_151 = vector.broadcast %mul3A_150 : i32 to vector<16xi32>
    %mul3A_152 = arith.muli %add3A_149, %mul3A_151 : vector<16xi32>
    %add3A_153 = arith.addi %mul3A_152, %gather3A_141 : vector<16xi32>
    %swap3A_154 = arith.constant 48 : index
    %swap3A_155 = tpu.vector_load %arg7[%swap3A_154] {strides = array<i32>} : memref<256xi32, #tpu.memory_space<vmem>>, vector<16xi32>,
    tpu.vector_store %arg7[%swap3A_154], %add3A_153 {strides = array<i32>} : memref<256xi32, #tpu.memory_space<vmem>>, vector<16xi32>,
    %mul3A_156 = arith.constant 4 : i32
    %mul3A_157 = vector.broadcast %mul3A_156 : i32 to vector<16xi32>
    %mul3A_158 = arith.muli %iota3A, %mul3A_157 : vector<16xi32>
    %add3A_159 = arith.constant 256 : i32
    %add3A_160 = vector.broadcast %add3A_159 : i32 to vector<16xi32>
    %add3A_161 = arith.addi %mul3A_158, %add3A_160 : vector<16xi32>
    %gather3A_162 = tpu.vector_load_idx %arg5[%add3A_161] : memref<1024xi32, #tpu.memory_space<vmem>>[vector<16xi32>], vector<16xi32>,
    %add3A_163 = arith.constant 1 : i32
    %add3A_164 = vector.broadcast %add3A_163 : i32 to vector<16xi32>
    %add3A_165 = arith.addi %add3A_161, %add3A_164 : vector<16xi32>
    %gather3A_166 = tpu.vector_load_idx %arg5[%add3A_165] : memref<1024xi32, #tpu.memory_space<vmem>>[vector<16xi32>], vector<16xi32>,
    %add3A_167 = arith.constant 2 : i32
    %add3A_168 = vector.broadcast %add3A_167 : i32 to vector<16xi32>
    %add3A_169 = arith.addi %add3A_161, %add3A_168 : vector<16xi32>
    %gather3A_170 = tpu.vector_load_idx %arg5[%add3A_169] : memref<1024xi32, #tpu.memory_space<vmem>>[vector<16xi32>], vector<16xi32>,
    %add3A_171 = arith.constant 3 : i32
    %add3A_172 = vector.broadcast %add3A_171 : i32 to vector<16xi32>
    %add3A_173 = arith.addi %add3A_161, %add3A_172 : vector<16xi32>
    %gather3A_174 = tpu.vector_load_idx %arg5[%add3A_173] : memref<1024xi32, #tpu.memory_space<vmem>>[vector<16xi32>], vector<16xi32>,
    %mul3A_175 = arith.constant 6 : i32
    %mul3A_176 = vector.broadcast %mul3A_175 : i32 to vector<16xi32>
    %mul3A_177 = arith.muli %gather3A_162, %mul3A_176 : vector<16xi32>
    %add3A_178 = arith.addi %mul3A_177, %gather3A_166 : vector<16xi32>
    %mul3A_179 = arith.constant 6 : i32
    %mul3A_180 = vector.broadcast %mul3A_179 : i32 to vector<16xi32>
    %mul3A_181 = arith.muli %add3A_178, %mul3A_180 : vector<16xi32>
    %add3A_182 = arith.addi %mul3A_181, %gather3A_170 : vector<16xi32>
    %mul3A_183 = arith.constant 6 : i32
    %mul3A_184 = vector.broadcast %mul3A_183 : i32 to vector<16xi32>
    %mul3A_185 = arith.muli %add3A_182, %mul3A_184 : vector<16xi32>
    %add3A_186 = arith.addi %mul3A_185, %gather3A_174 : vector<16xi32>
    %swap3A_187 = arith.constant 64 : index
    %swap3A_188 = tpu.vector_load %arg7[%swap3A_187] {strides = array<i32>} : memref<256xi32, #tpu.memory_space<vmem>>, vector<16xi32>,
    tpu.vector_store %arg7[%swap3A_187], %add3A_186 {strides = array<i32>} : memref<256xi32, #tpu.memory_space<vmem>>, vector<16xi32>,
    %mul3A_189 = arith.constant 4 : i32
    %mul3A_190 = vector.broadcast %mul3A_189 : i32 to vector<16xi32>
    %mul3A_191 = arith.muli %iota3A, %mul3A_190 : vector<16xi32>
    %add3A_192 = arith.constant 320 : i32
    %add3A_193 = vector.broadcast %add3A_192 : i32 to vector<16xi32>
    %add3A_194 = arith.addi %mul3A_191, %add3A_193 : vector<16xi32>
    %gather3A_195 = tpu.vector_load_idx %arg5[%add3A_194] : memref<1024xi32, #tpu.memory_space<vmem>>[vector<16xi32>], vector<16xi32>,
    %add3A_196 = arith.constant 1 : i32
    %add3A_197 = vector.broadcast %add3A_196 : i32 to vector<16xi32>
    %add3A_198 = arith.addi %add3A_194, %add3A_197 : vector<16xi32>
    %gather3A_199 = tpu.vector_load_idx %arg5[%add3A_198] : memref<1024xi32, #tpu.memory_space<vmem>>[vector<16xi32>], vector<16xi32>,
    %add3A_200 = arith.constant 2 : i32
    %add3A_201 = vector.broadcast %add3A_200 : i32 to vector<16xi32>
    %add3A_202 = arith.addi %add3A_194, %add3A_201 : vector<16xi32>
    %gather3A_203 = tpu.vector_load_idx %arg5[%add3A_202] : memref<1024xi32, #tpu.memory_space<vmem>>[vector<16xi32>], vector<16xi32>,
    %add3A_204 = arith.constant 3 : i32
    %add3A_205 = vector.broadcast %add3A_204 : i32 to vector<16xi32>
    %add3A_206 = arith.addi %add3A_194, %add3A_205 : vector<16xi32>
    %gather3A_207 = tpu.vector_load_idx %arg5[%add3A_206] : memref<1024xi32, #tpu.memory_space<vmem>>[vector<16xi32>], vector<16xi32>,
    %mul3A_208 = arith.constant 6 : i32
    %mul3A_209 = vector.broadcast %mul3A_208 : i32 to vector<16xi32>
    %mul3A_210 = arith.muli %gather3A_195, %mul3A_209 : vector<16xi32>
    %add3A_211 = arith.addi %mul3A_210, %gather3A_199 : vector<16xi32>
    %mul3A_212 = arith.constant 6 : i32
    %mul3A_213 = vector.broadcast %mul3A_212 : i32 to vector<16xi32>
    %mul3A_214 = arith.muli %add3A_211, %mul3A_213 : vector<16xi32>
    %add3A_215 = arith.addi %mul3A_214, %gather3A_203 : vector<16xi32>
    %mul3A_216 = arith.constant 6 : i32
    %mul3A_217 = vector.broadcast %mul3A_216 : i32 to vector<16xi32>
    %mul3A_218 = arith.muli %add3A_215, %mul3A_217 : vector<16xi32>
    %add3A_219 = arith.addi %mul3A_218, %gather3A_207 : vector<16xi32>
    %swap3A_220 = arith.constant 80 : index
    %swap3A_221 = tpu.vector_load %arg7[%swap3A_220] {strides = array<i32>} : memref<256xi32, #tpu.memory_space<vmem>>, vector<16xi32>,
    tpu.vector_store %arg7[%swap3A_220], %add3A_219 {strides = array<i32>} : memref<256xi32, #tpu.memory_space<vmem>>, vector<16xi32>,
    %mul3A_222 = arith.constant 4 : i32
    %mul3A_223 = vector.broadcast %mul3A_222 : i32 to vector<16xi32>
    %mul3A_224 = arith.muli %iota3A, %mul3A_223 : vector<16xi32>
    %add3A_225 = arith.constant 384 : i32
    %add3A_226 = vector.broadcast %add3A_225 : i32 to vector<16xi32>
    %add3A_227 = arith.addi %mul3A_224, %add3A_226 : vector<16xi32>
    %gather3A_228 = tpu.vector_load_idx %arg5[%add3A_227] : memref<1024xi32, #tpu.memory_space<vmem>>[vector<16xi32>], vector<16xi32>,
    %add3A_229 = arith.constant 1 : i32
    %add3A_230 = vector.broadcast %add3A_229 : i32 to vector<16xi32>
    %add3A_231 = arith.addi %add3A_227, %add3A_230 : vector<16xi32>
    %gather3A_232 = tpu.vector_load_idx %arg5[%add3A_231] : memref<1024xi32, #tpu.memory_space<vmem>>[vector<16xi32>], vector<16xi32>,
    %add3A_233 = arith.constant 2 : i32
    %add3A_234 = vector.broadcast %add3A_233 : i32 to vector<16xi32>
    %add3A_235 = arith.addi %add3A_227, %add3A_234 : vector<16xi32>
    %gather3A_236 = tpu.vector_load_idx %arg5[%add3A_235] : memref<1024xi32, #tpu.memory_space<vmem>>[vector<16xi32>], vector<16xi32>,
    %add3A_237 = arith.constant 3 : i32
    %add3A_238 = vector.broadcast %add3A_237 : i32 to vector<16xi32>
    %add3A_239 = arith.addi %add3A_227, %add3A_238 : vector<16xi32>
    %gather3A_240 = tpu.vector_load_idx %arg5[%add3A_239] : memref<1024xi32, #tpu.memory_space<vmem>>[vector<16xi32>], vector<16xi32>,
    %mul3A_241 = arith.constant 6 : i32
    %mul3A_242 = vector.broadcast %mul3A_241 : i32 to vector<16xi32>
    %mul3A_243 = arith.muli %gather3A_228, %mul3A_242 : vector<16xi32>
    %add3A_244 = arith.addi %mul3A_243, %gather3A_232 : vector<16xi32>
    %mul3A_245 = arith.constant 6 : i32
    %mul3A_246 = vector.broadcast %mul3A_245 : i32 to vector<16xi32>
    %mul3A_247 = arith.muli %add3A_244, %mul3A_246 : vector<16xi32>
    %add3A_248 = arith.addi %mul3A_247, %gather3A_236 : vector<16xi32>
    %mul3A_249 = arith.constant 6 : i32
    %mul3A_250 = vector.broadcast %mul3A_249 : i32 to vector<16xi32>
    %mul3A_251 = arith.muli %add3A_248, %mul3A_250 : vector<16xi32>
    %add3A_252 = arith.addi %mul3A_251, %gather3A_240 : vector<16xi32>
    %swap3A_253 = arith.constant 96 : index
    %swap3A_254 = tpu.vector_load %arg7[%swap3A_253] {strides = array<i32>} : memref<256xi32, #tpu.memory_space<vmem>>, vector<16xi32>,
    tpu.vector_store %arg7[%swap3A_253], %add3A_252 {strides = array<i32>} : memref<256xi32, #tpu.memory_space<vmem>>, vector<16xi32>,
    %mul3A_255 = arith.constant 4 : i32
    %mul3A_256 = vector.broadcast %mul3A_255 : i32 to vector<16xi32>
    %mul3A_257 = arith.muli %iota3A, %mul3A_256 : vector<16xi32>
    %add3A_258 = arith.constant 448 : i32
    %add3A_259 = vector.broadcast %add3A_258 : i32 to vector<16xi32>
    %add3A_260 = arith.addi %mul3A_257, %add3A_259 : vector<16xi32>
    %gather3A_261 = tpu.vector_load_idx %arg5[%add3A_260] : memref<1024xi32, #tpu.memory_space<vmem>>[vector<16xi32>], vector<16xi32>,
    %add3A_262 = arith.constant 1 : i32
    %add3A_263 = vector.broadcast %add3A_262 : i32 to vector<16xi32>
    %add3A_264 = arith.addi %add3A_260, %add3A_263 : vector<16xi32>
    %gather3A_265 = tpu.vector_load_idx %arg5[%add3A_264] : memref<1024xi32, #tpu.memory_space<vmem>>[vector<16xi32>], vector<16xi32>,
    %add3A_266 = arith.constant 2 : i32
    %add3A_267 = vector.broadcast %add3A_266 : i32 to vector<16xi32>
    %add3A_268 = arith.addi %add3A_260, %add3A_267 : vector<16xi32>
    %gather3A_269 = tpu.vector_load_idx %arg5[%add3A_268] : memref<1024xi32, #tpu.memory_space<vmem>>[vector<16xi32>], vector<16xi32>,
    %add3A_270 = arith.constant 3 : i32
    %add3A_271 = vector.broadcast %add3A_270 : i32 to vector<16xi32>
    %add3A_272 = arith.addi %add3A_260, %add3A_271 : vector<16xi32>
    %gather3A_273 = tpu.vector_load_idx %arg5[%add3A_272] : memref<1024xi32, #tpu.memory_space<vmem>>[vector<16xi32>], vector<16xi32>,
    %mul3A_274 = arith.constant 6 : i32
    %mul3A_275 = vector.broadcast %mul3A_274 : i32 to vector<16xi32>
    %mul3A_276 = arith.muli %gather3A_261, %mul3A_275 : vector<16xi32>
    %add3A_277 = arith.addi %mul3A_276, %gather3A_265 : vector<16xi32>
    %mul3A_278 = arith.constant 6 : i32
    %mul3A_279 = vector.broadcast %mul3A_278 : i32 to vector<16xi32>
    %mul3A_280 = arith.muli %add3A_277, %mul3A_279 : vector<16xi32>
    %add3A_281 = arith.addi %mul3A_280, %gather3A_269 : vector<16xi32>
    %mul3A_282 = arith.constant 6 : i32
    %mul3A_283 = vector.broadcast %mul3A_282 : i32 to vector<16xi32>
    %mul3A_284 = arith.muli %add3A_281, %mul3A_283 : vector<16xi32>
    %add3A_285 = arith.addi %mul3A_284, %gather3A_273 : vector<16xi32>
    %swap3A_286 = arith.constant 112 : index
    %swap3A_287 = tpu.vector_load %arg7[%swap3A_286] {strides = array<i32>} : memref<256xi32, #tpu.memory_space<vmem>>, vector<16xi32>,
    tpu.vector_store %arg7[%swap3A_286], %add3A_285 {strides = array<i32>} : memref<256xi32, #tpu.memory_space<vmem>>, vector<16xi32>,
    %mul3A_288 = arith.constant 4 : i32
    %mul3A_289 = vector.broadcast %mul3A_288 : i32 to vector<16xi32>
    %mul3A_290 = arith.muli %iota3A, %mul3A_289 : vector<16xi32>
    %add3A_291 = arith.constant 512 : i32
    %add3A_292 = vector.broadcast %add3A_291 : i32 to vector<16xi32>
    %add3A_293 = arith.addi %mul3A_290, %add3A_292 : vector<16xi32>
    %gather3A_294 = tpu.vector_load_idx %arg5[%add3A_293] : memref<1024xi32, #tpu.memory_space<vmem>>[vector<16xi32>], vector<16xi32>,
    %add3A_295 = arith.constant 1 : i32
    %add3A_296 = vector.broadcast %add3A_295 : i32 to vector<16xi32>
    %add3A_297 = arith.addi %add3A_293, %add3A_296 : vector<16xi32>
    %gather3A_298 = tpu.vector_load_idx %arg5[%add3A_297] : memref<1024xi32, #tpu.memory_space<vmem>>[vector<16xi32>], vector<16xi32>,
    %add3A_299 = arith.constant 2 : i32
    %add3A_300 = vector.broadcast %add3A_299 : i32 to vector<16xi32>
    %add3A_301 = arith.addi %add3A_293, %add3A_300 : vector<16xi32>
    %gather3A_302 = tpu.vector_load_idx %arg5[%add3A_301] : memref<1024xi32, #tpu.memory_space<vmem>>[vector<16xi32>], vector<16xi32>,
    %add3A_303 = arith.constant 3 : i32
    %add3A_304 = vector.broadcast %add3A_303 : i32 to vector<16xi32>
    %add3A_305 = arith.addi %add3A_293, %add3A_304 : vector<16xi32>
    %gather3A_306 = tpu.vector_load_idx %arg5[%add3A_305] : memref<1024xi32, #tpu.memory_space<vmem>>[vector<16xi32>], vector<16xi32>,
    %mul3A_307 = arith.constant 6 : i32
    %mul3A_308 = vector.broadcast %mul3A_307 : i32 to vector<16xi32>
    %mul3A_309 = arith.muli %gather3A_294, %mul3A_308 : vector<16xi32>
    %add3A_310 = arith.addi %mul3A_309, %gather3A_298 : vector<16xi32>
    %mul3A_311 = arith.constant 6 : i32
    %mul3A_312 = vector.broadcast %mul3A_311 : i32 to vector<16xi32>
    %mul3A_313 = arith.muli %add3A_310, %mul3A_312 : vector<16xi32>
    %add3A_314 = arith.addi %mul3A_313, %gather3A_302 : vector<16xi32>
    %mul3A_315 = arith.constant 6 : i32
    %mul3A_316 = vector.broadcast %mul3A_315 : i32 to vector<16xi32>
    %mul3A_317 = arith.muli %add3A_314, %mul3A_316 : vector<16xi32>
    %add3A_318 = arith.addi %mul3A_317, %gather3A_306 : vector<16xi32>
    %swap3A_319 = arith.constant 128 : index
    %swap3A_320 = tpu.vector_load %arg7[%swap3A_319] {strides = array<i32>} : memref<256xi32, #tpu.memory_space<vmem>>, vector<16xi32>,
    tpu.vector_store %arg7[%swap3A_319], %add3A_318 {strides = array<i32>} : memref<256xi32, #tpu.memory_space<vmem>>, vector<16xi32>,
    %mul3A_321 = arith.constant 4 : i32
    %mul3A_322 = vector.broadcast %mul3A_321 : i32 to vector<16xi32>
    %mul3A_323 = arith.muli %iota3A, %mul3A_322 : vector<16xi32>
    %add3A_324 = arith.constant 576 : i32
    %add3A_325 = vector.broadcast %add3A_324 : i32 to vector<16xi32>
    %add3A_326 = arith.addi %mul3A_323, %add3A_325 : vector<16xi32>
    %gather3A_327 = tpu.vector_load_idx %arg5[%add3A_326] : memref<1024xi32, #tpu.memory_space<vmem>>[vector<16xi32>], vector<16xi32>,
    %add3A_328 = arith.constant 1 : i32
    %add3A_329 = vector.broadcast %add3A_328 : i32 to vector<16xi32>
    %add3A_330 = arith.addi %add3A_326, %add3A_329 : vector<16xi32>
    %gather3A_331 = tpu.vector_load_idx %arg5[%add3A_330] : memref<1024xi32, #tpu.memory_space<vmem>>[vector<16xi32>], vector<16xi32>,
    %add3A_332 = arith.constant 2 : i32
    %add3A_333 = vector.broadcast %add3A_332 : i32 to vector<16xi32>
    %add3A_334 = arith.addi %add3A_326, %add3A_333 : vector<16xi32>
    %gather3A_335 = tpu.vector_load_idx %arg5[%add3A_334] : memref<1024xi32, #tpu.memory_space<vmem>>[vector<16xi32>], vector<16xi32>,
    %add3A_336 = arith.constant 3 : i32
    %add3A_337 = vector.broadcast %add3A_336 : i32 to vector<16xi32>
    %add3A_338 = arith.addi %add3A_326, %add3A_337 : vector<16xi32>
    %gather3A_339 = tpu.vector_load_idx %arg5[%add3A_338] : memref<1024xi32, #tpu.memory_space<vmem>>[vector<16xi32>], vector<16xi32>,
    %mul3A_340 = arith.constant 6 : i32
    %mul3A_341 = vector.broadcast %mul3A_340 : i32 to vector<16xi32>
    %mul3A_342 = arith.muli %gather3A_327, %mul3A_341 : vector<16xi32>
    %add3A_343 = arith.addi %mul3A_342, %gather3A_331 : vector<16xi32>
    %mul3A_344 = arith.constant 6 : i32
    %mul3A_345 = vector.broadcast %mul3A_344 : i32 to vector<16xi32>
    %mul3A_346 = arith.muli %add3A_343, %mul3A_345 : vector<16xi32>
    %add3A_347 = arith.addi %mul3A_346, %gather3A_335 : vector<16xi32>
    %mul3A_348 = arith.constant 6 : i32
    %mul3A_349 = vector.broadcast %mul3A_348 : i32 to vector<16xi32>
    %mul3A_350 = arith.muli %add3A_347, %mul3A_349 : vector<16xi32>
    %add3A_351 = arith.addi %mul3A_350, %gather3A_339 : vector<16xi32>
    %swap3A_352 = arith.constant 144 : index
    %swap3A_353 = tpu.vector_load %arg7[%swap3A_352] {strides = array<i32>} : memref<256xi32, #tpu.memory_space<vmem>>, vector<16xi32>,
    tpu.vector_store %arg7[%swap3A_352], %add3A_351 {strides = array<i32>} : memref<256xi32, #tpu.memory_space<vmem>>, vector<16xi32>,
    %mul3A_354 = arith.constant 4 : i32
    %mul3A_355 = vector.broadcast %mul3A_354 : i32 to vector<16xi32>
    %mul3A_356 = arith.muli %iota3A, %mul3A_355 : vector<16xi32>
    %add3A_357 = arith.constant 640 : i32
    %add3A_358 = vector.broadcast %add3A_357 : i32 to vector<16xi32>
    %add3A_359 = arith.addi %mul3A_356, %add3A_358 : vector<16xi32>
    %gather3A_360 = tpu.vector_load_idx %arg5[%add3A_359] : memref<1024xi32, #tpu.memory_space<vmem>>[vector<16xi32>], vector<16xi32>,
    %add3A_361 = arith.constant 1 : i32
    %add3A_362 = vector.broadcast %add3A_361 : i32 to vector<16xi32>
    %add3A_363 = arith.addi %add3A_359, %add3A_362 : vector<16xi32>
    %gather3A_364 = tpu.vector_load_idx %arg5[%add3A_363] : memref<1024xi32, #tpu.memory_space<vmem>>[vector<16xi32>], vector<16xi32>,
    %add3A_365 = arith.constant 2 : i32
    %add3A_366 = vector.broadcast %add3A_365 : i32 to vector<16xi32>
    %add3A_367 = arith.addi %add3A_359, %add3A_366 : vector<16xi32>
    %gather3A_368 = tpu.vector_load_idx %arg5[%add3A_367] : memref<1024xi32, #tpu.memory_space<vmem>>[vector<16xi32>], vector<16xi32>,
    %add3A_369 = arith.constant 3 : i32
    %add3A_370 = vector.broadcast %add3A_369 : i32 to vector<16xi32>
    %add3A_371 = arith.addi %add3A_359, %add3A_370 : vector<16xi32>
    %gather3A_372 = tpu.vector_load_idx %arg5[%add3A_371] : memref<1024xi32, #tpu.memory_space<vmem>>[vector<16xi32>], vector<16xi32>,
    %mul3A_373 = arith.constant 6 : i32
    %mul3A_374 = vector.broadcast %mul3A_373 : i32 to vector<16xi32>
    %mul3A_375 = arith.muli %gather3A_360, %mul3A_374 : vector<16xi32>
    %add3A_376 = arith.addi %mul3A_375, %gather3A_364 : vector<16xi32>
    %mul3A_377 = arith.constant 6 : i32
    %mul3A_378 = vector.broadcast %mul3A_377 : i32 to vector<16xi32>
    %mul3A_379 = arith.muli %add3A_376, %mul3A_378 : vector<16xi32>
    %add3A_380 = arith.addi %mul3A_379, %gather3A_368 : vector<16xi32>
    %mul3A_381 = arith.constant 6 : i32
    %mul3A_382 = vector.broadcast %mul3A_381 : i32 to vector<16xi32>
    %mul3A_383 = arith.muli %add3A_380, %mul3A_382 : vector<16xi32>
    %add3A_384 = arith.addi %mul3A_383, %gather3A_372 : vector<16xi32>
    %swap3A_385 = arith.constant 160 : index
    %swap3A_386 = tpu.vector_load %arg7[%swap3A_385] {strides = array<i32>} : memref<256xi32, #tpu.memory_space<vmem>>, vector<16xi32>,
    tpu.vector_store %arg7[%swap3A_385], %add3A_384 {strides = array<i32>} : memref<256xi32, #tpu.memory_space<vmem>>, vector<16xi32>,
    %mul3A_387 = arith.constant 4 : i32
    %mul3A_388 = vector.broadcast %mul3A_387 : i32 to vector<16xi32>
    %mul3A_389 = arith.muli %iota3A, %mul3A_388 : vector<16xi32>
    %add3A_390 = arith.constant 704 : i32
    %add3A_391 = vector.broadcast %add3A_390 : i32 to vector<16xi32>
    %add3A_392 = arith.addi %mul3A_389, %add3A_391 : vector<16xi32>
    %gather3A_393 = tpu.vector_load_idx %arg5[%add3A_392] : memref<1024xi32, #tpu.memory_space<vmem>>[vector<16xi32>], vector<16xi32>,
    %add3A_394 = arith.constant 1 : i32
    %add3A_395 = vector.broadcast %add3A_394 : i32 to vector<16xi32>
    %add3A_396 = arith.addi %add3A_392, %add3A_395 : vector<16xi32>
    %gather3A_397 = tpu.vector_load_idx %arg5[%add3A_396] : memref<1024xi32, #tpu.memory_space<vmem>>[vector<16xi32>], vector<16xi32>,
    %add3A_398 = arith.constant 2 : i32
    %add3A_399 = vector.broadcast %add3A_398 : i32 to vector<16xi32>
    %add3A_400 = arith.addi %add3A_392, %add3A_399 : vector<16xi32>
    %gather3A_401 = tpu.vector_load_idx %arg5[%add3A_400] : memref<1024xi32, #tpu.memory_space<vmem>>[vector<16xi32>], vector<16xi32>,
    %add3A_402 = arith.constant 3 : i32
    %add3A_403 = vector.broadcast %add3A_402 : i32 to vector<16xi32>
    %add3A_404 = arith.addi %add3A_392, %add3A_403 : vector<16xi32>
    %gather3A_405 = tpu.vector_load_idx %arg5[%add3A_404] : memref<1024xi32, #tpu.memory_space<vmem>>[vector<16xi32>], vector<16xi32>,
    %mul3A_406 = arith.constant 6 : i32
    %mul3A_407 = vector.broadcast %mul3A_406 : i32 to vector<16xi32>
    %mul3A_408 = arith.muli %gather3A_393, %mul3A_407 : vector<16xi32>
    %add3A_409 = arith.addi %mul3A_408, %gather3A_397 : vector<16xi32>
    %mul3A_410 = arith.constant 6 : i32
    %mul3A_411 = vector.broadcast %mul3A_410 : i32 to vector<16xi32>
    %mul3A_412 = arith.muli %add3A_409, %mul3A_411 : vector<16xi32>
    %add3A_413 = arith.addi %mul3A_412, %gather3A_401 : vector<16xi32>
    %mul3A_414 = arith.constant 6 : i32
    %mul3A_415 = vector.broadcast %mul3A_414 : i32 to vector<16xi32>
    %mul3A_416 = arith.muli %add3A_413, %mul3A_415 : vector<16xi32>
    %add3A_417 = arith.addi %mul3A_416, %gather3A_405 : vector<16xi32>
    %swap3A_418 = arith.constant 176 : index
    %swap3A_419 = tpu.vector_load %arg7[%swap3A_418] {strides = array<i32>} : memref<256xi32, #tpu.memory_space<vmem>>, vector<16xi32>,
    tpu.vector_store %arg7[%swap3A_418], %add3A_417 {strides = array<i32>} : memref<256xi32, #tpu.memory_space<vmem>>, vector<16xi32>,
    %mul3A_420 = arith.constant 4 : i32
    %mul3A_421 = vector.broadcast %mul3A_420 : i32 to vector<16xi32>
    %mul3A_422 = arith.muli %iota3A, %mul3A_421 : vector<16xi32>
    %add3A_423 = arith.constant 768 : i32
    %add3A_424 = vector.broadcast %add3A_423 : i32 to vector<16xi32>
    %add3A_425 = arith.addi %mul3A_422, %add3A_424 : vector<16xi32>
    %gather3A_426 = tpu.vector_load_idx %arg5[%add3A_425] : memref<1024xi32, #tpu.memory_space<vmem>>[vector<16xi32>], vector<16xi32>,
    %add3A_427 = arith.constant 1 : i32
    %add3A_428 = vector.broadcast %add3A_427 : i32 to vector<16xi32>
    %add3A_429 = arith.addi %add3A_425, %add3A_428 : vector<16xi32>
    %gather3A_430 = tpu.vector_load_idx %arg5[%add3A_429] : memref<1024xi32, #tpu.memory_space<vmem>>[vector<16xi32>], vector<16xi32>,
    %add3A_431 = arith.constant 2 : i32
    %add3A_432 = vector.broadcast %add3A_431 : i32 to vector<16xi32>
    %add3A_433 = arith.addi %add3A_425, %add3A_432 : vector<16xi32>
    %gather3A_434 = tpu.vector_load_idx %arg5[%add3A_433] : memref<1024xi32, #tpu.memory_space<vmem>>[vector<16xi32>], vector<16xi32>,
    %add3A_435 = arith.constant 3 : i32
    %add3A_436 = vector.broadcast %add3A_435 : i32 to vector<16xi32>
    %add3A_437 = arith.addi %add3A_425, %add3A_436 : vector<16xi32>
    %gather3A_438 = tpu.vector_load_idx %arg5[%add3A_437] : memref<1024xi32, #tpu.memory_space<vmem>>[vector<16xi32>], vector<16xi32>,
    %mul3A_439 = arith.constant 6 : i32
    %mul3A_440 = vector.broadcast %mul3A_439 : i32 to vector<16xi32>
    %mul3A_441 = arith.muli %gather3A_426, %mul3A_440 : vector<16xi32>
    %add3A_442 = arith.addi %mul3A_441, %gather3A_430 : vector<16xi32>
    %mul3A_443 = arith.constant 6 : i32
    %mul3A_444 = vector.broadcast %mul3A_443 : i32 to vector<16xi32>
    %mul3A_445 = arith.muli %add3A_442, %mul3A_444 : vector<16xi32>
    %add3A_446 = arith.addi %mul3A_445, %gather3A_434 : vector<16xi32>
    %mul3A_447 = arith.constant 6 : i32
    %mul3A_448 = vector.broadcast %mul3A_447 : i32 to vector<16xi32>
    %mul3A_449 = arith.muli %add3A_446, %mul3A_448 : vector<16xi32>
    %add3A_450 = arith.addi %mul3A_449, %gather3A_438 : vector<16xi32>
    %swap3A_451 = arith.constant 192 : index
    %swap3A_452 = tpu.vector_load %arg7[%swap3A_451] {strides = array<i32>} : memref<256xi32, #tpu.memory_space<vmem>>, vector<16xi32>,
    tpu.vector_store %arg7[%swap3A_451], %add3A_450 {strides = array<i32>} : memref<256xi32, #tpu.memory_space<vmem>>, vector<16xi32>,
    %mul3A_453 = arith.constant 4 : i32
    %mul3A_454 = vector.broadcast %mul3A_453 : i32 to vector<16xi32>
    %mul3A_455 = arith.muli %iota3A, %mul3A_454 : vector<16xi32>
    %add3A_456 = arith.constant 832 : i32
    %add3A_457 = vector.broadcast %add3A_456 : i32 to vector<16xi32>
    %add3A_458 = arith.addi %mul3A_455, %add3A_457 : vector<16xi32>
    %gather3A_459 = tpu.vector_load_idx %arg5[%add3A_458] : memref<1024xi32, #tpu.memory_space<vmem>>[vector<16xi32>], vector<16xi32>,
    %add3A_460 = arith.constant 1 : i32
    %add3A_461 = vector.broadcast %add3A_460 : i32 to vector<16xi32>
    %add3A_462 = arith.addi %add3A_458, %add3A_461 : vector<16xi32>
    %gather3A_463 = tpu.vector_load_idx %arg5[%add3A_462] : memref<1024xi32, #tpu.memory_space<vmem>>[vector<16xi32>], vector<16xi32>,
    %add3A_464 = arith.constant 2 : i32
    %add3A_465 = vector.broadcast %add3A_464 : i32 to vector<16xi32>
    %add3A_466 = arith.addi %add3A_458, %add3A_465 : vector<16xi32>
    %gather3A_467 = tpu.vector_load_idx %arg5[%add3A_466] : memref<1024xi32, #tpu.memory_space<vmem>>[vector<16xi32>], vector<16xi32>,
    %add3A_468 = arith.constant 3 : i32
    %add3A_469 = vector.broadcast %add3A_468 : i32 to vector<16xi32>
    %add3A_470 = arith.addi %add3A_458, %add3A_469 : vector<16xi32>
    %gather3A_471 = tpu.vector_load_idx %arg5[%add3A_470] : memref<1024xi32, #tpu.memory_space<vmem>>[vector<16xi32>], vector<16xi32>,
    %mul3A_472 = arith.constant 6 : i32
    %mul3A_473 = vector.broadcast %mul3A_472 : i32 to vector<16xi32>
    %mul3A_474 = arith.muli %gather3A_459, %mul3A_473 : vector<16xi32>
    %add3A_475 = arith.addi %mul3A_474, %gather3A_463 : vector<16xi32>
    %mul3A_476 = arith.constant 6 : i32
    %mul3A_477 = vector.broadcast %mul3A_476 : i32 to vector<16xi32>
    %mul3A_478 = arith.muli %add3A_475, %mul3A_477 : vector<16xi32>
    %add3A_479 = arith.addi %mul3A_478, %gather3A_467 : vector<16xi32>
    %mul3A_480 = arith.constant 6 : i32
    %mul3A_481 = vector.broadcast %mul3A_480 : i32 to vector<16xi32>
    %mul3A_482 = arith.muli %add3A_479, %mul3A_481 : vector<16xi32>
    %add3A_483 = arith.addi %mul3A_482, %gather3A_471 : vector<16xi32>
    %swap3A_484 = arith.constant 208 : index
    %swap3A_485 = tpu.vector_load %arg7[%swap3A_484] {strides = array<i32>} : memref<256xi32, #tpu.memory_space<vmem>>, vector<16xi32>,
    tpu.vector_store %arg7[%swap3A_484], %add3A_483 {strides = array<i32>} : memref<256xi32, #tpu.memory_space<vmem>>, vector<16xi32>,
    %mul3A_486 = arith.constant 4 : i32
    %mul3A_487 = vector.broadcast %mul3A_486 : i32 to vector<16xi32>
    %mul3A_488 = arith.muli %iota3A, %mul3A_487 : vector<16xi32>
    %add3A_489 = arith.constant 896 : i32
    %add3A_490 = vector.broadcast %add3A_489 : i32 to vector<16xi32>
    %add3A_491 = arith.addi %mul3A_488, %add3A_490 : vector<16xi32>
    %gather3A_492 = tpu.vector_load_idx %arg5[%add3A_491] : memref<1024xi32, #tpu.memory_space<vmem>>[vector<16xi32>], vector<16xi32>,
    %add3A_493 = arith.constant 1 : i32
    %add3A_494 = vector.broadcast %add3A_493 : i32 to vector<16xi32>
    %add3A_495 = arith.addi %add3A_491, %add3A_494 : vector<16xi32>
    %gather3A_496 = tpu.vector_load_idx %arg5[%add3A_495] : memref<1024xi32, #tpu.memory_space<vmem>>[vector<16xi32>], vector<16xi32>,
    %add3A_497 = arith.constant 2 : i32
    %add3A_498 = vector.broadcast %add3A_497 : i32 to vector<16xi32>
    %add3A_499 = arith.addi %add3A_491, %add3A_498 : vector<16xi32>
    %gather3A_500 = tpu.vector_load_idx %arg5[%add3A_499] : memref<1024xi32, #tpu.memory_space<vmem>>[vector<16xi32>], vector<16xi32>,
    %add3A_501 = arith.constant 3 : i32
    %add3A_502 = vector.broadcast %add3A_501 : i32 to vector<16xi32>
    %add3A_503 = arith.addi %add3A_491, %add3A_502 : vector<16xi32>
    %gather3A_504 = tpu.vector_load_idx %arg5[%add3A_503] : memref<1024xi32, #tpu.memory_space<vmem>>[vector<16xi32>], vector<16xi32>,
    %mul3A_505 = arith.constant 6 : i32
    %mul3A_506 = vector.broadcast %mul3A_505 : i32 to vector<16xi32>
    %mul3A_507 = arith.muli %gather3A_492, %mul3A_506 : vector<16xi32>
    %add3A_508 = arith.addi %mul3A_507, %gather3A_496 : vector<16xi32>
    %mul3A_509 = arith.constant 6 : i32
    %mul3A_510 = vector.broadcast %mul3A_509 : i32 to vector<16xi32>
    %mul3A_511 = arith.muli %add3A_508, %mul3A_510 : vector<16xi32>
    %add3A_512 = arith.addi %mul3A_511, %gather3A_500 : vector<16xi32>
    %mul3A_513 = arith.constant 6 : i32
    %mul3A_514 = vector.broadcast %mul3A_513 : i32 to vector<16xi32>
    %mul3A_515 = arith.muli %add3A_512, %mul3A_514 : vector<16xi32>
    %add3A_516 = arith.addi %mul3A_515, %gather3A_504 : vector<16xi32>
    %swap3A_517 = arith.constant 224 : index
    %swap3A_518 = tpu.vector_load %arg7[%swap3A_517] {strides = array<i32>} : memref<256xi32, #tpu.memory_space<vmem>>, vector<16xi32>,
    tpu.vector_store %arg7[%swap3A_517], %add3A_516 {strides = array<i32>} : memref<256xi32, #tpu.memory_space<vmem>>, vector<16xi32>,
    %mul3A_519 = arith.constant 4 : i32
    %mul3A_520 = vector.broadcast %mul3A_519 : i32 to vector<16xi32>
    %mul3A_521 = arith.muli %iota3A, %mul3A_520 : vector<16xi32>
    %add3A_522 = arith.constant 960 : i32
    %add3A_523 = vector.broadcast %add3A_522 : i32 to vector<16xi32>
    %add3A_524 = arith.addi %mul3A_521, %add3A_523 : vector<16xi32>
    %gather3A_525 = tpu.vector_load_idx %arg5[%add3A_524] : memref<1024xi32, #tpu.memory_space<vmem>>[vector<16xi32>], vector<16xi32>,
    %add3A_526 = arith.constant 1 : i32
    %add3A_527 = vector.broadcast %add3A_526 : i32 to vector<16xi32>
    %add3A_528 = arith.addi %add3A_524, %add3A_527 : vector<16xi32>
    %gather3A_529 = tpu.vector_load_idx %arg5[%add3A_528] : memref<1024xi32, #tpu.memory_space<vmem>>[vector<16xi32>], vector<16xi32>,
    %add3A_530 = arith.constant 2 : i32
    %add3A_531 = vector.broadcast %add3A_530 : i32 to vector<16xi32>
    %add3A_532 = arith.addi %add3A_524, %add3A_531 : vector<16xi32>
    %gather3A_533 = tpu.vector_load_idx %arg5[%add3A_532] : memref<1024xi32, #tpu.memory_space<vmem>>[vector<16xi32>], vector<16xi32>,
    %add3A_534 = arith.constant 3 : i32
    %add3A_535 = vector.broadcast %add3A_534 : i32 to vector<16xi32>
    %add3A_536 = arith.addi %add3A_524, %add3A_535 : vector<16xi32>
    %gather3A_537 = tpu.vector_load_idx %arg5[%add3A_536] : memref<1024xi32, #tpu.memory_space<vmem>>[vector<16xi32>], vector<16xi32>,
    %mul3A_538 = arith.constant 6 : i32
    %mul3A_539 = vector.broadcast %mul3A_538 : i32 to vector<16xi32>
    %mul3A_540 = arith.muli %gather3A_525, %mul3A_539 : vector<16xi32>
    %add3A_541 = arith.addi %mul3A_540, %gather3A_529 : vector<16xi32>
    %mul3A_542 = arith.constant 6 : i32
    %mul3A_543 = vector.broadcast %mul3A_542 : i32 to vector<16xi32>
    %mul3A_544 = arith.muli %add3A_541, %mul3A_543 : vector<16xi32>
    %add3A_545 = arith.addi %mul3A_544, %gather3A_533 : vector<16xi32>
    %mul3A_546 = arith.constant 6 : i32
    %mul3A_547 = vector.broadcast %mul3A_546 : i32 to vector<16xi32>
    %mul3A_548 = arith.muli %add3A_545, %mul3A_547 : vector<16xi32>
    %add3A_549 = arith.addi %mul3A_548, %gather3A_537 : vector<16xi32>
    %swap3A_550 = arith.constant 240 : index
    %swap3A_551 = tpu.vector_load %arg7[%swap3A_550] {strides = array<i32>} : memref<256xi32, #tpu.memory_space<vmem>>, vector<16xi32>,
    tpu.vector_store %arg7[%swap3A_550], %add3A_549 {strides = array<i32>} : memref<256xi32, #tpu.memory_space<vmem>>, vector<16xi32>,
    %dma_start3A_552 = arith.constant 0 : i32
    %dma_start3A_553 = arith.constant 0 : i32
    %dma_start3A_554 = tpu.memref_slice %arg9[%dma_start3A_552, %dma_start3A_553] : memref<256x128xf32, #tpu.memory_space<vmem>> -> memref<128x128xf32, #tpu.memory_space<vmem>>
    %dma_start3A_555 = arith.constant 0 : i32
    %dma_start3A_556 = tpu.memref_slice %arg7[%dma_start3A_555] : memref<256xi32, #tpu.memory_space<vmem>> -> memref<128xi32, #tpu.memory_space<vmem>>
    %dma_start3A_557 = arith.constant 0 : i32
    %dma_start3A_558 = arith.constant 0 : i32
    %dma_start3A_559 = tpu.memref_slice %arg11[%dma_start3A_557, %dma_start3A_558] : memref<1296x128xf32, #tpu.memory_space<vmem_shared>> -> memref<1296x128xf32, #tpu.memory_space<vmem_shared>>
    tpu.enqueue_indirect_dma source(%dma_start3A_559 : memref<1296x128xf32, #tpu.memory_space<vmem_shared>>) target(%dma_start3A_554 : memref<128x128xf32, #tpu.memory_space<vmem>>) offsets(%dma_start3A_556 : memref<128xi32, #tpu.memory_space<vmem>>) semaphore(%arg14 : memref<!tpu.dma_semaphore, #tpu.memory_space<semaphore_mem>>)
    %dma_start3A_560 = arith.constant 128 : i32
    %dma_start3A_561 = arith.constant 0 : i32
    %dma_start3A_562 = tpu.memref_slice %arg9[%dma_start3A_560, %dma_start3A_561] : memref<256x128xf32, #tpu.memory_space<vmem>> -> memref<128x128xf32, #tpu.memory_space<vmem>>
    %dma_start3A_563 = arith.constant 128 : i32
    %dma_start3A_564 = tpu.memref_slice %arg7[%dma_start3A_563] : memref<256xi32, #tpu.memory_space<vmem>> -> memref<128xi32, #tpu.memory_space<vmem>>
    %dma_start3A_565 = arith.constant 0 : i32
    %dma_start3A_566 = arith.constant 0 : i32
    %dma_start3A_567 = tpu.memref_slice %arg11[%dma_start3A_565, %dma_start3A_566] : memref<1296x128xf32, #tpu.memory_space<vmem_shared>> -> memref<1296x128xf32, #tpu.memory_space<vmem_shared>>
    tpu.enqueue_indirect_dma source(%dma_start3A_567 : memref<1296x128xf32, #tpu.memory_space<vmem_shared>>) target(%dma_start3A_562 : memref<128x128xf32, #tpu.memory_space<vmem>>) offsets(%dma_start3A_564 : memref<128xi32, #tpu.memory_space<vmem>>) semaphore(%arg14 : memref<!tpu.dma_semaphore, #tpu.memory_space<semaphore_mem>>)
    %scan3A = arith.constant 0 : i32
    %scan3A_568 = arith.constant 0 : i32
    %scan3A_569 = arith.constant 50 : i32
    %scan3A_570 = arith.addi %scan3A_568, %scan3A_569 : i32
    %scan3A_571 = arith.constant 1 : i32
    scf.for %scan3A_587 = %scan3A_568 to %scan3A_570 step %scan3A_571  : i32 {
      %mul3A_588 = arith.constant 2 : i32
      %mul3A_589 = arith.muli %scan3A_587, %mul3A_588 : i32
      %dma_wait3A_590 = arith.constant 0 : i32
      %dma_wait3A_591 = arith.constant 0 : i32
      %dma_wait3A_592 = tpu.memref_slice %arg9[%dma_wait3A_590, %dma_wait3A_591] : memref<256x128xf32, #tpu.memory_space<vmem>> -> memref<128x128xf32, #tpu.memory_space<vmem>>
      %dma_wait3A_593 = arith.constant 0 : i32
      %dma_wait3A_594 = tpu.memref_slice %arg7[%dma_wait3A_593] : memref<256xi32, #tpu.memory_space<vmem>> -> memref<128xi32, #tpu.memory_space<vmem>>
      %dma_wait3A_595 = arith.constant 0 : i32
      %dma_wait3A_596 = arith.constant 0 : i32
      %dma_wait3A_597 = tpu.memref_slice %arg11[%dma_wait3A_595, %dma_wait3A_596] : memref<1296x128xf32, #tpu.memory_space<vmem_shared>> -> memref<1296x128xf32, #tpu.memory_space<vmem_shared>>
      tpu.wait_indirect_dma semaphore(%arg14 : memref<!tpu.dma_semaphore, #tpu.memory_space<semaphore_mem>>) src(%dma_wait3A_597 : memref<1296x128xf32, #tpu.memory_space<vmem_shared>>) dst(%dma_wait3A_592 : memref<128x128xf32, #tpu.memory_space<vmem>>)
      %dma_wait3A_598 = arith.constant 128 : i32
      %dma_wait3A_599 = arith.constant 0 : i32
      %dma_wait3A_600 = tpu.memref_slice %arg9[%dma_wait3A_598, %dma_wait3A_599] : memref<256x128xf32, #tpu.memory_space<vmem>> -> memref<128x128xf32, #tpu.memory_space<vmem>>
      %dma_wait3A_601 = arith.constant 128 : i32
      %dma_wait3A_602 = tpu.memref_slice %arg7[%dma_wait3A_601] : memref<256xi32, #tpu.memory_space<vmem>> -> memref<128xi32, #tpu.memory_space<vmem>>
      %dma_wait3A_603 = arith.constant 0 : i32
      %dma_wait3A_604 = arith.constant 0 : i32
      %dma_wait3A_605 = tpu.memref_slice %arg11[%dma_wait3A_603, %dma_wait3A_604] : memref<1296x128xf32, #tpu.memory_space<vmem_shared>> -> memref<1296x128xf32, #tpu.memory_space<vmem_shared>>
      tpu.wait_indirect_dma semaphore(%arg14 : memref<!tpu.dma_semaphore, #tpu.memory_space<semaphore_mem>>) src(%dma_wait3A_605 : memref<1296x128xf32, #tpu.memory_space<vmem_shared>>) dst(%dma_wait3A_600 : memref<128x128xf32, #tpu.memory_space<vmem>>)
      %mul3A_606 = arith.constant 256 : i32
      %mul3A_607 = arith.muli %mul3A_589, %mul3A_606 : i32
      %add3A_608 = arith.addi %mul3A_2, %mul3A_607 : i32
      %multiple_of3A_609 = tpu.assume_multiple %add3A_608, 256 : i32
      %dma_start3A_610 = arith.constant 0 : i32
      %dma_start3A_611 = tpu.memref_slice %arg4[%multiple_of3A_609, %dma_start3A_610] : memref<819200x128xf32, #tpu.memory_space<hbm>> -> memref<256x128xf32, #tpu.memory_space<hbm>>
      %dma_start3A_612 = arith.constant 0 : i32
      %dma_start3A_613 = tpu.memref_slice %arg4[%multiple_of3A_609, %dma_start3A_612] : memref<819200x128xf32, #tpu.memory_space<hbm>> -> memref<256x128xf32, #tpu.memory_space<hbm>>
      tpu.enqueue_dma source(%arg9 : memref<256x128xf32, #tpu.memory_space<vmem>>) target(%dma_start3A_613 : memref<256x128xf32, #tpu.memory_space<hbm>>) target_semaphore(%arg16 : memref<!tpu.dma_semaphore, #tpu.memory_space<semaphore_mem>>)
      %add3A_614 = arith.constant 2 : i32
      %add3A_615 = arith.addi %mul3A_589, %add3A_614 : i32
      %lt3A = arith.constant 100 : i32
      %lt3A_616 = arith.cmpi slt, %add3A_615, %lt3A : i32
      %convert_element_type3A_617 = arith.extui %lt3A_616 : i1 to i32
      %cond3A_618 = arith.constant 0 : i32
      %cond3A_619 = arith.cmpi ne, %convert_element_type3A_617, %cond3A_618 : i32
      scf.if %cond3A_619 {
        %add3A_1219 = arith.constant 2 : i32
        %add3A_1220 = arith.addi %mul3A_589, %add3A_1219 : i32
        %mul3A_1221 = arith.constant 256 : i32
        %mul3A_1222 = arith.muli %add3A_1220, %mul3A_1221 : i32
        %add3A_1223 = arith.addi %mul3A_2, %mul3A_1222 : i32
        %multiple_of3A_1224 = tpu.assume_multiple %add3A_1223, 256 : i32
        %mul3A_1225 = arith.constant 4 : i32
        %mul3A_1226 = arith.muli %multiple_of3A_1224, %mul3A_1225 : i32
        %multiple_of3A_1227 = tpu.assume_multiple %mul3A_1226, 1024 : i32
        %dma_start3A_1228 = tpu.memref_slice %arg2[%multiple_of3A_1227] : memref<3276800xi32, #tpu.memory_space<hbm>> -> memref<1024xi32, #tpu.memory_space<hbm>>
        %dma_start3A_1229 = tpu.memref_slice %arg2[%multiple_of3A_1227] : memref<3276800xi32, #tpu.memory_space<hbm>> -> memref<1024xi32, #tpu.memory_space<hbm>>
        tpu.enqueue_dma source(%dma_start3A_1229 : memref<1024xi32, #tpu.memory_space<hbm>>) target(%arg5 : memref<1024xi32, #tpu.memory_space<vmem>>) target_semaphore(%arg12 : memref<!tpu.dma_semaphore, #tpu.memory_space<semaphore_mem>>)
      } else {
      }
      %add3A_620 = arith.constant 1 : i32
      %add3A_621 = arith.addi %mul3A_589, %add3A_620 : i32
      %mul3A_622 = arith.constant 256 : i32
      %mul3A_623 = arith.muli %add3A_621, %mul3A_622 : i32
      %add3A_624 = arith.addi %mul3A_2, %mul3A_623 : i32
      %multiple_of3A_625 = tpu.assume_multiple %add3A_624, 256 : i32
      %mul3A_626 = arith.constant 4 : i32
      %mul3A_627 = arith.muli %multiple_of3A_625, %mul3A_626 : i32
      %multiple_of3A_628 = tpu.assume_multiple %mul3A_627, 1024 : i32
      %dma_wait3A_629 = tpu.memref_slice %arg2[%multiple_of3A_628] : memref<3276800xi32, #tpu.memory_space<hbm>> -> memref<1024xi32, #tpu.memory_space<hbm>>
      %dma_wait3A_630 = tpu.memref_slice %arg2[%multiple_of3A_628] : memref<3276800xi32, #tpu.memory_space<hbm>> -> memref<1024xi32, #tpu.memory_space<hbm>>
      tpu.wait_dma2 semaphore(%arg13 : memref<!tpu.dma_semaphore, #tpu.memory_space<semaphore_mem>>) src(%dma_wait3A_630 : memref<1024xi32, #tpu.memory_space<hbm>>) dst(%arg6 : memref<1024xi32, #tpu.memory_space<vmem>>)
      %mul3A_631 = arith.constant 4 : i32
      %mul3A_632 = vector.broadcast %mul3A_631 : i32 to vector<16xi32>
      %mul3A_633 = arith.muli %iota3A, %mul3A_632 : vector<16xi32>
      %add3A_634 = arith.constant 0 : i32
      %add3A_635 = vector.broadcast %add3A_634 : i32 to vector<16xi32>
      %add3A_636 = arith.addi %mul3A_633, %add3A_635 : vector<16xi32>
      %gather3A_637 = tpu.vector_load_idx %arg6[%add3A_636] : memref<1024xi32, #tpu.memory_space<vmem>>[vector<16xi32>], vector<16xi32>,
      %add3A_638 = arith.constant 1 : i32
      %add3A_639 = vector.broadcast %add3A_638 : i32 to vector<16xi32>
      %add3A_640 = arith.addi %add3A_636, %add3A_639 : vector<16xi32>
      %gather3A_641 = tpu.vector_load_idx %arg6[%add3A_640] : memref<1024xi32, #tpu.memory_space<vmem>>[vector<16xi32>], vector<16xi32>,
      %add3A_642 = arith.constant 2 : i32
      %add3A_643 = vector.broadcast %add3A_642 : i32 to vector<16xi32>
      %add3A_644 = arith.addi %add3A_636, %add3A_643 : vector<16xi32>
      %gather3A_645 = tpu.vector_load_idx %arg6[%add3A_644] : memref<1024xi32, #tpu.memory_space<vmem>>[vector<16xi32>], vector<16xi32>,
      %add3A_646 = arith.constant 3 : i32
      %add3A_647 = vector.broadcast %add3A_646 : i32 to vector<16xi32>
      %add3A_648 = arith.addi %add3A_636, %add3A_647 : vector<16xi32>
      %gather3A_649 = tpu.vector_load_idx %arg6[%add3A_648] : memref<1024xi32, #tpu.memory_space<vmem>>[vector<16xi32>], vector<16xi32>,
      %mul3A_650 = arith.constant 6 : i32
      %mul3A_651 = vector.broadcast %mul3A_650 : i32 to vector<16xi32>
      %mul3A_652 = arith.muli %gather3A_637, %mul3A_651 : vector<16xi32>
      %add3A_653 = arith.addi %mul3A_652, %gather3A_641 : vector<16xi32>
      %mul3A_654 = arith.constant 6 : i32
      %mul3A_655 = vector.broadcast %mul3A_654 : i32 to vector<16xi32>
      %mul3A_656 = arith.muli %add3A_653, %mul3A_655 : vector<16xi32>
      %add3A_657 = arith.addi %mul3A_656, %gather3A_645 : vector<16xi32>
      %mul3A_658 = arith.constant 6 : i32
      %mul3A_659 = vector.broadcast %mul3A_658 : i32 to vector<16xi32>
      %mul3A_660 = arith.muli %add3A_657, %mul3A_659 : vector<16xi32>
      %add3A_661 = arith.addi %mul3A_660, %gather3A_649 : vector<16xi32>
      %swap3A_662 = arith.constant 0 : index
      %swap3A_663 = tpu.vector_load %arg8[%swap3A_662] {strides = array<i32>} : memref<256xi32, #tpu.memory_space<vmem>>, vector<16xi32>,
      tpu.vector_store %arg8[%swap3A_662], %add3A_661 {strides = array<i32>} : memref<256xi32, #tpu.memory_space<vmem>>, vector<16xi32>,
      %mul3A_664 = arith.constant 4 : i32
      %mul3A_665 = vector.broadcast %mul3A_664 : i32 to vector<16xi32>
      %mul3A_666 = arith.muli %iota3A, %mul3A_665 : vector<16xi32>
      %add3A_667 = arith.constant 64 : i32
      %add3A_668 = vector.broadcast %add3A_667 : i32 to vector<16xi32>
      %add3A_669 = arith.addi %mul3A_666, %add3A_668 : vector<16xi32>
      %gather3A_670 = tpu.vector_load_idx %arg6[%add3A_669] : memref<1024xi32, #tpu.memory_space<vmem>>[vector<16xi32>], vector<16xi32>,
      %add3A_671 = arith.constant 1 : i32
      %add3A_672 = vector.broadcast %add3A_671 : i32 to vector<16xi32>
      %add3A_673 = arith.addi %add3A_669, %add3A_672 : vector<16xi32>
      %gather3A_674 = tpu.vector_load_idx %arg6[%add3A_673] : memref<1024xi32, #tpu.memory_space<vmem>>[vector<16xi32>], vector<16xi32>,
      %add3A_675 = arith.constant 2 : i32
      %add3A_676 = vector.broadcast %add3A_675 : i32 to vector<16xi32>
      %add3A_677 = arith.addi %add3A_669, %add3A_676 : vector<16xi32>
      %gather3A_678 = tpu.vector_load_idx %arg6[%add3A_677] : memref<1024xi32, #tpu.memory_space<vmem>>[vector<16xi32>], vector<16xi32>,
      %add3A_679 = arith.constant 3 : i32
      %add3A_680 = vector.broadcast %add3A_679 : i32 to vector<16xi32>
      %add3A_681 = arith.addi %add3A_669, %add3A_680 : vector<16xi32>
      %gather3A_682 = tpu.vector_load_idx %arg6[%add3A_681] : memref<1024xi32, #tpu.memory_space<vmem>>[vector<16xi32>], vector<16xi32>,
      %mul3A_683 = arith.constant 6 : i32
      %mul3A_684 = vector.broadcast %mul3A_683 : i32 to vector<16xi32>
      %mul3A_685 = arith.muli %gather3A_670, %mul3A_684 : vector<16xi32>
      %add3A_686 = arith.addi %mul3A_685, %gather3A_674 : vector<16xi32>
      %mul3A_687 = arith.constant 6 : i32
      %mul3A_688 = vector.broadcast %mul3A_687 : i32 to vector<16xi32>
      %mul3A_689 = arith.muli %add3A_686, %mul3A_688 : vector<16xi32>
      %add3A_690 = arith.addi %mul3A_689, %gather3A_678 : vector<16xi32>
      %mul3A_691 = arith.constant 6 : i32
      %mul3A_692 = vector.broadcast %mul3A_691 : i32 to vector<16xi32>
      %mul3A_693 = arith.muli %add3A_690, %mul3A_692 : vector<16xi32>
      %add3A_694 = arith.addi %mul3A_693, %gather3A_682 : vector<16xi32>
      %swap3A_695 = arith.constant 16 : index
      %swap3A_696 = tpu.vector_load %arg8[%swap3A_695] {strides = array<i32>} : memref<256xi32, #tpu.memory_space<vmem>>, vector<16xi32>,
      tpu.vector_store %arg8[%swap3A_695], %add3A_694 {strides = array<i32>} : memref<256xi32, #tpu.memory_space<vmem>>, vector<16xi32>,
      %mul3A_697 = arith.constant 4 : i32
      %mul3A_698 = vector.broadcast %mul3A_697 : i32 to vector<16xi32>
      %mul3A_699 = arith.muli %iota3A, %mul3A_698 : vector<16xi32>
      %add3A_700 = arith.constant 128 : i32
      %add3A_701 = vector.broadcast %add3A_700 : i32 to vector<16xi32>
      %add3A_702 = arith.addi %mul3A_699, %add3A_701 : vector<16xi32>
      %gather3A_703 = tpu.vector_load_idx %arg6[%add3A_702] : memref<1024xi32, #tpu.memory_space<vmem>>[vector<16xi32>], vector<16xi32>,
      %add3A_704 = arith.constant 1 : i32
      %add3A_705 = vector.broadcast %add3A_704 : i32 to vector<16xi32>
      %add3A_706 = arith.addi %add3A_702, %add3A_705 : vector<16xi32>
      %gather3A_707 = tpu.vector_load_idx %arg6[%add3A_706] : memref<1024xi32, #tpu.memory_space<vmem>>[vector<16xi32>], vector<16xi32>,
      %add3A_708 = arith.constant 2 : i32
      %add3A_709 = vector.broadcast %add3A_708 : i32 to vector<16xi32>
      %add3A_710 = arith.addi %add3A_702, %add3A_709 : vector<16xi32>
      %gather3A_711 = tpu.vector_load_idx %arg6[%add3A_710] : memref<1024xi32, #tpu.memory_space<vmem>>[vector<16xi32>], vector<16xi32>,
      %add3A_712 = arith.constant 3 : i32
      %add3A_713 = vector.broadcast %add3A_712 : i32 to vector<16xi32>
      %add3A_714 = arith.addi %add3A_702, %add3A_713 : vector<16xi32>
      %gather3A_715 = tpu.vector_load_idx %arg6[%add3A_714] : memref<1024xi32, #tpu.memory_space<vmem>>[vector<16xi32>], vector<16xi32>,
      %mul3A_716 = arith.constant 6 : i32
      %mul3A_717 = vector.broadcast %mul3A_716 : i32 to vector<16xi32>
      %mul3A_718 = arith.muli %gather3A_703, %mul3A_717 : vector<16xi32>
      %add3A_719 = arith.addi %mul3A_718, %gather3A_707 : vector<16xi32>
      %mul3A_720 = arith.constant 6 : i32
      %mul3A_721 = vector.broadcast %mul3A_720 : i32 to vector<16xi32>
      %mul3A_722 = arith.muli %add3A_719, %mul3A_721 : vector<16xi32>
      %add3A_723 = arith.addi %mul3A_722, %gather3A_711 : vector<16xi32>
      %mul3A_724 = arith.constant 6 : i32
      %mul3A_725 = vector.broadcast %mul3A_724 : i32 to vector<16xi32>
      %mul3A_726 = arith.muli %add3A_723, %mul3A_725 : vector<16xi32>
      %add3A_727 = arith.addi %mul3A_726, %gather3A_715 : vector<16xi32>
      %swap3A_728 = arith.constant 32 : index
      %swap3A_729 = tpu.vector_load %arg8[%swap3A_728] {strides = array<i32>} : memref<256xi32, #tpu.memory_space<vmem>>, vector<16xi32>,
      tpu.vector_store %arg8[%swap3A_728], %add3A_727 {strides = array<i32>} : memref<256xi32, #tpu.memory_space<vmem>>, vector<16xi32>,
      %mul3A_730 = arith.constant 4 : i32
      %mul3A_731 = vector.broadcast %mul3A_730 : i32 to vector<16xi32>
      %mul3A_732 = arith.muli %iota3A, %mul3A_731 : vector<16xi32>
      %add3A_733 = arith.constant 192 : i32
      %add3A_734 = vector.broadcast %add3A_733 : i32 to vector<16xi32>
      %add3A_735 = arith.addi %mul3A_732, %add3A_734 : vector<16xi32>
      %gather3A_736 = tpu.vector_load_idx %arg6[%add3A_735] : memref<1024xi32, #tpu.memory_space<vmem>>[vector<16xi32>], vector<16xi32>,
      %add3A_737 = arith.constant 1 : i32
      %add3A_738 = vector.broadcast %add3A_737 : i32 to vector<16xi32>
      %add3A_739 = arith.addi %add3A_735, %add3A_738 : vector<16xi32>
      %gather3A_740 = tpu.vector_load_idx %arg6[%add3A_739] : memref<1024xi32, #tpu.memory_space<vmem>>[vector<16xi32>], vector<16xi32>,
      %add3A_741 = arith.constant 2 : i32
      %add3A_742 = vector.broadcast %add3A_741 : i32 to vector<16xi32>
      %add3A_743 = arith.addi %add3A_735, %add3A_742 : vector<16xi32>
      %gather3A_744 = tpu.vector_load_idx %arg6[%add3A_743] : memref<1024xi32, #tpu.memory_space<vmem>>[vector<16xi32>], vector<16xi32>,
      %add3A_745 = arith.constant 3 : i32
      %add3A_746 = vector.broadcast %add3A_745 : i32 to vector<16xi32>
      %add3A_747 = arith.addi %add3A_735, %add3A_746 : vector<16xi32>
      %gather3A_748 = tpu.vector_load_idx %arg6[%add3A_747] : memref<1024xi32, #tpu.memory_space<vmem>>[vector<16xi32>], vector<16xi32>,
      %mul3A_749 = arith.constant 6 : i32
      %mul3A_750 = vector.broadcast %mul3A_749 : i32 to vector<16xi32>
      %mul3A_751 = arith.muli %gather3A_736, %mul3A_750 : vector<16xi32>
      %add3A_752 = arith.addi %mul3A_751, %gather3A_740 : vector<16xi32>
      %mul3A_753 = arith.constant 6 : i32
      %mul3A_754 = vector.broadcast %mul3A_753 : i32 to vector<16xi32>
      %mul3A_755 = arith.muli %add3A_752, %mul3A_754 : vector<16xi32>
      %add3A_756 = arith.addi %mul3A_755, %gather3A_744 : vector<16xi32>
      %mul3A_757 = arith.constant 6 : i32
      %mul3A_758 = vector.broadcast %mul3A_757 : i32 to vector<16xi32>
      %mul3A_759 = arith.muli %add3A_756, %mul3A_758 : vector<16xi32>
      %add3A_760 = arith.addi %mul3A_759, %gather3A_748 : vector<16xi32>
      %swap3A_761 = arith.constant 48 : index
      %swap3A_762 = tpu.vector_load %arg8[%swap3A_761] {strides = array<i32>} : memref<256xi32, #tpu.memory_space<vmem>>, vector<16xi32>,
      tpu.vector_store %arg8[%swap3A_761], %add3A_760 {strides = array<i32>} : memref<256xi32, #tpu.memory_space<vmem>>, vector<16xi32>,
      %mul3A_763 = arith.constant 4 : i32
      %mul3A_764 = vector.broadcast %mul3A_763 : i32 to vector<16xi32>
      %mul3A_765 = arith.muli %iota3A, %mul3A_764 : vector<16xi32>
      %add3A_766 = arith.constant 256 : i32
      %add3A_767 = vector.broadcast %add3A_766 : i32 to vector<16xi32>
      %add3A_768 = arith.addi %mul3A_765, %add3A_767 : vector<16xi32>
      %gather3A_769 = tpu.vector_load_idx %arg6[%add3A_768] : memref<1024xi32, #tpu.memory_space<vmem>>[vector<16xi32>], vector<16xi32>,
      %add3A_770 = arith.constant 1 : i32
      %add3A_771 = vector.broadcast %add3A_770 : i32 to vector<16xi32>
      %add3A_772 = arith.addi %add3A_768, %add3A_771 : vector<16xi32>
      %gather3A_773 = tpu.vector_load_idx %arg6[%add3A_772] : memref<1024xi32, #tpu.memory_space<vmem>>[vector<16xi32>], vector<16xi32>,
      %add3A_774 = arith.constant 2 : i32
      %add3A_775 = vector.broadcast %add3A_774 : i32 to vector<16xi32>
      %add3A_776 = arith.addi %add3A_768, %add3A_775 : vector<16xi32>
      %gather3A_777 = tpu.vector_load_idx %arg6[%add3A_776] : memref<1024xi32, #tpu.memory_space<vmem>>[vector<16xi32>], vector<16xi32>,
      %add3A_778 = arith.constant 3 : i32
      %add3A_779 = vector.broadcast %add3A_778 : i32 to vector<16xi32>
      %add3A_780 = arith.addi %add3A_768, %add3A_779 : vector<16xi32>
      %gather3A_781 = tpu.vector_load_idx %arg6[%add3A_780] : memref<1024xi32, #tpu.memory_space<vmem>>[vector<16xi32>], vector<16xi32>,
      %mul3A_782 = arith.constant 6 : i32
      %mul3A_783 = vector.broadcast %mul3A_782 : i32 to vector<16xi32>
      %mul3A_784 = arith.muli %gather3A_769, %mul3A_783 : vector<16xi32>
      %add3A_785 = arith.addi %mul3A_784, %gather3A_773 : vector<16xi32>
      %mul3A_786 = arith.constant 6 : i32
      %mul3A_787 = vector.broadcast %mul3A_786 : i32 to vector<16xi32>
      %mul3A_788 = arith.muli %add3A_785, %mul3A_787 : vector<16xi32>
      %add3A_789 = arith.addi %mul3A_788, %gather3A_777 : vector<16xi32>
      %mul3A_790 = arith.constant 6 : i32
      %mul3A_791 = vector.broadcast %mul3A_790 : i32 to vector<16xi32>
      %mul3A_792 = arith.muli %add3A_789, %mul3A_791 : vector<16xi32>
      %add3A_793 = arith.addi %mul3A_792, %gather3A_781 : vector<16xi32>
      %swap3A_794 = arith.constant 64 : index
      %swap3A_795 = tpu.vector_load %arg8[%swap3A_794] {strides = array<i32>} : memref<256xi32, #tpu.memory_space<vmem>>, vector<16xi32>,
      tpu.vector_store %arg8[%swap3A_794], %add3A_793 {strides = array<i32>} : memref<256xi32, #tpu.memory_space<vmem>>, vector<16xi32>,
      %mul3A_796 = arith.constant 4 : i32
      %mul3A_797 = vector.broadcast %mul3A_796 : i32 to vector<16xi32>
      %mul3A_798 = arith.muli %iota3A, %mul3A_797 : vector<16xi32>
      %add3A_799 = arith.constant 320 : i32
      %add3A_800 = vector.broadcast %add3A_799 : i32 to vector<16xi32>
      %add3A_801 = arith.addi %mul3A_798, %add3A_800 : vector<16xi32>
      %gather3A_802 = tpu.vector_load_idx %arg6[%add3A_801] : memref<1024xi32, #tpu.memory_space<vmem>>[vector<16xi32>], vector<16xi32>,
      %add3A_803 = arith.constant 1 : i32
      %add3A_804 = vector.broadcast %add3A_803 : i32 to vector<16xi32>
      %add3A_805 = arith.addi %add3A_801, %add3A_804 : vector<16xi32>
      %gather3A_806 = tpu.vector_load_idx %arg6[%add3A_805] : memref<1024xi32, #tpu.memory_space<vmem>>[vector<16xi32>], vector<16xi32>,
      %add3A_807 = arith.constant 2 : i32
      %add3A_808 = vector.broadcast %add3A_807 : i32 to vector<16xi32>
      %add3A_809 = arith.addi %add3A_801, %add3A_808 : vector<16xi32>
      %gather3A_810 = tpu.vector_load_idx %arg6[%add3A_809] : memref<1024xi32, #tpu.memory_space<vmem>>[vector<16xi32>], vector<16xi32>,
      %add3A_811 = arith.constant 3 : i32
      %add3A_812 = vector.broadcast %add3A_811 : i32 to vector<16xi32>
      %add3A_813 = arith.addi %add3A_801, %add3A_812 : vector<16xi32>
      %gather3A_814 = tpu.vector_load_idx %arg6[%add3A_813] : memref<1024xi32, #tpu.memory_space<vmem>>[vector<16xi32>], vector<16xi32>,
      %mul3A_815 = arith.constant 6 : i32
      %mul3A_816 = vector.broadcast %mul3A_815 : i32 to vector<16xi32>
      %mul3A_817 = arith.muli %gather3A_802, %mul3A_816 : vector<16xi32>
      %add3A_818 = arith.addi %mul3A_817, %gather3A_806 : vector<16xi32>
      %mul3A_819 = arith.constant 6 : i32
      %mul3A_820 = vector.broadcast %mul3A_819 : i32 to vector<16xi32>
      %mul3A_821 = arith.muli %add3A_818, %mul3A_820 : vector<16xi32>
      %add3A_822 = arith.addi %mul3A_821, %gather3A_810 : vector<16xi32>
      %mul3A_823 = arith.constant 6 : i32
      %mul3A_824 = vector.broadcast %mul3A_823 : i32 to vector<16xi32>
      %mul3A_825 = arith.muli %add3A_822, %mul3A_824 : vector<16xi32>
      %add3A_826 = arith.addi %mul3A_825, %gather3A_814 : vector<16xi32>
      %swap3A_827 = arith.constant 80 : index
      %swap3A_828 = tpu.vector_load %arg8[%swap3A_827] {strides = array<i32>} : memref<256xi32, #tpu.memory_space<vmem>>, vector<16xi32>,
      tpu.vector_store %arg8[%swap3A_827], %add3A_826 {strides = array<i32>} : memref<256xi32, #tpu.memory_space<vmem>>, vector<16xi32>,
      %mul3A_829 = arith.constant 4 : i32
      %mul3A_830 = vector.broadcast %mul3A_829 : i32 to vector<16xi32>
      %mul3A_831 = arith.muli %iota3A, %mul3A_830 : vector<16xi32>
      %add3A_832 = arith.constant 384 : i32
      %add3A_833 = vector.broadcast %add3A_832 : i32 to vector<16xi32>
      %add3A_834 = arith.addi %mul3A_831, %add3A_833 : vector<16xi32>
      %gather3A_835 = tpu.vector_load_idx %arg6[%add3A_834] : memref<1024xi32, #tpu.memory_space<vmem>>[vector<16xi32>], vector<16xi32>,
      %add3A_836 = arith.constant 1 : i32
      %add3A_837 = vector.broadcast %add3A_836 : i32 to vector<16xi32>
      %add3A_838 = arith.addi %add3A_834, %add3A_837 : vector<16xi32>
      %gather3A_839 = tpu.vector_load_idx %arg6[%add3A_838] : memref<1024xi32, #tpu.memory_space<vmem>>[vector<16xi32>], vector<16xi32>,
      %add3A_840 = arith.constant 2 : i32
      %add3A_841 = vector.broadcast %add3A_840 : i32 to vector<16xi32>
      %add3A_842 = arith.addi %add3A_834, %add3A_841 : vector<16xi32>
      %gather3A_843 = tpu.vector_load_idx %arg6[%add3A_842] : memref<1024xi32, #tpu.memory_space<vmem>>[vector<16xi32>], vector<16xi32>,
      %add3A_844 = arith.constant 3 : i32
      %add3A_845 = vector.broadcast %add3A_844 : i32 to vector<16xi32>
      %add3A_846 = arith.addi %add3A_834, %add3A_845 : vector<16xi32>
      %gather3A_847 = tpu.vector_load_idx %arg6[%add3A_846] : memref<1024xi32, #tpu.memory_space<vmem>>[vector<16xi32>], vector<16xi32>,
      %mul3A_848 = arith.constant 6 : i32
      %mul3A_849 = vector.broadcast %mul3A_848 : i32 to vector<16xi32>
      %mul3A_850 = arith.muli %gather3A_835, %mul3A_849 : vector<16xi32>
      %add3A_851 = arith.addi %mul3A_850, %gather3A_839 : vector<16xi32>
      %mul3A_852 = arith.constant 6 : i32
      %mul3A_853 = vector.broadcast %mul3A_852 : i32 to vector<16xi32>
      %mul3A_854 = arith.muli %add3A_851, %mul3A_853 : vector<16xi32>
      %add3A_855 = arith.addi %mul3A_854, %gather3A_843 : vector<16xi32>
      %mul3A_856 = arith.constant 6 : i32
      %mul3A_857 = vector.broadcast %mul3A_856 : i32 to vector<16xi32>
      %mul3A_858 = arith.muli %add3A_855, %mul3A_857 : vector<16xi32>
      %add3A_859 = arith.addi %mul3A_858, %gather3A_847 : vector<16xi32>
      %swap3A_860 = arith.constant 96 : index
      %swap3A_861 = tpu.vector_load %arg8[%swap3A_860] {strides = array<i32>} : memref<256xi32, #tpu.memory_space<vmem>>, vector<16xi32>,
      tpu.vector_store %arg8[%swap3A_860], %add3A_859 {strides = array<i32>} : memref<256xi32, #tpu.memory_space<vmem>>, vector<16xi32>,
      %mul3A_862 = arith.constant 4 : i32
      %mul3A_863 = vector.broadcast %mul3A_862 : i32 to vector<16xi32>
      %mul3A_864 = arith.muli %iota3A, %mul3A_863 : vector<16xi32>
      %add3A_865 = arith.constant 448 : i32
      %add3A_866 = vector.broadcast %add3A_865 : i32 to vector<16xi32>
      %add3A_867 = arith.addi %mul3A_864, %add3A_866 : vector<16xi32>
      %gather3A_868 = tpu.vector_load_idx %arg6[%add3A_867] : memref<1024xi32, #tpu.memory_space<vmem>>[vector<16xi32>], vector<16xi32>,
      %add3A_869 = arith.constant 1 : i32
      %add3A_870 = vector.broadcast %add3A_869 : i32 to vector<16xi32>
      %add3A_871 = arith.addi %add3A_867, %add3A_870 : vector<16xi32>
      %gather3A_872 = tpu.vector_load_idx %arg6[%add3A_871] : memref<1024xi32, #tpu.memory_space<vmem>>[vector<16xi32>], vector<16xi32>,
      %add3A_873 = arith.constant 2 : i32
      %add3A_874 = vector.broadcast %add3A_873 : i32 to vector<16xi32>
      %add3A_875 = arith.addi %add3A_867, %add3A_874 : vector<16xi32>
      %gather3A_876 = tpu.vector_load_idx %arg6[%add3A_875] : memref<1024xi32, #tpu.memory_space<vmem>>[vector<16xi32>], vector<16xi32>,
      %add3A_877 = arith.constant 3 : i32
      %add3A_878 = vector.broadcast %add3A_877 : i32 to vector<16xi32>
      %add3A_879 = arith.addi %add3A_867, %add3A_878 : vector<16xi32>
      %gather3A_880 = tpu.vector_load_idx %arg6[%add3A_879] : memref<1024xi32, #tpu.memory_space<vmem>>[vector<16xi32>], vector<16xi32>,
      %mul3A_881 = arith.constant 6 : i32
      %mul3A_882 = vector.broadcast %mul3A_881 : i32 to vector<16xi32>
      %mul3A_883 = arith.muli %gather3A_868, %mul3A_882 : vector<16xi32>
      %add3A_884 = arith.addi %mul3A_883, %gather3A_872 : vector<16xi32>
      %mul3A_885 = arith.constant 6 : i32
      %mul3A_886 = vector.broadcast %mul3A_885 : i32 to vector<16xi32>
      %mul3A_887 = arith.muli %add3A_884, %mul3A_886 : vector<16xi32>
      %add3A_888 = arith.addi %mul3A_887, %gather3A_876 : vector<16xi32>
      %mul3A_889 = arith.constant 6 : i32
      %mul3A_890 = vector.broadcast %mul3A_889 : i32 to vector<16xi32>
      %mul3A_891 = arith.muli %add3A_888, %mul3A_890 : vector<16xi32>
      %add3A_892 = arith.addi %mul3A_891, %gather3A_880 : vector<16xi32>
      %swap3A_893 = arith.constant 112 : index
      %swap3A_894 = tpu.vector_load %arg8[%swap3A_893] {strides = array<i32>} : memref<256xi32, #tpu.memory_space<vmem>>, vector<16xi32>,
      tpu.vector_store %arg8[%swap3A_893], %add3A_892 {strides = array<i32>} : memref<256xi32, #tpu.memory_space<vmem>>, vector<16xi32>,
      %mul3A_895 = arith.constant 4 : i32
      %mul3A_896 = vector.broadcast %mul3A_895 : i32 to vector<16xi32>
      %mul3A_897 = arith.muli %iota3A, %mul3A_896 : vector<16xi32>
      %add3A_898 = arith.constant 512 : i32
      %add3A_899 = vector.broadcast %add3A_898 : i32 to vector<16xi32>
      %add3A_900 = arith.addi %mul3A_897, %add3A_899 : vector<16xi32>
      %gather3A_901 = tpu.vector_load_idx %arg6[%add3A_900] : memref<1024xi32, #tpu.memory_space<vmem>>[vector<16xi32>], vector<16xi32>,
      %add3A_902 = arith.constant 1 : i32
      %add3A_903 = vector.broadcast %add3A_902 : i32 to vector<16xi32>
      %add3A_904 = arith.addi %add3A_900, %add3A_903 : vector<16xi32>
      %gather3A_905 = tpu.vector_load_idx %arg6[%add3A_904] : memref<1024xi32, #tpu.memory_space<vmem>>[vector<16xi32>], vector<16xi32>,
      %add3A_906 = arith.constant 2 : i32
      %add3A_907 = vector.broadcast %add3A_906 : i32 to vector<16xi32>
      %add3A_908 = arith.addi %add3A_900, %add3A_907 : vector<16xi32>
      %gather3A_909 = tpu.vector_load_idx %arg6[%add3A_908] : memref<1024xi32, #tpu.memory_space<vmem>>[vector<16xi32>], vector<16xi32>,
      %add3A_910 = arith.constant 3 : i32
      %add3A_911 = vector.broadcast %add3A_910 : i32 to vector<16xi32>
      %add3A_912 = arith.addi %add3A_900, %add3A_911 : vector<16xi32>
      %gather3A_913 = tpu.vector_load_idx %arg6[%add3A_912] : memref<1024xi32, #tpu.memory_space<vmem>>[vector<16xi32>], vector<16xi32>,
      %mul3A_914 = arith.constant 6 : i32
      %mul3A_915 = vector.broadcast %mul3A_914 : i32 to vector<16xi32>
      %mul3A_916 = arith.muli %gather3A_901, %mul3A_915 : vector<16xi32>
      %add3A_917 = arith.addi %mul3A_916, %gather3A_905 : vector<16xi32>
      %mul3A_918 = arith.constant 6 : i32
      %mul3A_919 = vector.broadcast %mul3A_918 : i32 to vector<16xi32>
      %mul3A_920 = arith.muli %add3A_917, %mul3A_919 : vector<16xi32>
      %add3A_921 = arith.addi %mul3A_920, %gather3A_909 : vector<16xi32>
      %mul3A_922 = arith.constant 6 : i32
      %mul3A_923 = vector.broadcast %mul3A_922 : i32 to vector<16xi32>
      %mul3A_924 = arith.muli %add3A_921, %mul3A_923 : vector<16xi32>
      %add3A_925 = arith.addi %mul3A_924, %gather3A_913 : vector<16xi32>
      %swap3A_926 = arith.constant 128 : index
      %swap3A_927 = tpu.vector_load %arg8[%swap3A_926] {strides = array<i32>} : memref<256xi32, #tpu.memory_space<vmem>>, vector<16xi32>,
      tpu.vector_store %arg8[%swap3A_926], %add3A_925 {strides = array<i32>} : memref<256xi32, #tpu.memory_space<vmem>>, vector<16xi32>,
      %mul3A_928 = arith.constant 4 : i32
      %mul3A_929 = vector.broadcast %mul3A_928 : i32 to vector<16xi32>
      %mul3A_930 = arith.muli %iota3A, %mul3A_929 : vector<16xi32>
      %add3A_931 = arith.constant 576 : i32
      %add3A_932 = vector.broadcast %add3A_931 : i32 to vector<16xi32>
      %add3A_933 = arith.addi %mul3A_930, %add3A_932 : vector<16xi32>
      %gather3A_934 = tpu.vector_load_idx %arg6[%add3A_933] : memref<1024xi32, #tpu.memory_space<vmem>>[vector<16xi32>], vector<16xi32>,
      %add3A_935 = arith.constant 1 : i32
      %add3A_936 = vector.broadcast %add3A_935 : i32 to vector<16xi32>
      %add3A_937 = arith.addi %add3A_933, %add3A_936 : vector<16xi32>
      %gather3A_938 = tpu.vector_load_idx %arg6[%add3A_937] : memref<1024xi32, #tpu.memory_space<vmem>>[vector<16xi32>], vector<16xi32>,
      %add3A_939 = arith.constant 2 : i32
      %add3A_940 = vector.broadcast %add3A_939 : i32 to vector<16xi32>
      %add3A_941 = arith.addi %add3A_933, %add3A_940 : vector<16xi32>
      %gather3A_942 = tpu.vector_load_idx %arg6[%add3A_941] : memref<1024xi32, #tpu.memory_space<vmem>>[vector<16xi32>], vector<16xi32>,
      %add3A_943 = arith.constant 3 : i32
      %add3A_944 = vector.broadcast %add3A_943 : i32 to vector<16xi32>
      %add3A_945 = arith.addi %add3A_933, %add3A_944 : vector<16xi32>
      %gather3A_946 = tpu.vector_load_idx %arg6[%add3A_945] : memref<1024xi32, #tpu.memory_space<vmem>>[vector<16xi32>], vector<16xi32>,
      %mul3A_947 = arith.constant 6 : i32
      %mul3A_948 = vector.broadcast %mul3A_947 : i32 to vector<16xi32>
      %mul3A_949 = arith.muli %gather3A_934, %mul3A_948 : vector<16xi32>
      %add3A_950 = arith.addi %mul3A_949, %gather3A_938 : vector<16xi32>
      %mul3A_951 = arith.constant 6 : i32
      %mul3A_952 = vector.broadcast %mul3A_951 : i32 to vector<16xi32>
      %mul3A_953 = arith.muli %add3A_950, %mul3A_952 : vector<16xi32>
      %add3A_954 = arith.addi %mul3A_953, %gather3A_942 : vector<16xi32>
      %mul3A_955 = arith.constant 6 : i32
      %mul3A_956 = vector.broadcast %mul3A_955 : i32 to vector<16xi32>
      %mul3A_957 = arith.muli %add3A_954, %mul3A_956 : vector<16xi32>
      %add3A_958 = arith.addi %mul3A_957, %gather3A_946 : vector<16xi32>
      %swap3A_959 = arith.constant 144 : index
      %swap3A_960 = tpu.vector_load %arg8[%swap3A_959] {strides = array<i32>} : memref<256xi32, #tpu.memory_space<vmem>>, vector<16xi32>,
      tpu.vector_store %arg8[%swap3A_959], %add3A_958 {strides = array<i32>} : memref<256xi32, #tpu.memory_space<vmem>>, vector<16xi32>,
      %mul3A_961 = arith.constant 4 : i32
      %mul3A_962 = vector.broadcast %mul3A_961 : i32 to vector<16xi32>
      %mul3A_963 = arith.muli %iota3A, %mul3A_962 : vector<16xi32>
      %add3A_964 = arith.constant 640 : i32
      %add3A_965 = vector.broadcast %add3A_964 : i32 to vector<16xi32>
      %add3A_966 = arith.addi %mul3A_963, %add3A_965 : vector<16xi32>
      %gather3A_967 = tpu.vector_load_idx %arg6[%add3A_966] : memref<1024xi32, #tpu.memory_space<vmem>>[vector<16xi32>], vector<16xi32>,
      %add3A_968 = arith.constant 1 : i32
      %add3A_969 = vector.broadcast %add3A_968 : i32 to vector<16xi32>
      %add3A_970 = arith.addi %add3A_966, %add3A_969 : vector<16xi32>
      %gather3A_971 = tpu.vector_load_idx %arg6[%add3A_970] : memref<1024xi32, #tpu.memory_space<vmem>>[vector<16xi32>], vector<16xi32>,
      %add3A_972 = arith.constant 2 : i32
      %add3A_973 = vector.broadcast %add3A_972 : i32 to vector<16xi32>
      %add3A_974 = arith.addi %add3A_966, %add3A_973 : vector<16xi32>
      %gather3A_975 = tpu.vector_load_idx %arg6[%add3A_974] : memref<1024xi32, #tpu.memory_space<vmem>>[vector<16xi32>], vector<16xi32>,
      %add3A_976 = arith.constant 3 : i32
      %add3A_977 = vector.broadcast %add3A_976 : i32 to vector<16xi32>
      %add3A_978 = arith.addi %add3A_966, %add3A_977 : vector<16xi32>
      %gather3A_979 = tpu.vector_load_idx %arg6[%add3A_978] : memref<1024xi32, #tpu.memory_space<vmem>>[vector<16xi32>], vector<16xi32>,
      %mul3A_980 = arith.constant 6 : i32
      %mul3A_981 = vector.broadcast %mul3A_980 : i32 to vector<16xi32>
      %mul3A_982 = arith.muli %gather3A_967, %mul3A_981 : vector<16xi32>
      %add3A_983 = arith.addi %mul3A_982, %gather3A_971 : vector<16xi32>
      %mul3A_984 = arith.constant 6 : i32
      %mul3A_985 = vector.broadcast %mul3A_984 : i32 to vector<16xi32>
      %mul3A_986 = arith.muli %add3A_983, %mul3A_985 : vector<16xi32>
      %add3A_987 = arith.addi %mul3A_986, %gather3A_975 : vector<16xi32>
      %mul3A_988 = arith.constant 6 : i32
      %mul3A_989 = vector.broadcast %mul3A_988 : i32 to vector<16xi32>
      %mul3A_990 = arith.muli %add3A_987, %mul3A_989 : vector<16xi32>
      %add3A_991 = arith.addi %mul3A_990, %gather3A_979 : vector<16xi32>
      %swap3A_992 = arith.constant 160 : index
      %swap3A_993 = tpu.vector_load %arg8[%swap3A_992] {strides = array<i32>} : memref<256xi32, #tpu.memory_space<vmem>>, vector<16xi32>,
      tpu.vector_store %arg8[%swap3A_992], %add3A_991 {strides = array<i32>} : memref<256xi32, #tpu.memory_space<vmem>>, vector<16xi32>,
      %mul3A_994 = arith.constant 4 : i32
      %mul3A_995 = vector.broadcast %mul3A_994 : i32 to vector<16xi32>
      %mul3A_996 = arith.muli %iota3A, %mul3A_995 : vector<16xi32>
      %add3A_997 = arith.constant 704 : i32
      %add3A_998 = vector.broadcast %add3A_997 : i32 to vector<16xi32>
      %add3A_999 = arith.addi %mul3A_996, %add3A_998 : vector<16xi32>
      %gather3A_1000 = tpu.vector_load_idx %arg6[%add3A_999] : memref<1024xi32, #tpu.memory_space<vmem>>[vector<16xi32>], vector<16xi32>,
      %add3A_1001 = arith.constant 1 : i32
      %add3A_1002 = vector.broadcast %add3A_1001 : i32 to vector<16xi32>
      %add3A_1003 = arith.addi %add3A_999, %add3A_1002 : vector<16xi32>
      %gather3A_1004 = tpu.vector_load_idx %arg6[%add3A_1003] : memref<1024xi32, #tpu.memory_space<vmem>>[vector<16xi32>], vector<16xi32>,
      %add3A_1005 = arith.constant 2 : i32
      %add3A_1006 = vector.broadcast %add3A_1005 : i32 to vector<16xi32>
      %add3A_1007 = arith.addi %add3A_999, %add3A_1006 : vector<16xi32>
      %gather3A_1008 = tpu.vector_load_idx %arg6[%add3A_1007] : memref<1024xi32, #tpu.memory_space<vmem>>[vector<16xi32>], vector<16xi32>,
      %add3A_1009 = arith.constant 3 : i32
      %add3A_1010 = vector.broadcast %add3A_1009 : i32 to vector<16xi32>
      %add3A_1011 = arith.addi %add3A_999, %add3A_1010 : vector<16xi32>
      %gather3A_1012 = tpu.vector_load_idx %arg6[%add3A_1011] : memref<1024xi32, #tpu.memory_space<vmem>>[vector<16xi32>], vector<16xi32>,
      %mul3A_1013 = arith.constant 6 : i32
      %mul3A_1014 = vector.broadcast %mul3A_1013 : i32 to vector<16xi32>
      %mul3A_1015 = arith.muli %gather3A_1000, %mul3A_1014 : vector<16xi32>
      %add3A_1016 = arith.addi %mul3A_1015, %gather3A_1004 : vector<16xi32>
      %mul3A_1017 = arith.constant 6 : i32
      %mul3A_1018 = vector.broadcast %mul3A_1017 : i32 to vector<16xi32>
      %mul3A_1019 = arith.muli %add3A_1016, %mul3A_1018 : vector<16xi32>
      %add3A_1020 = arith.addi %mul3A_1019, %gather3A_1008 : vector<16xi32>
      %mul3A_1021 = arith.constant 6 : i32
      %mul3A_1022 = vector.broadcast %mul3A_1021 : i32 to vector<16xi32>
      %mul3A_1023 = arith.muli %add3A_1020, %mul3A_1022 : vector<16xi32>
      %add3A_1024 = arith.addi %mul3A_1023, %gather3A_1012 : vector<16xi32>
      %swap3A_1025 = arith.constant 176 : index
      %swap3A_1026 = tpu.vector_load %arg8[%swap3A_1025] {strides = array<i32>} : memref<256xi32, #tpu.memory_space<vmem>>, vector<16xi32>,
      tpu.vector_store %arg8[%swap3A_1025], %add3A_1024 {strides = array<i32>} : memref<256xi32, #tpu.memory_space<vmem>>, vector<16xi32>,
      %mul3A_1027 = arith.constant 4 : i32
      %mul3A_1028 = vector.broadcast %mul3A_1027 : i32 to vector<16xi32>
      %mul3A_1029 = arith.muli %iota3A, %mul3A_1028 : vector<16xi32>
      %add3A_1030 = arith.constant 768 : i32
      %add3A_1031 = vector.broadcast %add3A_1030 : i32 to vector<16xi32>
      %add3A_1032 = arith.addi %mul3A_1029, %add3A_1031 : vector<16xi32>
      %gather3A_1033 = tpu.vector_load_idx %arg6[%add3A_1032] : memref<1024xi32, #tpu.memory_space<vmem>>[vector<16xi32>], vector<16xi32>,
      %add3A_1034 = arith.constant 1 : i32
      %add3A_1035 = vector.broadcast %add3A_1034 : i32 to vector<16xi32>
      %add3A_1036 = arith.addi %add3A_1032, %add3A_1035 : vector<16xi32>
      %gather3A_1037 = tpu.vector_load_idx %arg6[%add3A_1036] : memref<1024xi32, #tpu.memory_space<vmem>>[vector<16xi32>], vector<16xi32>,
      %add3A_1038 = arith.constant 2 : i32
      %add3A_1039 = vector.broadcast %add3A_1038 : i32 to vector<16xi32>
      %add3A_1040 = arith.addi %add3A_1032, %add3A_1039 : vector<16xi32>
      %gather3A_1041 = tpu.vector_load_idx %arg6[%add3A_1040] : memref<1024xi32, #tpu.memory_space<vmem>>[vector<16xi32>], vector<16xi32>,
      %add3A_1042 = arith.constant 3 : i32
      %add3A_1043 = vector.broadcast %add3A_1042 : i32 to vector<16xi32>
      %add3A_1044 = arith.addi %add3A_1032, %add3A_1043 : vector<16xi32>
      %gather3A_1045 = tpu.vector_load_idx %arg6[%add3A_1044] : memref<1024xi32, #tpu.memory_space<vmem>>[vector<16xi32>], vector<16xi32>,
      %mul3A_1046 = arith.constant 6 : i32
      %mul3A_1047 = vector.broadcast %mul3A_1046 : i32 to vector<16xi32>
      %mul3A_1048 = arith.muli %gather3A_1033, %mul3A_1047 : vector<16xi32>
      %add3A_1049 = arith.addi %mul3A_1048, %gather3A_1037 : vector<16xi32>
      %mul3A_1050 = arith.constant 6 : i32
      %mul3A_1051 = vector.broadcast %mul3A_1050 : i32 to vector<16xi32>
      %mul3A_1052 = arith.muli %add3A_1049, %mul3A_1051 : vector<16xi32>
      %add3A_1053 = arith.addi %mul3A_1052, %gather3A_1041 : vector<16xi32>
      %mul3A_1054 = arith.constant 6 : i32
      %mul3A_1055 = vector.broadcast %mul3A_1054 : i32 to vector<16xi32>
      %mul3A_1056 = arith.muli %add3A_1053, %mul3A_1055 : vector<16xi32>
      %add3A_1057 = arith.addi %mul3A_1056, %gather3A_1045 : vector<16xi32>
      %swap3A_1058 = arith.constant 192 : index
      %swap3A_1059 = tpu.vector_load %arg8[%swap3A_1058] {strides = array<i32>} : memref<256xi32, #tpu.memory_space<vmem>>, vector<16xi32>,
      tpu.vector_store %arg8[%swap3A_1058], %add3A_1057 {strides = array<i32>} : memref<256xi32, #tpu.memory_space<vmem>>, vector<16xi32>,
      %mul3A_1060 = arith.constant 4 : i32
      %mul3A_1061 = vector.broadcast %mul3A_1060 : i32 to vector<16xi32>
      %mul3A_1062 = arith.muli %iota3A, %mul3A_1061 : vector<16xi32>
      %add3A_1063 = arith.constant 832 : i32
      %add3A_1064 = vector.broadcast %add3A_1063 : i32 to vector<16xi32>
      %add3A_1065 = arith.addi %mul3A_1062, %add3A_1064 : vector<16xi32>
      %gather3A_1066 = tpu.vector_load_idx %arg6[%add3A_1065] : memref<1024xi32, #tpu.memory_space<vmem>>[vector<16xi32>], vector<16xi32>,
      %add3A_1067 = arith.constant 1 : i32
      %add3A_1068 = vector.broadcast %add3A_1067 : i32 to vector<16xi32>
      %add3A_1069 = arith.addi %add3A_1065, %add3A_1068 : vector<16xi32>
      %gather3A_1070 = tpu.vector_load_idx %arg6[%add3A_1069] : memref<1024xi32, #tpu.memory_space<vmem>>[vector<16xi32>], vector<16xi32>,
      %add3A_1071 = arith.constant 2 : i32
      %add3A_1072 = vector.broadcast %add3A_1071 : i32 to vector<16xi32>
      %add3A_1073 = arith.addi %add3A_1065, %add3A_1072 : vector<16xi32>
      %gather3A_1074 = tpu.vector_load_idx %arg6[%add3A_1073] : memref<1024xi32, #tpu.memory_space<vmem>>[vector<16xi32>], vector<16xi32>,
      %add3A_1075 = arith.constant 3 : i32
      %add3A_1076 = vector.broadcast %add3A_1075 : i32 to vector<16xi32>
      %add3A_1077 = arith.addi %add3A_1065, %add3A_1076 : vector<16xi32>
      %gather3A_1078 = tpu.vector_load_idx %arg6[%add3A_1077] : memref<1024xi32, #tpu.memory_space<vmem>>[vector<16xi32>], vector<16xi32>,
      %mul3A_1079 = arith.constant 6 : i32
      %mul3A_1080 = vector.broadcast %mul3A_1079 : i32 to vector<16xi32>
      %mul3A_1081 = arith.muli %gather3A_1066, %mul3A_1080 : vector<16xi32>
      %add3A_1082 = arith.addi %mul3A_1081, %gather3A_1070 : vector<16xi32>
      %mul3A_1083 = arith.constant 6 : i32
      %mul3A_1084 = vector.broadcast %mul3A_1083 : i32 to vector<16xi32>
      %mul3A_1085 = arith.muli %add3A_1082, %mul3A_1084 : vector<16xi32>
      %add3A_1086 = arith.addi %mul3A_1085, %gather3A_1074 : vector<16xi32>
      %mul3A_1087 = arith.constant 6 : i32
      %mul3A_1088 = vector.broadcast %mul3A_1087 : i32 to vector<16xi32>
      %mul3A_1089 = arith.muli %add3A_1086, %mul3A_1088 : vector<16xi32>
      %add3A_1090 = arith.addi %mul3A_1089, %gather3A_1078 : vector<16xi32>
      %swap3A_1091 = arith.constant 208 : index
      %swap3A_1092 = tpu.vector_load %arg8[%swap3A_1091] {strides = array<i32>} : memref<256xi32, #tpu.memory_space<vmem>>, vector<16xi32>,
      tpu.vector_store %arg8[%swap3A_1091], %add3A_1090 {strides = array<i32>} : memref<256xi32, #tpu.memory_space<vmem>>, vector<16xi32>,
      %mul3A_1093 = arith.constant 4 : i32
      %mul3A_1094 = vector.broadcast %mul3A_1093 : i32 to vector<16xi32>
      %mul3A_1095 = arith.muli %iota3A, %mul3A_1094 : vector<16xi32>
      %add3A_1096 = arith.constant 896 : i32
      %add3A_1097 = vector.broadcast %add3A_1096 : i32 to vector<16xi32>
      %add3A_1098 = arith.addi %mul3A_1095, %add3A_1097 : vector<16xi32>
      %gather3A_1099 = tpu.vector_load_idx %arg6[%add3A_1098] : memref<1024xi32, #tpu.memory_space<vmem>>[vector<16xi32>], vector<16xi32>,
      %add3A_1100 = arith.constant 1 : i32
      %add3A_1101 = vector.broadcast %add3A_1100 : i32 to vector<16xi32>
      %add3A_1102 = arith.addi %add3A_1098, %add3A_1101 : vector<16xi32>
      %gather3A_1103 = tpu.vector_load_idx %arg6[%add3A_1102] : memref<1024xi32, #tpu.memory_space<vmem>>[vector<16xi32>], vector<16xi32>,
      %add3A_1104 = arith.constant 2 : i32
      %add3A_1105 = vector.broadcast %add3A_1104 : i32 to vector<16xi32>
      %add3A_1106 = arith.addi %add3A_1098, %add3A_1105 : vector<16xi32>
      %gather3A_1107 = tpu.vector_load_idx %arg6[%add3A_1106] : memref<1024xi32, #tpu.memory_space<vmem>>[vector<16xi32>], vector<16xi32>,
      %add3A_1108 = arith.constant 3 : i32
      %add3A_1109 = vector.broadcast %add3A_1108 : i32 to vector<16xi32>
      %add3A_1110 = arith.addi %add3A_1098, %add3A_1109 : vector<16xi32>
      %gather3A_1111 = tpu.vector_load_idx %arg6[%add3A_1110] : memref<1024xi32, #tpu.memory_space<vmem>>[vector<16xi32>], vector<16xi32>,
      %mul3A_1112 = arith.constant 6 : i32
      %mul3A_1113 = vector.broadcast %mul3A_1112 : i32 to vector<16xi32>
      %mul3A_1114 = arith.muli %gather3A_1099, %mul3A_1113 : vector<16xi32>
      %add3A_1115 = arith.addi %mul3A_1114, %gather3A_1103 : vector<16xi32>
      %mul3A_1116 = arith.constant 6 : i32
      %mul3A_1117 = vector.broadcast %mul3A_1116 : i32 to vector<16xi32>
      %mul3A_1118 = arith.muli %add3A_1115, %mul3A_1117 : vector<16xi32>
      %add3A_1119 = arith.addi %mul3A_1118, %gather3A_1107 : vector<16xi32>
      %mul3A_1120 = arith.constant 6 : i32
      %mul3A_1121 = vector.broadcast %mul3A_1120 : i32 to vector<16xi32>
      %mul3A_1122 = arith.muli %add3A_1119, %mul3A_1121 : vector<16xi32>
      %add3A_1123 = arith.addi %mul3A_1122, %gather3A_1111 : vector<16xi32>
      %swap3A_1124 = arith.constant 224 : index
      %swap3A_1125 = tpu.vector_load %arg8[%swap3A_1124] {strides = array<i32>} : memref<256xi32, #tpu.memory_space<vmem>>, vector<16xi32>,
      tpu.vector_store %arg8[%swap3A_1124], %add3A_1123 {strides = array<i32>} : memref<256xi32, #tpu.memory_space<vmem>>, vector<16xi32>,
      %mul3A_1126 = arith.constant 4 : i32
      %mul3A_1127 = vector.broadcast %mul3A_1126 : i32 to vector<16xi32>
      %mul3A_1128 = arith.muli %iota3A, %mul3A_1127 : vector<16xi32>
      %add3A_1129 = arith.constant 960 : i32
      %add3A_1130 = vector.broadcast %add3A_1129 : i32 to vector<16xi32>
      %add3A_1131 = arith.addi %mul3A_1128, %add3A_1130 : vector<16xi32>
      %gather3A_1132 = tpu.vector_load_idx %arg6[%add3A_1131] : memref<1024xi32, #tpu.memory_space<vmem>>[vector<16xi32>], vector<16xi32>,
      %add3A_1133 = arith.constant 1 : i32
      %add3A_1134 = vector.broadcast %add3A_1133 : i32 to vector<16xi32>
      %add3A_1135 = arith.addi %add3A_1131, %add3A_1134 : vector<16xi32>
      %gather3A_1136 = tpu.vector_load_idx %arg6[%add3A_1135] : memref<1024xi32, #tpu.memory_space<vmem>>[vector<16xi32>], vector<16xi32>,
      %add3A_1137 = arith.constant 2 : i32
      %add3A_1138 = vector.broadcast %add3A_1137 : i32 to vector<16xi32>
      %add3A_1139 = arith.addi %add3A_1131, %add3A_1138 : vector<16xi32>
      %gather3A_1140 = tpu.vector_load_idx %arg6[%add3A_1139] : memref<1024xi32, #tpu.memory_space<vmem>>[vector<16xi32>], vector<16xi32>,
      %add3A_1141 = arith.constant 3 : i32
      %add3A_1142 = vector.broadcast %add3A_1141 : i32 to vector<16xi32>
      %add3A_1143 = arith.addi %add3A_1131, %add3A_1142 : vector<16xi32>
      %gather3A_1144 = tpu.vector_load_idx %arg6[%add3A_1143] : memref<1024xi32, #tpu.memory_space<vmem>>[vector<16xi32>], vector<16xi32>,
      %mul3A_1145 = arith.constant 6 : i32
      %mul3A_1146 = vector.broadcast %mul3A_1145 : i32 to vector<16xi32>
      %mul3A_1147 = arith.muli %gather3A_1132, %mul3A_1146 : vector<16xi32>
      %add3A_1148 = arith.addi %mul3A_1147, %gather3A_1136 : vector<16xi32>
      %mul3A_1149 = arith.constant 6 : i32
      %mul3A_1150 = vector.broadcast %mul3A_1149 : i32 to vector<16xi32>
      %mul3A_1151 = arith.muli %add3A_1148, %mul3A_1150 : vector<16xi32>
      %add3A_1152 = arith.addi %mul3A_1151, %gather3A_1140 : vector<16xi32>
      %mul3A_1153 = arith.constant 6 : i32
      %mul3A_1154 = vector.broadcast %mul3A_1153 : i32 to vector<16xi32>
      %mul3A_1155 = arith.muli %add3A_1152, %mul3A_1154 : vector<16xi32>
      %add3A_1156 = arith.addi %mul3A_1155, %gather3A_1144 : vector<16xi32>
      %swap3A_1157 = arith.constant 240 : index
      %swap3A_1158 = tpu.vector_load %arg8[%swap3A_1157] {strides = array<i32>} : memref<256xi32, #tpu.memory_space<vmem>>, vector<16xi32>,
      tpu.vector_store %arg8[%swap3A_1157], %add3A_1156 {strides = array<i32>} : memref<256xi32, #tpu.memory_space<vmem>>, vector<16xi32>,
      %gt3A = arith.constant 0 : i32
      %gt3A_1159 = arith.cmpi sgt, %scan3A_587, %gt3A : i32
      %convert_element_type3A_1160 = arith.extui %gt3A_1159 : i1 to i32
      %cond3A_1161 = arith.constant 0 : i32
      %cond3A_1162 = arith.cmpi ne, %convert_element_type3A_1160, %cond3A_1161 : i32
      scf.if %cond3A_1162 {
        %sub3A = arith.constant 1 : i32
        %sub3A_1219 = arith.subi %mul3A_589, %sub3A : i32
        %mul3A_1220 = arith.constant 256 : i32
        %mul3A_1221 = arith.muli %sub3A_1219, %mul3A_1220 : i32
        %add3A_1222 = arith.addi %mul3A_2, %mul3A_1221 : i32
        %multiple_of3A_1223 = tpu.assume_multiple %add3A_1222, 256 : i32
        %dma_wait3A_1224 = arith.constant 0 : i32
        %dma_wait3A_1225 = tpu.memref_slice %arg4[%multiple_of3A_1223, %dma_wait3A_1224] : memref<819200x128xf32, #tpu.memory_space<hbm>> -> memref<256x128xf32, #tpu.memory_space<hbm>>
        %dma_wait3A_1226 = arith.constant 0 : i32
        %dma_wait3A_1227 = tpu.memref_slice %arg4[%multiple_of3A_1223, %dma_wait3A_1226] : memref<819200x128xf32, #tpu.memory_space<hbm>> -> memref<256x128xf32, #tpu.memory_space<hbm>>
        tpu.wait_dma2 semaphore(%arg17 : memref<!tpu.dma_semaphore, #tpu.memory_space<semaphore_mem>>) src(%arg10 : memref<256x128xf32, #tpu.memory_space<vmem>>) dst(%dma_wait3A_1227 : memref<256x128xf32, #tpu.memory_space<hbm>>)
      } else {
      }
      %dma_start3A_1163 = arith.constant 0 : i32
      %dma_start3A_1164 = arith.constant 0 : i32
      %dma_start3A_1165 = tpu.memref_slice %arg10[%dma_start3A_1163, %dma_start3A_1164] : memref<256x128xf32, #tpu.memory_space<vmem>> -> memref<128x128xf32, #tpu.memory_space<vmem>>
      %dma_start3A_1166 = arith.constant 0 : i32
      %dma_start3A_1167 = tpu.memref_slice %arg8[%dma_start3A_1166] : memref<256xi32, #tpu.memory_space<vmem>> -> memref<128xi32, #tpu.memory_space<vmem>>
      %dma_start3A_1168 = arith.constant 0 : i32
      %dma_start3A_1169 = arith.constant 0 : i32
      %dma_start3A_1170 = tpu.memref_slice %arg11[%dma_start3A_1168, %dma_start3A_1169] : memref<1296x128xf32, #tpu.memory_space<vmem_shared>> -> memref<1296x128xf32, #tpu.memory_space<vmem_shared>>
      tpu.enqueue_indirect_dma source(%dma_start3A_1170 : memref<1296x128xf32, #tpu.memory_space<vmem_shared>>) target(%dma_start3A_1165 : memref<128x128xf32, #tpu.memory_space<vmem>>) offsets(%dma_start3A_1167 : memref<128xi32, #tpu.memory_space<vmem>>) semaphore(%arg15 : memref<!tpu.dma_semaphore, #tpu.memory_space<semaphore_mem>>)
      %dma_start3A_1171 = arith.constant 128 : i32
      %dma_start3A_1172 = arith.constant 0 : i32
      %dma_start3A_1173 = tpu.memref_slice %arg10[%dma_start3A_1171, %dma_start3A_1172] : memref<256x128xf32, #tpu.memory_space<vmem>> -> memref<128x128xf32, #tpu.memory_space<vmem>>
      %dma_start3A_1174 = arith.constant 128 : i32
      %dma_start3A_1175 = tpu.memref_slice %arg8[%dma_start3A_1174] : memref<256xi32, #tpu.memory_space<vmem>> -> memref<128xi32, #tpu.memory_space<vmem>>
      %dma_start3A_1176 = arith.constant 0 : i32
      %dma_start3A_1177 = arith.constant 0 : i32
      %dma_start3A_1178 = tpu.memref_slice %arg11[%dma_start3A_1176, %dma_start3A_1177] : memref<1296x128xf32, #tpu.memory_space<vmem_shared>> -> memref<1296x128xf32, #tpu.memory_space<vmem_shared>>
      tpu.enqueue_indirect_dma source(%dma_start3A_1178 : memref<1296x128xf32, #tpu.memory_space<vmem_shared>>) target(%dma_start3A_1173 : memref<128x128xf32, #tpu.memory_space<vmem>>) offsets(%dma_start3A_1175 : memref<128xi32, #tpu.memory_space<vmem>>) semaphore(%arg15 : memref<!tpu.dma_semaphore, #tpu.memory_space<semaphore_mem>>)
      %dma_wait3A_1179 = arith.constant 0 : i32
      %dma_wait3A_1180 = arith.constant 0 : i32
      %dma_wait3A_1181 = tpu.memref_slice %arg10[%dma_wait3A_1179, %dma_wait3A_1180] : memref<256x128xf32, #tpu.memory_space<vmem>> -> memref<128x128xf32, #tpu.memory_space<vmem>>
      %dma_wait3A_1182 = arith.constant 0 : i32
      %dma_wait3A_1183 = tpu.memref_slice %arg8[%dma_wait3A_1182] : memref<256xi32, #tpu.memory_space<vmem>> -> memref<128xi32, #tpu.memory_space<vmem>>
      %dma_wait3A_1184 = arith.constant 0 : i32
      %dma_wait3A_1185 = arith.constant 0 : i32
      %dma_wait3A_1186 = tpu.memref_slice %arg11[%dma_wait3A_1184, %dma_wait3A_1185] : memref<1296x128xf32, #tpu.memory_space<vmem_shared>> -> memref<1296x128xf32, #tpu.memory_space<vmem_shared>>
      tpu.wait_indirect_dma semaphore(%arg15 : memref<!tpu.dma_semaphore, #tpu.memory_space<semaphore_mem>>) src(%dma_wait3A_1186 : memref<1296x128xf32, #tpu.memory_space<vmem_shared>>) dst(%dma_wait3A_1181 : memref<128x128xf32, #tpu.memory_space<vmem>>)
      %dma_wait3A_1187 = arith.constant 128 : i32
      %dma_wait3A_1188 = arith.constant 0 : i32
      %dma_wait3A_1189 = tpu.memref_slice %arg10[%dma_wait3A_1187, %dma_wait3A_1188] : memref<256x128xf32, #tpu.memory_space<vmem>> -> memref<128x128xf32, #tpu.memory_space<vmem>>
      %dma_wait3A_1190 = arith.constant 128 : i32
      %dma_wait3A_1191 = tpu.memref_slice %arg8[%dma_wait3A_1190] : memref<256xi32, #tpu.memory_space<vmem>> -> memref<128xi32, #tpu.memory_space<vmem>>
      %dma_wait3A_1192 = arith.constant 0 : i32
      %dma_wait3A_1193 = arith.constant 0 : i32
      %dma_wait3A_1194 = tpu.memref_slice %arg11[%dma_wait3A_1192, %dma_wait3A_1193] : memref<1296x128xf32, #tpu.memory_space<vmem_shared>> -> memref<1296x128xf32, #tpu.memory_space<vmem_shared>>
      tpu.wait_indirect_dma semaphore(%arg15 : memref<!tpu.dma_semaphore, #tpu.memory_space<semaphore_mem>>) src(%dma_wait3A_1194 : memref<1296x128xf32, #tpu.memory_space<vmem_shared>>) dst(%dma_wait3A_1189 : memref<128x128xf32, #tpu.memory_space<vmem>>)
      %add3A_1195 = arith.constant 1 : i32
      %add3A_1196 = arith.addi %mul3A_589, %add3A_1195 : i32
      %mul3A_1197 = arith.constant 256 : i32
      %mul3A_1198 = arith.muli %add3A_1196, %mul3A_1197 : i32
      %add3A_1199 = arith.addi %mul3A_2, %mul3A_1198 : i32
      %multiple_of3A_1200 = tpu.assume_multiple %add3A_1199, 256 : i32
      %dma_start3A_1201 = arith.constant 0 : i32
      %dma_start3A_1202 = tpu.memref_slice %arg4[%multiple_of3A_1200, %dma_start3A_1201] : memref<819200x128xf32, #tpu.memory_space<hbm>> -> memref<256x128xf32, #tpu.memory_space<hbm>>
      %dma_start3A_1203 = arith.constant 0 : i32
      %dma_start3A_1204 = tpu.memref_slice %arg4[%multiple_of3A_1200, %dma_start3A_1203] : memref<819200x128xf32, #tpu.memory_space<hbm>> -> memref<256x128xf32, #tpu.memory_space<hbm>>
      tpu.enqueue_dma source(%arg10 : memref<256x128xf32, #tpu.memory_space<vmem>>) target(%dma_start3A_1204 : memref<256x128xf32, #tpu.memory_space<hbm>>) target_semaphore(%arg17 : memref<!tpu.dma_semaphore, #tpu.memory_space<semaphore_mem>>)
      %add3A_1205 = arith.constant 3 : i32
      %add3A_1206 = arith.addi %mul3A_589, %add3A_1205 : i32
      %lt3A_1207 = arith.constant 100 : i32
      %lt3A_1208 = arith.cmpi slt, %add3A_1206, %lt3A_1207 : i32
      %convert_element_type3A_1209 = arith.extui %lt3A_1208 : i1 to i32
      %cond3A_1210 = arith.constant 0 : i32
      %cond3A_1211 = arith.cmpi ne, %convert_element_type3A_1209, %cond3A_1210 : i32
      scf.if %cond3A_1211 {
        %add3A_1219 = arith.constant 3 : i32
        %add3A_1220 = arith.addi %mul3A_589, %add3A_1219 : i32
        %mul3A_1221 = arith.constant 256 : i32
        %mul3A_1222 = arith.muli %add3A_1220, %mul3A_1221 : i32
        %add3A_1223 = arith.addi %mul3A_2, %mul3A_1222 : i32
        %multiple_of3A_1224 = tpu.assume_multiple %add3A_1223, 256 : i32
        %mul3A_1225 = arith.constant 4 : i32
        %mul3A_1226 = arith.muli %multiple_of3A_1224, %mul3A_1225 : i32
        %multiple_of3A_1227 = tpu.assume_multiple %mul3A_1226, 1024 : i32
        %dma_start3A_1228 = tpu.memref_slice %arg2[%multiple_of3A_1227] : memref<3276800xi32, #tpu.memory_space<hbm>> -> memref<1024xi32, #tpu.memory_space<hbm>>
        %dma_start3A_1229 = tpu.memref_slice %arg2[%multiple_of3A_1227] : memref<3276800xi32, #tpu.memory_space<hbm>> -> memref<1024xi32, #tpu.memory_space<hbm>>
        tpu.enqueue_dma source(%dma_start3A_1229 : memref<1024xi32, #tpu.memory_space<hbm>>) target(%arg6 : memref<1024xi32, #tpu.memory_space<vmem>>) target_semaphore(%arg13 : memref<!tpu.dma_semaphore, #tpu.memory_space<semaphore_mem>>)
      } else {
      }
      %add3A_1212 = arith.constant 2 : i32
      %add3A_1213 = arith.addi %mul3A_589, %add3A_1212 : i32
      %lt3A_1214 = arith.constant 100 : i32
      %lt3A_1215 = arith.cmpi slt, %add3A_1213, %lt3A_1214 : i32
      %convert_element_type3A_1216 = arith.extui %lt3A_1215 : i1 to i32
      %cond3A_1217 = arith.constant 0 : i32
      %cond3A_1218 = arith.cmpi ne, %convert_element_type3A_1216, %cond3A_1217 : i32
      scf.if %cond3A_1218 {
        %add3A_1219 = arith.constant 2 : i32
        %add3A_1220 = arith.addi %mul3A_589, %add3A_1219 : i32
        %mul3A_1221 = arith.constant 256 : i32
        %mul3A_1222 = arith.muli %add3A_1220, %mul3A_1221 : i32
        %add3A_1223 = arith.addi %mul3A_2, %mul3A_1222 : i32
        %multiple_of3A_1224 = tpu.assume_multiple %add3A_1223, 256 : i32
        %mul3A_1225 = arith.constant 4 : i32
        %mul3A_1226 = arith.muli %multiple_of3A_1224, %mul3A_1225 : i32
        %multiple_of3A_1227 = tpu.assume_multiple %mul3A_1226, 1024 : i32
        %dma_wait3A_1228 = tpu.memref_slice %arg2[%multiple_of3A_1227] : memref<3276800xi32, #tpu.memory_space<hbm>> -> memref<1024xi32, #tpu.memory_space<hbm>>
        %dma_wait3A_1229 = tpu.memref_slice %arg2[%multiple_of3A_1227] : memref<3276800xi32, #tpu.memory_space<hbm>> -> memref<1024xi32, #tpu.memory_space<hbm>>
        tpu.wait_dma2 semaphore(%arg12 : memref<!tpu.dma_semaphore, #tpu.memory_space<semaphore_mem>>) src(%dma_wait3A_1229 : memref<1024xi32, #tpu.memory_space<hbm>>) dst(%arg5 : memref<1024xi32, #tpu.memory_space<vmem>>)
        %mul3A_1230 = arith.constant 4 : i32
        %mul3A_1231 = vector.broadcast %mul3A_1230 : i32 to vector<16xi32>
        %mul3A_1232 = arith.muli %iota3A, %mul3A_1231 : vector<16xi32>
        %add3A_1233 = arith.constant 0 : i32
        %add3A_1234 = vector.broadcast %add3A_1233 : i32 to vector<16xi32>
        %add3A_1235 = arith.addi %mul3A_1232, %add3A_1234 : vector<16xi32>
        %gather3A_1236 = tpu.vector_load_idx %arg5[%add3A_1235] : memref<1024xi32, #tpu.memory_space<vmem>>[vector<16xi32>], vector<16xi32>,
        %add3A_1237 = arith.constant 1 : i32
        %add3A_1238 = vector.broadcast %add3A_1237 : i32 to vector<16xi32>
        %add3A_1239 = arith.addi %add3A_1235, %add3A_1238 : vector<16xi32>
        %gather3A_1240 = tpu.vector_load_idx %arg5[%add3A_1239] : memref<1024xi32, #tpu.memory_space<vmem>>[vector<16xi32>], vector<16xi32>,
        %add3A_1241 = arith.constant 2 : i32
        %add3A_1242 = vector.broadcast %add3A_1241 : i32 to vector<16xi32>
        %add3A_1243 = arith.addi %add3A_1235, %add3A_1242 : vector<16xi32>
        %gather3A_1244 = tpu.vector_load_idx %arg5[%add3A_1243] : memref<1024xi32, #tpu.memory_space<vmem>>[vector<16xi32>], vector<16xi32>,
        %add3A_1245 = arith.constant 3 : i32
        %add3A_1246 = vector.broadcast %add3A_1245 : i32 to vector<16xi32>
        %add3A_1247 = arith.addi %add3A_1235, %add3A_1246 : vector<16xi32>
        %gather3A_1248 = tpu.vector_load_idx %arg5[%add3A_1247] : memref<1024xi32, #tpu.memory_space<vmem>>[vector<16xi32>], vector<16xi32>,
        %mul3A_1249 = arith.constant 6 : i32
        %mul3A_1250 = vector.broadcast %mul3A_1249 : i32 to vector<16xi32>
        %mul3A_1251 = arith.muli %gather3A_1236, %mul3A_1250 : vector<16xi32>
        %add3A_1252 = arith.addi %mul3A_1251, %gather3A_1240 : vector<16xi32>
        %mul3A_1253 = arith.constant 6 : i32
        %mul3A_1254 = vector.broadcast %mul3A_1253 : i32 to vector<16xi32>
        %mul3A_1255 = arith.muli %add3A_1252, %mul3A_1254 : vector<16xi32>
        %add3A_1256 = arith.addi %mul3A_1255, %gather3A_1244 : vector<16xi32>
        %mul3A_1257 = arith.constant 6 : i32
        %mul3A_1258 = vector.broadcast %mul3A_1257 : i32 to vector<16xi32>
        %mul3A_1259 = arith.muli %add3A_1256, %mul3A_1258 : vector<16xi32>
        %add3A_1260 = arith.addi %mul3A_1259, %gather3A_1248 : vector<16xi32>
        %swap3A_1261 = arith.constant 0 : index
        %swap3A_1262 = tpu.vector_load %arg7[%swap3A_1261] {strides = array<i32>} : memref<256xi32, #tpu.memory_space<vmem>>, vector<16xi32>,
        tpu.vector_store %arg7[%swap3A_1261], %add3A_1260 {strides = array<i32>} : memref<256xi32, #tpu.memory_space<vmem>>, vector<16xi32>,
        %mul3A_1263 = arith.constant 4 : i32
        %mul3A_1264 = vector.broadcast %mul3A_1263 : i32 to vector<16xi32>
        %mul3A_1265 = arith.muli %iota3A, %mul3A_1264 : vector<16xi32>
        %add3A_1266 = arith.constant 64 : i32
        %add3A_1267 = vector.broadcast %add3A_1266 : i32 to vector<16xi32>
        %add3A_1268 = arith.addi %mul3A_1265, %add3A_1267 : vector<16xi32>
        %gather3A_1269 = tpu.vector_load_idx %arg5[%add3A_1268] : memref<1024xi32, #tpu.memory_space<vmem>>[vector<16xi32>], vector<16xi32>,
        %add3A_1270 = arith.constant 1 : i32
        %add3A_1271 = vector.broadcast %add3A_1270 : i32 to vector<16xi32>
        %add3A_1272 = arith.addi %add3A_1268, %add3A_1271 : vector<16xi32>
        %gather3A_1273 = tpu.vector_load_idx %arg5[%add3A_1272] : memref<1024xi32, #tpu.memory_space<vmem>>[vector<16xi32>], vector<16xi32>,
        %add3A_1274 = arith.constant 2 : i32
        %add3A_1275 = vector.broadcast %add3A_1274 : i32 to vector<16xi32>
        %add3A_1276 = arith.addi %add3A_1268, %add3A_1275 : vector<16xi32>
        %gather3A_1277 = tpu.vector_load_idx %arg5[%add3A_1276] : memref<1024xi32, #tpu.memory_space<vmem>>[vector<16xi32>], vector<16xi32>,
        %add3A_1278 = arith.constant 3 : i32
        %add3A_1279 = vector.broadcast %add3A_1278 : i32 to vector<16xi32>
        %add3A_1280 = arith.addi %add3A_1268, %add3A_1279 : vector<16xi32>
        %gather3A_1281 = tpu.vector_load_idx %arg5[%add3A_1280] : memref<1024xi32, #tpu.memory_space<vmem>>[vector<16xi32>], vector<16xi32>,
        %mul3A_1282 = arith.constant 6 : i32
        %mul3A_1283 = vector.broadcast %mul3A_1282 : i32 to vector<16xi32>
        %mul3A_1284 = arith.muli %gather3A_1269, %mul3A_1283 : vector<16xi32>
        %add3A_1285 = arith.addi %mul3A_1284, %gather3A_1273 : vector<16xi32>
        %mul3A_1286 = arith.constant 6 : i32
        %mul3A_1287 = vector.broadcast %mul3A_1286 : i32 to vector<16xi32>
        %mul3A_1288 = arith.muli %add3A_1285, %mul3A_1287 : vector<16xi32>
        %add3A_1289 = arith.addi %mul3A_1288, %gather3A_1277 : vector<16xi32>
        %mul3A_1290 = arith.constant 6 : i32
        %mul3A_1291 = vector.broadcast %mul3A_1290 : i32 to vector<16xi32>
        %mul3A_1292 = arith.muli %add3A_1289, %mul3A_1291 : vector<16xi32>
        %add3A_1293 = arith.addi %mul3A_1292, %gather3A_1281 : vector<16xi32>
        %swap3A_1294 = arith.constant 16 : index
        %swap3A_1295 = tpu.vector_load %arg7[%swap3A_1294] {strides = array<i32>} : memref<256xi32, #tpu.memory_space<vmem>>, vector<16xi32>,
        tpu.vector_store %arg7[%swap3A_1294], %add3A_1293 {strides = array<i32>} : memref<256xi32, #tpu.memory_space<vmem>>, vector<16xi32>,
        %mul3A_1296 = arith.constant 4 : i32
        %mul3A_1297 = vector.broadcast %mul3A_1296 : i32 to vector<16xi32>
        %mul3A_1298 = arith.muli %iota3A, %mul3A_1297 : vector<16xi32>
        %add3A_1299 = arith.constant 128 : i32
        %add3A_1300 = vector.broadcast %add3A_1299 : i32 to vector<16xi32>
        %add3A_1301 = arith.addi %mul3A_1298, %add3A_1300 : vector<16xi32>
        %gather3A_1302 = tpu.vector_load_idx %arg5[%add3A_1301] : memref<1024xi32, #tpu.memory_space<vmem>>[vector<16xi32>], vector<16xi32>,
        %add3A_1303 = arith.constant 1 : i32
        %add3A_1304 = vector.broadcast %add3A_1303 : i32 to vector<16xi32>
        %add3A_1305 = arith.addi %add3A_1301, %add3A_1304 : vector<16xi32>
        %gather3A_1306 = tpu.vector_load_idx %arg5[%add3A_1305] : memref<1024xi32, #tpu.memory_space<vmem>>[vector<16xi32>], vector<16xi32>,
        %add3A_1307 = arith.constant 2 : i32
        %add3A_1308 = vector.broadcast %add3A_1307 : i32 to vector<16xi32>
        %add3A_1309 = arith.addi %add3A_1301, %add3A_1308 : vector<16xi32>
        %gather3A_1310 = tpu.vector_load_idx %arg5[%add3A_1309] : memref<1024xi32, #tpu.memory_space<vmem>>[vector<16xi32>], vector<16xi32>,
        %add3A_1311 = arith.constant 3 : i32
        %add3A_1312 = vector.broadcast %add3A_1311 : i32 to vector<16xi32>
        %add3A_1313 = arith.addi %add3A_1301, %add3A_1312 : vector<16xi32>
        %gather3A_1314 = tpu.vector_load_idx %arg5[%add3A_1313] : memref<1024xi32, #tpu.memory_space<vmem>>[vector<16xi32>], vector<16xi32>,
        %mul3A_1315 = arith.constant 6 : i32
        %mul3A_1316 = vector.broadcast %mul3A_1315 : i32 to vector<16xi32>
        %mul3A_1317 = arith.muli %gather3A_1302, %mul3A_1316 : vector<16xi32>
        %add3A_1318 = arith.addi %mul3A_1317, %gather3A_1306 : vector<16xi32>
        %mul3A_1319 = arith.constant 6 : i32
        %mul3A_1320 = vector.broadcast %mul3A_1319 : i32 to vector<16xi32>
        %mul3A_1321 = arith.muli %add3A_1318, %mul3A_1320 : vector<16xi32>
        %add3A_1322 = arith.addi %mul3A_1321, %gather3A_1310 : vector<16xi32>
        %mul3A_1323 = arith.constant 6 : i32
        %mul3A_1324 = vector.broadcast %mul3A_1323 : i32 to vector<16xi32>
        %mul3A_1325 = arith.muli %add3A_1322, %mul3A_1324 : vector<16xi32>
        %add3A_1326 = arith.addi %mul3A_1325, %gather3A_1314 : vector<16xi32>
        %swap3A_1327 = arith.constant 32 : index
        %swap3A_1328 = tpu.vector_load %arg7[%swap3A_1327] {strides = array<i32>} : memref<256xi32, #tpu.memory_space<vmem>>, vector<16xi32>,
        tpu.vector_store %arg7[%swap3A_1327], %add3A_1326 {strides = array<i32>} : memref<256xi32, #tpu.memory_space<vmem>>, vector<16xi32>,
        %mul3A_1329 = arith.constant 4 : i32
        %mul3A_1330 = vector.broadcast %mul3A_1329 : i32 to vector<16xi32>
        %mul3A_1331 = arith.muli %iota3A, %mul3A_1330 : vector<16xi32>
        %add3A_1332 = arith.constant 192 : i32
        %add3A_1333 = vector.broadcast %add3A_1332 : i32 to vector<16xi32>
        %add3A_1334 = arith.addi %mul3A_1331, %add3A_1333 : vector<16xi32>
        %gather3A_1335 = tpu.vector_load_idx %arg5[%add3A_1334] : memref<1024xi32, #tpu.memory_space<vmem>>[vector<16xi32>], vector<16xi32>,
        %add3A_1336 = arith.constant 1 : i32
        %add3A_1337 = vector.broadcast %add3A_1336 : i32 to vector<16xi32>
        %add3A_1338 = arith.addi %add3A_1334, %add3A_1337 : vector<16xi32>
        %gather3A_1339 = tpu.vector_load_idx %arg5[%add3A_1338] : memref<1024xi32, #tpu.memory_space<vmem>>[vector<16xi32>], vector<16xi32>,
        %add3A_1340 = arith.constant 2 : i32
        %add3A_1341 = vector.broadcast %add3A_1340 : i32 to vector<16xi32>
        %add3A_1342 = arith.addi %add3A_1334, %add3A_1341 : vector<16xi32>
        %gather3A_1343 = tpu.vector_load_idx %arg5[%add3A_1342] : memref<1024xi32, #tpu.memory_space<vmem>>[vector<16xi32>], vector<16xi32>,
        %add3A_1344 = arith.constant 3 : i32
        %add3A_1345 = vector.broadcast %add3A_1344 : i32 to vector<16xi32>
        %add3A_1346 = arith.addi %add3A_1334, %add3A_1345 : vector<16xi32>
        %gather3A_1347 = tpu.vector_load_idx %arg5[%add3A_1346] : memref<1024xi32, #tpu.memory_space<vmem>>[vector<16xi32>], vector<16xi32>,
        %mul3A_1348 = arith.constant 6 : i32
        %mul3A_1349 = vector.broadcast %mul3A_1348 : i32 to vector<16xi32>
        %mul3A_1350 = arith.muli %gather3A_1335, %mul3A_1349 : vector<16xi32>
        %add3A_1351 = arith.addi %mul3A_1350, %gather3A_1339 : vector<16xi32>
        %mul3A_1352 = arith.constant 6 : i32
        %mul3A_1353 = vector.broadcast %mul3A_1352 : i32 to vector<16xi32>
        %mul3A_1354 = arith.muli %add3A_1351, %mul3A_1353 : vector<16xi32>
        %add3A_1355 = arith.addi %mul3A_1354, %gather3A_1343 : vector<16xi32>
        %mul3A_1356 = arith.constant 6 : i32
        %mul3A_1357 = vector.broadcast %mul3A_1356 : i32 to vector<16xi32>
        %mul3A_1358 = arith.muli %add3A_1355, %mul3A_1357 : vector<16xi32>
        %add3A_1359 = arith.addi %mul3A_1358, %gather3A_1347 : vector<16xi32>
        %swap3A_1360 = arith.constant 48 : index
        %swap3A_1361 = tpu.vector_load %arg7[%swap3A_1360] {strides = array<i32>} : memref<256xi32, #tpu.memory_space<vmem>>, vector<16xi32>,
        tpu.vector_store %arg7[%swap3A_1360], %add3A_1359 {strides = array<i32>} : memref<256xi32, #tpu.memory_space<vmem>>, vector<16xi32>,
        %mul3A_1362 = arith.constant 4 : i32
        %mul3A_1363 = vector.broadcast %mul3A_1362 : i32 to vector<16xi32>
        %mul3A_1364 = arith.muli %iota3A, %mul3A_1363 : vector<16xi32>
        %add3A_1365 = arith.constant 256 : i32
        %add3A_1366 = vector.broadcast %add3A_1365 : i32 to vector<16xi32>
        %add3A_1367 = arith.addi %mul3A_1364, %add3A_1366 : vector<16xi32>
        %gather3A_1368 = tpu.vector_load_idx %arg5[%add3A_1367] : memref<1024xi32, #tpu.memory_space<vmem>>[vector<16xi32>], vector<16xi32>,
        %add3A_1369 = arith.constant 1 : i32
        %add3A_1370 = vector.broadcast %add3A_1369 : i32 to vector<16xi32>
        %add3A_1371 = arith.addi %add3A_1367, %add3A_1370 : vector<16xi32>
        %gather3A_1372 = tpu.vector_load_idx %arg5[%add3A_1371] : memref<1024xi32, #tpu.memory_space<vmem>>[vector<16xi32>], vector<16xi32>,
        %add3A_1373 = arith.constant 2 : i32
        %add3A_1374 = vector.broadcast %add3A_1373 : i32 to vector<16xi32>
        %add3A_1375 = arith.addi %add3A_1367, %add3A_1374 : vector<16xi32>
        %gather3A_1376 = tpu.vector_load_idx %arg5[%add3A_1375] : memref<1024xi32, #tpu.memory_space<vmem>>[vector<16xi32>], vector<16xi32>,
        %add3A_1377 = arith.constant 3 : i32
        %add3A_1378 = vector.broadcast %add3A_1377 : i32 to vector<16xi32>
        %add3A_1379 = arith.addi %add3A_1367, %add3A_1378 : vector<16xi32>
        %gather3A_1380 = tpu.vector_load_idx %arg5[%add3A_1379] : memref<1024xi32, #tpu.memory_space<vmem>>[vector<16xi32>], vector<16xi32>,
        %mul3A_1381 = arith.constant 6 : i32
        %mul3A_1382 = vector.broadcast %mul3A_1381 : i32 to vector<16xi32>
        %mul3A_1383 = arith.muli %gather3A_1368, %mul3A_1382 : vector<16xi32>
        %add3A_1384 = arith.addi %mul3A_1383, %gather3A_1372 : vector<16xi32>
        %mul3A_1385 = arith.constant 6 : i32
        %mul3A_1386 = vector.broadcast %mul3A_1385 : i32 to vector<16xi32>
        %mul3A_1387 = arith.muli %add3A_1384, %mul3A_1386 : vector<16xi32>
        %add3A_1388 = arith.addi %mul3A_1387, %gather3A_1376 : vector<16xi32>
        %mul3A_1389 = arith.constant 6 : i32
        %mul3A_1390 = vector.broadcast %mul3A_1389 : i32 to vector<16xi32>
        %mul3A_1391 = arith.muli %add3A_1388, %mul3A_1390 : vector<16xi32>
        %add3A_1392 = arith.addi %mul3A_1391, %gather3A_1380 : vector<16xi32>
        %swap3A_1393 = arith.constant 64 : index
        %swap3A_1394 = tpu.vector_load %arg7[%swap3A_1393] {strides = array<i32>} : memref<256xi32, #tpu.memory_space<vmem>>, vector<16xi32>,
        tpu.vector_store %arg7[%swap3A_1393], %add3A_1392 {strides = array<i32>} : memref<256xi32, #tpu.memory_space<vmem>>, vector<16xi32>,
        %mul3A_1395 = arith.constant 4 : i32
        %mul3A_1396 = vector.broadcast %mul3A_1395 : i32 to vector<16xi32>
        %mul3A_1397 = arith.muli %iota3A, %mul3A_1396 : vector<16xi32>
        %add3A_1398 = arith.constant 320 : i32
        %add3A_1399 = vector.broadcast %add3A_1398 : i32 to vector<16xi32>
        %add3A_1400 = arith.addi %mul3A_1397, %add3A_1399 : vector<16xi32>
        %gather3A_1401 = tpu.vector_load_idx %arg5[%add3A_1400] : memref<1024xi32, #tpu.memory_space<vmem>>[vector<16xi32>], vector<16xi32>,
        %add3A_1402 = arith.constant 1 : i32
        %add3A_1403 = vector.broadcast %add3A_1402 : i32 to vector<16xi32>
        %add3A_1404 = arith.addi %add3A_1400, %add3A_1403 : vector<16xi32>
        %gather3A_1405 = tpu.vector_load_idx %arg5[%add3A_1404] : memref<1024xi32, #tpu.memory_space<vmem>>[vector<16xi32>], vector<16xi32>,
        %add3A_1406 = arith.constant 2 : i32
        %add3A_1407 = vector.broadcast %add3A_1406 : i32 to vector<16xi32>
        %add3A_1408 = arith.addi %add3A_1400, %add3A_1407 : vector<16xi32>
        %gather3A_1409 = tpu.vector_load_idx %arg5[%add3A_1408] : memref<1024xi32, #tpu.memory_space<vmem>>[vector<16xi32>], vector<16xi32>,
        %add3A_1410 = arith.constant 3 : i32
        %add3A_1411 = vector.broadcast %add3A_1410 : i32 to vector<16xi32>
        %add3A_1412 = arith.addi %add3A_1400, %add3A_1411 : vector<16xi32>
        %gather3A_1413 = tpu.vector_load_idx %arg5[%add3A_1412] : memref<1024xi32, #tpu.memory_space<vmem>>[vector<16xi32>], vector<16xi32>,
        %mul3A_1414 = arith.constant 6 : i32
        %mul3A_1415 = vector.broadcast %mul3A_1414 : i32 to vector<16xi32>
        %mul3A_1416 = arith.muli %gather3A_1401, %mul3A_1415 : vector<16xi32>
        %add3A_1417 = arith.addi %mul3A_1416, %gather3A_1405 : vector<16xi32>
        %mul3A_1418 = arith.constant 6 : i32
        %mul3A_1419 = vector.broadcast %mul3A_1418 : i32 to vector<16xi32>
        %mul3A_1420 = arith.muli %add3A_1417, %mul3A_1419 : vector<16xi32>
        %add3A_1421 = arith.addi %mul3A_1420, %gather3A_1409 : vector<16xi32>
        %mul3A_1422 = arith.constant 6 : i32
        %mul3A_1423 = vector.broadcast %mul3A_1422 : i32 to vector<16xi32>
        %mul3A_1424 = arith.muli %add3A_1421, %mul3A_1423 : vector<16xi32>
        %add3A_1425 = arith.addi %mul3A_1424, %gather3A_1413 : vector<16xi32>
        %swap3A_1426 = arith.constant 80 : index
        %swap3A_1427 = tpu.vector_load %arg7[%swap3A_1426] {strides = array<i32>} : memref<256xi32, #tpu.memory_space<vmem>>, vector<16xi32>,
        tpu.vector_store %arg7[%swap3A_1426], %add3A_1425 {strides = array<i32>} : memref<256xi32, #tpu.memory_space<vmem>>, vector<16xi32>,
        %mul3A_1428 = arith.constant 4 : i32
        %mul3A_1429 = vector.broadcast %mul3A_1428 : i32 to vector<16xi32>
        %mul3A_1430 = arith.muli %iota3A, %mul3A_1429 : vector<16xi32>
        %add3A_1431 = arith.constant 384 : i32
        %add3A_1432 = vector.broadcast %add3A_1431 : i32 to vector<16xi32>
        %add3A_1433 = arith.addi %mul3A_1430, %add3A_1432 : vector<16xi32>
        %gather3A_1434 = tpu.vector_load_idx %arg5[%add3A_1433] : memref<1024xi32, #tpu.memory_space<vmem>>[vector<16xi32>], vector<16xi32>,
        %add3A_1435 = arith.constant 1 : i32
        %add3A_1436 = vector.broadcast %add3A_1435 : i32 to vector<16xi32>
        %add3A_1437 = arith.addi %add3A_1433, %add3A_1436 : vector<16xi32>
        %gather3A_1438 = tpu.vector_load_idx %arg5[%add3A_1437] : memref<1024xi32, #tpu.memory_space<vmem>>[vector<16xi32>], vector<16xi32>,
        %add3A_1439 = arith.constant 2 : i32
        %add3A_1440 = vector.broadcast %add3A_1439 : i32 to vector<16xi32>
        %add3A_1441 = arith.addi %add3A_1433, %add3A_1440 : vector<16xi32>
        %gather3A_1442 = tpu.vector_load_idx %arg5[%add3A_1441] : memref<1024xi32, #tpu.memory_space<vmem>>[vector<16xi32>], vector<16xi32>,
        %add3A_1443 = arith.constant 3 : i32
        %add3A_1444 = vector.broadcast %add3A_1443 : i32 to vector<16xi32>
        %add3A_1445 = arith.addi %add3A_1433, %add3A_1444 : vector<16xi32>
        %gather3A_1446 = tpu.vector_load_idx %arg5[%add3A_1445] : memref<1024xi32, #tpu.memory_space<vmem>>[vector<16xi32>], vector<16xi32>,
        %mul3A_1447 = arith.constant 6 : i32
        %mul3A_1448 = vector.broadcast %mul3A_1447 : i32 to vector<16xi32>
        %mul3A_1449 = arith.muli %gather3A_1434, %mul3A_1448 : vector<16xi32>
        %add3A_1450 = arith.addi %mul3A_1449, %gather3A_1438 : vector<16xi32>
        %mul3A_1451 = arith.constant 6 : i32
        %mul3A_1452 = vector.broadcast %mul3A_1451 : i32 to vector<16xi32>
        %mul3A_1453 = arith.muli %add3A_1450, %mul3A_1452 : vector<16xi32>
        %add3A_1454 = arith.addi %mul3A_1453, %gather3A_1442 : vector<16xi32>
        %mul3A_1455 = arith.constant 6 : i32
        %mul3A_1456 = vector.broadcast %mul3A_1455 : i32 to vector<16xi32>
        %mul3A_1457 = arith.muli %add3A_1454, %mul3A_1456 : vector<16xi32>
        %add3A_1458 = arith.addi %mul3A_1457, %gather3A_1446 : vector<16xi32>
        %swap3A_1459 = arith.constant 96 : index
        %swap3A_1460 = tpu.vector_load %arg7[%swap3A_1459] {strides = array<i32>} : memref<256xi32, #tpu.memory_space<vmem>>, vector<16xi32>,
        tpu.vector_store %arg7[%swap3A_1459], %add3A_1458 {strides = array<i32>} : memref<256xi32, #tpu.memory_space<vmem>>, vector<16xi32>,
        %mul3A_1461 = arith.constant 4 : i32
        %mul3A_1462 = vector.broadcast %mul3A_1461 : i32 to vector<16xi32>
        %mul3A_1463 = arith.muli %iota3A, %mul3A_1462 : vector<16xi32>
        %add3A_1464 = arith.constant 448 : i32
        %add3A_1465 = vector.broadcast %add3A_1464 : i32 to vector<16xi32>
        %add3A_1466 = arith.addi %mul3A_1463, %add3A_1465 : vector<16xi32>
        %gather3A_1467 = tpu.vector_load_idx %arg5[%add3A_1466] : memref<1024xi32, #tpu.memory_space<vmem>>[vector<16xi32>], vector<16xi32>,
        %add3A_1468 = arith.constant 1 : i32
        %add3A_1469 = vector.broadcast %add3A_1468 : i32 to vector<16xi32>
        %add3A_1470 = arith.addi %add3A_1466, %add3A_1469 : vector<16xi32>
        %gather3A_1471 = tpu.vector_load_idx %arg5[%add3A_1470] : memref<1024xi32, #tpu.memory_space<vmem>>[vector<16xi32>], vector<16xi32>,
        %add3A_1472 = arith.constant 2 : i32
        %add3A_1473 = vector.broadcast %add3A_1472 : i32 to vector<16xi32>
        %add3A_1474 = arith.addi %add3A_1466, %add3A_1473 : vector<16xi32>
        %gather3A_1475 = tpu.vector_load_idx %arg5[%add3A_1474] : memref<1024xi32, #tpu.memory_space<vmem>>[vector<16xi32>], vector<16xi32>,
        %add3A_1476 = arith.constant 3 : i32
        %add3A_1477 = vector.broadcast %add3A_1476 : i32 to vector<16xi32>
        %add3A_1478 = arith.addi %add3A_1466, %add3A_1477 : vector<16xi32>
        %gather3A_1479 = tpu.vector_load_idx %arg5[%add3A_1478] : memref<1024xi32, #tpu.memory_space<vmem>>[vector<16xi32>], vector<16xi32>,
        %mul3A_1480 = arith.constant 6 : i32
        %mul3A_1481 = vector.broadcast %mul3A_1480 : i32 to vector<16xi32>
        %mul3A_1482 = arith.muli %gather3A_1467, %mul3A_1481 : vector<16xi32>
        %add3A_1483 = arith.addi %mul3A_1482, %gather3A_1471 : vector<16xi32>
        %mul3A_1484 = arith.constant 6 : i32
        %mul3A_1485 = vector.broadcast %mul3A_1484 : i32 to vector<16xi32>
        %mul3A_1486 = arith.muli %add3A_1483, %mul3A_1485 : vector<16xi32>
        %add3A_1487 = arith.addi %mul3A_1486, %gather3A_1475 : vector<16xi32>
        %mul3A_1488 = arith.constant 6 : i32
        %mul3A_1489 = vector.broadcast %mul3A_1488 : i32 to vector<16xi32>
        %mul3A_1490 = arith.muli %add3A_1487, %mul3A_1489 : vector<16xi32>
        %add3A_1491 = arith.addi %mul3A_1490, %gather3A_1479 : vector<16xi32>
        %swap3A_1492 = arith.constant 112 : index
        %swap3A_1493 = tpu.vector_load %arg7[%swap3A_1492] {strides = array<i32>} : memref<256xi32, #tpu.memory_space<vmem>>, vector<16xi32>,
        tpu.vector_store %arg7[%swap3A_1492], %add3A_1491 {strides = array<i32>} : memref<256xi32, #tpu.memory_space<vmem>>, vector<16xi32>,
        %mul3A_1494 = arith.constant 4 : i32
        %mul3A_1495 = vector.broadcast %mul3A_1494 : i32 to vector<16xi32>
        %mul3A_1496 = arith.muli %iota3A, %mul3A_1495 : vector<16xi32>
        %add3A_1497 = arith.constant 512 : i32
        %add3A_1498 = vector.broadcast %add3A_1497 : i32 to vector<16xi32>
        %add3A_1499 = arith.addi %mul3A_1496, %add3A_1498 : vector<16xi32>
        %gather3A_1500 = tpu.vector_load_idx %arg5[%add3A_1499] : memref<1024xi32, #tpu.memory_space<vmem>>[vector<16xi32>], vector<16xi32>,
        %add3A_1501 = arith.constant 1 : i32
        %add3A_1502 = vector.broadcast %add3A_1501 : i32 to vector<16xi32>
        %add3A_1503 = arith.addi %add3A_1499, %add3A_1502 : vector<16xi32>
        %gather3A_1504 = tpu.vector_load_idx %arg5[%add3A_1503] : memref<1024xi32, #tpu.memory_space<vmem>>[vector<16xi32>], vector<16xi32>,
        %add3A_1505 = arith.constant 2 : i32
        %add3A_1506 = vector.broadcast %add3A_1505 : i32 to vector<16xi32>
        %add3A_1507 = arith.addi %add3A_1499, %add3A_1506 : vector<16xi32>
        %gather3A_1508 = tpu.vector_load_idx %arg5[%add3A_1507] : memref<1024xi32, #tpu.memory_space<vmem>>[vector<16xi32>], vector<16xi32>,
        %add3A_1509 = arith.constant 3 : i32
        %add3A_1510 = vector.broadcast %add3A_1509 : i32 to vector<16xi32>
        %add3A_1511 = arith.addi %add3A_1499, %add3A_1510 : vector<16xi32>
        %gather3A_1512 = tpu.vector_load_idx %arg5[%add3A_1511] : memref<1024xi32, #tpu.memory_space<vmem>>[vector<16xi32>], vector<16xi32>,
        %mul3A_1513 = arith.constant 6 : i32
        %mul3A_1514 = vector.broadcast %mul3A_1513 : i32 to vector<16xi32>
        %mul3A_1515 = arith.muli %gather3A_1500, %mul3A_1514 : vector<16xi32>
        %add3A_1516 = arith.addi %mul3A_1515, %gather3A_1504 : vector<16xi32>
        %mul3A_1517 = arith.constant 6 : i32
        %mul3A_1518 = vector.broadcast %mul3A_1517 : i32 to vector<16xi32>
        %mul3A_1519 = arith.muli %add3A_1516, %mul3A_1518 : vector<16xi32>
        %add3A_1520 = arith.addi %mul3A_1519, %gather3A_1508 : vector<16xi32>
        %mul3A_1521 = arith.constant 6 : i32
        %mul3A_1522 = vector.broadcast %mul3A_1521 : i32 to vector<16xi32>
        %mul3A_1523 = arith.muli %add3A_1520, %mul3A_1522 : vector<16xi32>
        %add3A_1524 = arith.addi %mul3A_1523, %gather3A_1512 : vector<16xi32>
        %swap3A_1525 = arith.constant 128 : index
        %swap3A_1526 = tpu.vector_load %arg7[%swap3A_1525] {strides = array<i32>} : memref<256xi32, #tpu.memory_space<vmem>>, vector<16xi32>,
        tpu.vector_store %arg7[%swap3A_1525], %add3A_1524 {strides = array<i32>} : memref<256xi32, #tpu.memory_space<vmem>>, vector<16xi32>,
        %mul3A_1527 = arith.constant 4 : i32
        %mul3A_1528 = vector.broadcast %mul3A_1527 : i32 to vector<16xi32>
        %mul3A_1529 = arith.muli %iota3A, %mul3A_1528 : vector<16xi32>
        %add3A_1530 = arith.constant 576 : i32
        %add3A_1531 = vector.broadcast %add3A_1530 : i32 to vector<16xi32>
        %add3A_1532 = arith.addi %mul3A_1529, %add3A_1531 : vector<16xi32>
        %gather3A_1533 = tpu.vector_load_idx %arg5[%add3A_1532] : memref<1024xi32, #tpu.memory_space<vmem>>[vector<16xi32>], vector<16xi32>,
        %add3A_1534 = arith.constant 1 : i32
        %add3A_1535 = vector.broadcast %add3A_1534 : i32 to vector<16xi32>
        %add3A_1536 = arith.addi %add3A_1532, %add3A_1535 : vector<16xi32>
        %gather3A_1537 = tpu.vector_load_idx %arg5[%add3A_1536] : memref<1024xi32, #tpu.memory_space<vmem>>[vector<16xi32>], vector<16xi32>,
        %add3A_1538 = arith.constant 2 : i32
        %add3A_1539 = vector.broadcast %add3A_1538 : i32 to vector<16xi32>
        %add3A_1540 = arith.addi %add3A_1532, %add3A_1539 : vector<16xi32>
        %gather3A_1541 = tpu.vector_load_idx %arg5[%add3A_1540] : memref<1024xi32, #tpu.memory_space<vmem>>[vector<16xi32>], vector<16xi32>,
        %add3A_1542 = arith.constant 3 : i32
        %add3A_1543 = vector.broadcast %add3A_1542 : i32 to vector<16xi32>
        %add3A_1544 = arith.addi %add3A_1532, %add3A_1543 : vector<16xi32>
        %gather3A_1545 = tpu.vector_load_idx %arg5[%add3A_1544] : memref<1024xi32, #tpu.memory_space<vmem>>[vector<16xi32>], vector<16xi32>,
        %mul3A_1546 = arith.constant 6 : i32
        %mul3A_1547 = vector.broadcast %mul3A_1546 : i32 to vector<16xi32>
        %mul3A_1548 = arith.muli %gather3A_1533, %mul3A_1547 : vector<16xi32>
        %add3A_1549 = arith.addi %mul3A_1548, %gather3A_1537 : vector<16xi32>
        %mul3A_1550 = arith.constant 6 : i32
        %mul3A_1551 = vector.broadcast %mul3A_1550 : i32 to vector<16xi32>
        %mul3A_1552 = arith.muli %add3A_1549, %mul3A_1551 : vector<16xi32>
        %add3A_1553 = arith.addi %mul3A_1552, %gather3A_1541 : vector<16xi32>
        %mul3A_1554 = arith.constant 6 : i32
        %mul3A_1555 = vector.broadcast %mul3A_1554 : i32 to vector<16xi32>
        %mul3A_1556 = arith.muli %add3A_1553, %mul3A_1555 : vector<16xi32>
        %add3A_1557 = arith.addi %mul3A_1556, %gather3A_1545 : vector<16xi32>
        %swap3A_1558 = arith.constant 144 : index
        %swap3A_1559 = tpu.vector_load %arg7[%swap3A_1558] {strides = array<i32>} : memref<256xi32, #tpu.memory_space<vmem>>, vector<16xi32>,
        tpu.vector_store %arg7[%swap3A_1558], %add3A_1557 {strides = array<i32>} : memref<256xi32, #tpu.memory_space<vmem>>, vector<16xi32>,
        %mul3A_1560 = arith.constant 4 : i32
        %mul3A_1561 = vector.broadcast %mul3A_1560 : i32 to vector<16xi32>
        %mul3A_1562 = arith.muli %iota3A, %mul3A_1561 : vector<16xi32>
        %add3A_1563 = arith.constant 640 : i32
        %add3A_1564 = vector.broadcast %add3A_1563 : i32 to vector<16xi32>
        %add3A_1565 = arith.addi %mul3A_1562, %add3A_1564 : vector<16xi32>
        %gather3A_1566 = tpu.vector_load_idx %arg5[%add3A_1565] : memref<1024xi32, #tpu.memory_space<vmem>>[vector<16xi32>], vector<16xi32>,
        %add3A_1567 = arith.constant 1 : i32
        %add3A_1568 = vector.broadcast %add3A_1567 : i32 to vector<16xi32>
        %add3A_1569 = arith.addi %add3A_1565, %add3A_1568 : vector<16xi32>
        %gather3A_1570 = tpu.vector_load_idx %arg5[%add3A_1569] : memref<1024xi32, #tpu.memory_space<vmem>>[vector<16xi32>], vector<16xi32>,
        %add3A_1571 = arith.constant 2 : i32
        %add3A_1572 = vector.broadcast %add3A_1571 : i32 to vector<16xi32>
        %add3A_1573 = arith.addi %add3A_1565, %add3A_1572 : vector<16xi32>
        %gather3A_1574 = tpu.vector_load_idx %arg5[%add3A_1573] : memref<1024xi32, #tpu.memory_space<vmem>>[vector<16xi32>], vector<16xi32>,
        %add3A_1575 = arith.constant 3 : i32
        %add3A_1576 = vector.broadcast %add3A_1575 : i32 to vector<16xi32>
        %add3A_1577 = arith.addi %add3A_1565, %add3A_1576 : vector<16xi32>
        %gather3A_1578 = tpu.vector_load_idx %arg5[%add3A_1577] : memref<1024xi32, #tpu.memory_space<vmem>>[vector<16xi32>], vector<16xi32>,
        %mul3A_1579 = arith.constant 6 : i32
        %mul3A_1580 = vector.broadcast %mul3A_1579 : i32 to vector<16xi32>
        %mul3A_1581 = arith.muli %gather3A_1566, %mul3A_1580 : vector<16xi32>
        %add3A_1582 = arith.addi %mul3A_1581, %gather3A_1570 : vector<16xi32>
        %mul3A_1583 = arith.constant 6 : i32
        %mul3A_1584 = vector.broadcast %mul3A_1583 : i32 to vector<16xi32>
        %mul3A_1585 = arith.muli %add3A_1582, %mul3A_1584 : vector<16xi32>
        %add3A_1586 = arith.addi %mul3A_1585, %gather3A_1574 : vector<16xi32>
        %mul3A_1587 = arith.constant 6 : i32
        %mul3A_1588 = vector.broadcast %mul3A_1587 : i32 to vector<16xi32>
        %mul3A_1589 = arith.muli %add3A_1586, %mul3A_1588 : vector<16xi32>
        %add3A_1590 = arith.addi %mul3A_1589, %gather3A_1578 : vector<16xi32>
        %swap3A_1591 = arith.constant 160 : index
        %swap3A_1592 = tpu.vector_load %arg7[%swap3A_1591] {strides = array<i32>} : memref<256xi32, #tpu.memory_space<vmem>>, vector<16xi32>,
        tpu.vector_store %arg7[%swap3A_1591], %add3A_1590 {strides = array<i32>} : memref<256xi32, #tpu.memory_space<vmem>>, vector<16xi32>,
        %mul3A_1593 = arith.constant 4 : i32
        %mul3A_1594 = vector.broadcast %mul3A_1593 : i32 to vector<16xi32>
        %mul3A_1595 = arith.muli %iota3A, %mul3A_1594 : vector<16xi32>
        %add3A_1596 = arith.constant 704 : i32
        %add3A_1597 = vector.broadcast %add3A_1596 : i32 to vector<16xi32>
        %add3A_1598 = arith.addi %mul3A_1595, %add3A_1597 : vector<16xi32>
        %gather3A_1599 = tpu.vector_load_idx %arg5[%add3A_1598] : memref<1024xi32, #tpu.memory_space<vmem>>[vector<16xi32>], vector<16xi32>,
        %add3A_1600 = arith.constant 1 : i32
        %add3A_1601 = vector.broadcast %add3A_1600 : i32 to vector<16xi32>
        %add3A_1602 = arith.addi %add3A_1598, %add3A_1601 : vector<16xi32>
        %gather3A_1603 = tpu.vector_load_idx %arg5[%add3A_1602] : memref<1024xi32, #tpu.memory_space<vmem>>[vector<16xi32>], vector<16xi32>,
        %add3A_1604 = arith.constant 2 : i32
        %add3A_1605 = vector.broadcast %add3A_1604 : i32 to vector<16xi32>
        %add3A_1606 = arith.addi %add3A_1598, %add3A_1605 : vector<16xi32>
        %gather3A_1607 = tpu.vector_load_idx %arg5[%add3A_1606] : memref<1024xi32, #tpu.memory_space<vmem>>[vector<16xi32>], vector<16xi32>,
        %add3A_1608 = arith.constant 3 : i32
        %add3A_1609 = vector.broadcast %add3A_1608 : i32 to vector<16xi32>
        %add3A_1610 = arith.addi %add3A_1598, %add3A_1609 : vector<16xi32>
        %gather3A_1611 = tpu.vector_load_idx %arg5[%add3A_1610] : memref<1024xi32, #tpu.memory_space<vmem>>[vector<16xi32>], vector<16xi32>,
        %mul3A_1612 = arith.constant 6 : i32
        %mul3A_1613 = vector.broadcast %mul3A_1612 : i32 to vector<16xi32>
        %mul3A_1614 = arith.muli %gather3A_1599, %mul3A_1613 : vector<16xi32>
        %add3A_1615 = arith.addi %mul3A_1614, %gather3A_1603 : vector<16xi32>
        %mul3A_1616 = arith.constant 6 : i32
        %mul3A_1617 = vector.broadcast %mul3A_1616 : i32 to vector<16xi32>
        %mul3A_1618 = arith.muli %add3A_1615, %mul3A_1617 : vector<16xi32>
        %add3A_1619 = arith.addi %mul3A_1618, %gather3A_1607 : vector<16xi32>
        %mul3A_1620 = arith.constant 6 : i32
        %mul3A_1621 = vector.broadcast %mul3A_1620 : i32 to vector<16xi32>
        %mul3A_1622 = arith.muli %add3A_1619, %mul3A_1621 : vector<16xi32>
        %add3A_1623 = arith.addi %mul3A_1622, %gather3A_1611 : vector<16xi32>
        %swap3A_1624 = arith.constant 176 : index
        %swap3A_1625 = tpu.vector_load %arg7[%swap3A_1624] {strides = array<i32>} : memref<256xi32, #tpu.memory_space<vmem>>, vector<16xi32>,
        tpu.vector_store %arg7[%swap3A_1624], %add3A_1623 {strides = array<i32>} : memref<256xi32, #tpu.memory_space<vmem>>, vector<16xi32>,
        %mul3A_1626 = arith.constant 4 : i32
        %mul3A_1627 = vector.broadcast %mul3A_1626 : i32 to vector<16xi32>
        %mul3A_1628 = arith.muli %iota3A, %mul3A_1627 : vector<16xi32>
        %add3A_1629 = arith.constant 768 : i32
        %add3A_1630 = vector.broadcast %add3A_1629 : i32 to vector<16xi32>
        %add3A_1631 = arith.addi %mul3A_1628, %add3A_1630 : vector<16xi32>
        %gather3A_1632 = tpu.vector_load_idx %arg5[%add3A_1631] : memref<1024xi32, #tpu.memory_space<vmem>>[vector<16xi32>], vector<16xi32>,
        %add3A_1633 = arith.constant 1 : i32
        %add3A_1634 = vector.broadcast %add3A_1633 : i32 to vector<16xi32>
        %add3A_1635 = arith.addi %add3A_1631, %add3A_1634 : vector<16xi32>
        %gather3A_1636 = tpu.vector_load_idx %arg5[%add3A_1635] : memref<1024xi32, #tpu.memory_space<vmem>>[vector<16xi32>], vector<16xi32>,
        %add3A_1637 = arith.constant 2 : i32
        %add3A_1638 = vector.broadcast %add3A_1637 : i32 to vector<16xi32>
        %add3A_1639 = arith.addi %add3A_1631, %add3A_1638 : vector<16xi32>
        %gather3A_1640 = tpu.vector_load_idx %arg5[%add3A_1639] : memref<1024xi32, #tpu.memory_space<vmem>>[vector<16xi32>], vector<16xi32>,
        %add3A_1641 = arith.constant 3 : i32
        %add3A_1642 = vector.broadcast %add3A_1641 : i32 to vector<16xi32>
        %add3A_1643 = arith.addi %add3A_1631, %add3A_1642 : vector<16xi32>
        %gather3A_1644 = tpu.vector_load_idx %arg5[%add3A_1643] : memref<1024xi32, #tpu.memory_space<vmem>>[vector<16xi32>], vector<16xi32>,
        %mul3A_1645 = arith.constant 6 : i32
        %mul3A_1646 = vector.broadcast %mul3A_1645 : i32 to vector<16xi32>
        %mul3A_1647 = arith.muli %gather3A_1632, %mul3A_1646 : vector<16xi32>
        %add3A_1648 = arith.addi %mul3A_1647, %gather3A_1636 : vector<16xi32>
        %mul3A_1649 = arith.constant 6 : i32
        %mul3A_1650 = vector.broadcast %mul3A_1649 : i32 to vector<16xi32>
        %mul3A_1651 = arith.muli %add3A_1648, %mul3A_1650 : vector<16xi32>
        %add3A_1652 = arith.addi %mul3A_1651, %gather3A_1640 : vector<16xi32>
        %mul3A_1653 = arith.constant 6 : i32
        %mul3A_1654 = vector.broadcast %mul3A_1653 : i32 to vector<16xi32>
        %mul3A_1655 = arith.muli %add3A_1652, %mul3A_1654 : vector<16xi32>
        %add3A_1656 = arith.addi %mul3A_1655, %gather3A_1644 : vector<16xi32>
        %swap3A_1657 = arith.constant 192 : index
        %swap3A_1658 = tpu.vector_load %arg7[%swap3A_1657] {strides = array<i32>} : memref<256xi32, #tpu.memory_space<vmem>>, vector<16xi32>,
        tpu.vector_store %arg7[%swap3A_1657], %add3A_1656 {strides = array<i32>} : memref<256xi32, #tpu.memory_space<vmem>>, vector<16xi32>,
        %mul3A_1659 = arith.constant 4 : i32
        %mul3A_1660 = vector.broadcast %mul3A_1659 : i32 to vector<16xi32>
        %mul3A_1661 = arith.muli %iota3A, %mul3A_1660 : vector<16xi32>
        %add3A_1662 = arith.constant 832 : i32
        %add3A_1663 = vector.broadcast %add3A_1662 : i32 to vector<16xi32>
        %add3A_1664 = arith.addi %mul3A_1661, %add3A_1663 : vector<16xi32>
        %gather3A_1665 = tpu.vector_load_idx %arg5[%add3A_1664] : memref<1024xi32, #tpu.memory_space<vmem>>[vector<16xi32>], vector<16xi32>,
        %add3A_1666 = arith.constant 1 : i32
        %add3A_1667 = vector.broadcast %add3A_1666 : i32 to vector<16xi32>
        %add3A_1668 = arith.addi %add3A_1664, %add3A_1667 : vector<16xi32>
        %gather3A_1669 = tpu.vector_load_idx %arg5[%add3A_1668] : memref<1024xi32, #tpu.memory_space<vmem>>[vector<16xi32>], vector<16xi32>,
        %add3A_1670 = arith.constant 2 : i32
        %add3A_1671 = vector.broadcast %add3A_1670 : i32 to vector<16xi32>
        %add3A_1672 = arith.addi %add3A_1664, %add3A_1671 : vector<16xi32>
        %gather3A_1673 = tpu.vector_load_idx %arg5[%add3A_1672] : memref<1024xi32, #tpu.memory_space<vmem>>[vector<16xi32>], vector<16xi32>,
        %add3A_1674 = arith.constant 3 : i32
        %add3A_1675 = vector.broadcast %add3A_1674 : i32 to vector<16xi32>
        %add3A_1676 = arith.addi %add3A_1664, %add3A_1675 : vector<16xi32>
        %gather3A_1677 = tpu.vector_load_idx %arg5[%add3A_1676] : memref<1024xi32, #tpu.memory_space<vmem>>[vector<16xi32>], vector<16xi32>,
        %mul3A_1678 = arith.constant 6 : i32
        %mul3A_1679 = vector.broadcast %mul3A_1678 : i32 to vector<16xi32>
        %mul3A_1680 = arith.muli %gather3A_1665, %mul3A_1679 : vector<16xi32>
        %add3A_1681 = arith.addi %mul3A_1680, %gather3A_1669 : vector<16xi32>
        %mul3A_1682 = arith.constant 6 : i32
        %mul3A_1683 = vector.broadcast %mul3A_1682 : i32 to vector<16xi32>
        %mul3A_1684 = arith.muli %add3A_1681, %mul3A_1683 : vector<16xi32>
        %add3A_1685 = arith.addi %mul3A_1684, %gather3A_1673 : vector<16xi32>
        %mul3A_1686 = arith.constant 6 : i32
        %mul3A_1687 = vector.broadcast %mul3A_1686 : i32 to vector<16xi32>
        %mul3A_1688 = arith.muli %add3A_1685, %mul3A_1687 : vector<16xi32>
        %add3A_1689 = arith.addi %mul3A_1688, %gather3A_1677 : vector<16xi32>
        %swap3A_1690 = arith.constant 208 : index
        %swap3A_1691 = tpu.vector_load %arg7[%swap3A_1690] {strides = array<i32>} : memref<256xi32, #tpu.memory_space<vmem>>, vector<16xi32>,
        tpu.vector_store %arg7[%swap3A_1690], %add3A_1689 {strides = array<i32>} : memref<256xi32, #tpu.memory_space<vmem>>, vector<16xi32>,
        %mul3A_1692 = arith.constant 4 : i32
        %mul3A_1693 = vector.broadcast %mul3A_1692 : i32 to vector<16xi32>
        %mul3A_1694 = arith.muli %iota3A, %mul3A_1693 : vector<16xi32>
        %add3A_1695 = arith.constant 896 : i32
        %add3A_1696 = vector.broadcast %add3A_1695 : i32 to vector<16xi32>
        %add3A_1697 = arith.addi %mul3A_1694, %add3A_1696 : vector<16xi32>
        %gather3A_1698 = tpu.vector_load_idx %arg5[%add3A_1697] : memref<1024xi32, #tpu.memory_space<vmem>>[vector<16xi32>], vector<16xi32>,
        %add3A_1699 = arith.constant 1 : i32
        %add3A_1700 = vector.broadcast %add3A_1699 : i32 to vector<16xi32>
        %add3A_1701 = arith.addi %add3A_1697, %add3A_1700 : vector<16xi32>
        %gather3A_1702 = tpu.vector_load_idx %arg5[%add3A_1701] : memref<1024xi32, #tpu.memory_space<vmem>>[vector<16xi32>], vector<16xi32>,
        %add3A_1703 = arith.constant 2 : i32
        %add3A_1704 = vector.broadcast %add3A_1703 : i32 to vector<16xi32>
        %add3A_1705 = arith.addi %add3A_1697, %add3A_1704 : vector<16xi32>
        %gather3A_1706 = tpu.vector_load_idx %arg5[%add3A_1705] : memref<1024xi32, #tpu.memory_space<vmem>>[vector<16xi32>], vector<16xi32>,
        %add3A_1707 = arith.constant 3 : i32
        %add3A_1708 = vector.broadcast %add3A_1707 : i32 to vector<16xi32>
        %add3A_1709 = arith.addi %add3A_1697, %add3A_1708 : vector<16xi32>
        %gather3A_1710 = tpu.vector_load_idx %arg5[%add3A_1709] : memref<1024xi32, #tpu.memory_space<vmem>>[vector<16xi32>], vector<16xi32>,
        %mul3A_1711 = arith.constant 6 : i32
        %mul3A_1712 = vector.broadcast %mul3A_1711 : i32 to vector<16xi32>
        %mul3A_1713 = arith.muli %gather3A_1698, %mul3A_1712 : vector<16xi32>
        %add3A_1714 = arith.addi %mul3A_1713, %gather3A_1702 : vector<16xi32>
        %mul3A_1715 = arith.constant 6 : i32
        %mul3A_1716 = vector.broadcast %mul3A_1715 : i32 to vector<16xi32>
        %mul3A_1717 = arith.muli %add3A_1714, %mul3A_1716 : vector<16xi32>
        %add3A_1718 = arith.addi %mul3A_1717, %gather3A_1706 : vector<16xi32>
        %mul3A_1719 = arith.constant 6 : i32
        %mul3A_1720 = vector.broadcast %mul3A_1719 : i32 to vector<16xi32>
        %mul3A_1721 = arith.muli %add3A_1718, %mul3A_1720 : vector<16xi32>
        %add3A_1722 = arith.addi %mul3A_1721, %gather3A_1710 : vector<16xi32>
        %swap3A_1723 = arith.constant 224 : index
        %swap3A_1724 = tpu.vector_load %arg7[%swap3A_1723] {strides = array<i32>} : memref<256xi32, #tpu.memory_space<vmem>>, vector<16xi32>,
        tpu.vector_store %arg7[%swap3A_1723], %add3A_1722 {strides = array<i32>} : memref<256xi32, #tpu.memory_space<vmem>>, vector<16xi32>,
        %mul3A_1725 = arith.constant 4 : i32
        %mul3A_1726 = vector.broadcast %mul3A_1725 : i32 to vector<16xi32>
        %mul3A_1727 = arith.muli %iota3A, %mul3A_1726 : vector<16xi32>
        %add3A_1728 = arith.constant 960 : i32
        %add3A_1729 = vector.broadcast %add3A_1728 : i32 to vector<16xi32>
        %add3A_1730 = arith.addi %mul3A_1727, %add3A_1729 : vector<16xi32>
        %gather3A_1731 = tpu.vector_load_idx %arg5[%add3A_1730] : memref<1024xi32, #tpu.memory_space<vmem>>[vector<16xi32>], vector<16xi32>,
        %add3A_1732 = arith.constant 1 : i32
        %add3A_1733 = vector.broadcast %add3A_1732 : i32 to vector<16xi32>
        %add3A_1734 = arith.addi %add3A_1730, %add3A_1733 : vector<16xi32>
        %gather3A_1735 = tpu.vector_load_idx %arg5[%add3A_1734] : memref<1024xi32, #tpu.memory_space<vmem>>[vector<16xi32>], vector<16xi32>,
        %add3A_1736 = arith.constant 2 : i32
        %add3A_1737 = vector.broadcast %add3A_1736 : i32 to vector<16xi32>
        %add3A_1738 = arith.addi %add3A_1730, %add3A_1737 : vector<16xi32>
        %gather3A_1739 = tpu.vector_load_idx %arg5[%add3A_1738] : memref<1024xi32, #tpu.memory_space<vmem>>[vector<16xi32>], vector<16xi32>,
        %add3A_1740 = arith.constant 3 : i32
        %add3A_1741 = vector.broadcast %add3A_1740 : i32 to vector<16xi32>
        %add3A_1742 = arith.addi %add3A_1730, %add3A_1741 : vector<16xi32>
        %gather3A_1743 = tpu.vector_load_idx %arg5[%add3A_1742] : memref<1024xi32, #tpu.memory_space<vmem>>[vector<16xi32>], vector<16xi32>,
        %mul3A_1744 = arith.constant 6 : i32
        %mul3A_1745 = vector.broadcast %mul3A_1744 : i32 to vector<16xi32>
        %mul3A_1746 = arith.muli %gather3A_1731, %mul3A_1745 : vector<16xi32>
        %add3A_1747 = arith.addi %mul3A_1746, %gather3A_1735 : vector<16xi32>
        %mul3A_1748 = arith.constant 6 : i32
        %mul3A_1749 = vector.broadcast %mul3A_1748 : i32 to vector<16xi32>
        %mul3A_1750 = arith.muli %add3A_1747, %mul3A_1749 : vector<16xi32>
        %add3A_1751 = arith.addi %mul3A_1750, %gather3A_1739 : vector<16xi32>
        %mul3A_1752 = arith.constant 6 : i32
        %mul3A_1753 = vector.broadcast %mul3A_1752 : i32 to vector<16xi32>
        %mul3A_1754 = arith.muli %add3A_1751, %mul3A_1753 : vector<16xi32>
        %add3A_1755 = arith.addi %mul3A_1754, %gather3A_1743 : vector<16xi32>
        %swap3A_1756 = arith.constant 240 : index
        %swap3A_1757 = tpu.vector_load %arg7[%swap3A_1756] {strides = array<i32>} : memref<256xi32, #tpu.memory_space<vmem>>, vector<16xi32>,
        tpu.vector_store %arg7[%swap3A_1756], %add3A_1755 {strides = array<i32>} : memref<256xi32, #tpu.memory_space<vmem>>, vector<16xi32>,
        %mul3A_1758 = arith.constant 256 : i32
        %mul3A_1759 = arith.muli %mul3A_589, %mul3A_1758 : i32
        %add3A_1760 = arith.addi %mul3A_2, %mul3A_1759 : i32
        %multiple_of3A_1761 = tpu.assume_multiple %add3A_1760, 256 : i32
        %dma_wait3A_1762 = arith.constant 0 : i32
        %dma_wait3A_1763 = tpu.memref_slice %arg4[%multiple_of3A_1761, %dma_wait3A_1762] : memref<819200x128xf32, #tpu.memory_space<hbm>> -> memref<256x128xf32, #tpu.memory_space<hbm>>
        %dma_wait3A_1764 = arith.constant 0 : i32
        %dma_wait3A_1765 = tpu.memref_slice %arg4[%multiple_of3A_1761, %dma_wait3A_1764] : memref<819200x128xf32, #tpu.memory_space<hbm>> -> memref<256x128xf32, #tpu.memory_space<hbm>>
        tpu.wait_dma2 semaphore(%arg16 : memref<!tpu.dma_semaphore, #tpu.memory_space<semaphore_mem>>) src(%arg9 : memref<256x128xf32, #tpu.memory_space<vmem>>) dst(%dma_wait3A_1765 : memref<256x128xf32, #tpu.memory_space<hbm>>)
        %dma_start3A_1766 = arith.constant 0 : i32
        %dma_start3A_1767 = arith.constant 0 : i32
        %dma_start3A_1768 = tpu.memref_slice %arg9[%dma_start3A_1766, %dma_start3A_1767] : memref<256x128xf32, #tpu.memory_space<vmem>> -> memref<128x128xf32, #tpu.memory_space<vmem>>
        %dma_start3A_1769 = arith.constant 0 : i32
        %dma_start3A_1770 = tpu.memref_slice %arg7[%dma_start3A_1769] : memref<256xi32, #tpu.memory_space<vmem>> -> memref<128xi32, #tpu.memory_space<vmem>>
        %dma_start3A_1771 = arith.constant 0 : i32
        %dma_start3A_1772 = arith.constant 0 : i32
        %dma_start3A_1773 = tpu.memref_slice %arg11[%dma_start3A_1771, %dma_start3A_1772] : memref<1296x128xf32, #tpu.memory_space<vmem_shared>> -> memref<1296x128xf32, #tpu.memory_space<vmem_shared>>
        tpu.enqueue_indirect_dma source(%dma_start3A_1773 : memref<1296x128xf32, #tpu.memory_space<vmem_shared>>) target(%dma_start3A_1768 : memref<128x128xf32, #tpu.memory_space<vmem>>) offsets(%dma_start3A_1770 : memref<128xi32, #tpu.memory_space<vmem>>) semaphore(%arg14 : memref<!tpu.dma_semaphore, #tpu.memory_space<semaphore_mem>>)
        %dma_start3A_1774 = arith.constant 128 : i32
        %dma_start3A_1775 = arith.constant 0 : i32
        %dma_start3A_1776 = tpu.memref_slice %arg9[%dma_start3A_1774, %dma_start3A_1775] : memref<256x128xf32, #tpu.memory_space<vmem>> -> memref<128x128xf32, #tpu.memory_space<vmem>>
        %dma_start3A_1777 = arith.constant 128 : i32
        %dma_start3A_1778 = tpu.memref_slice %arg7[%dma_start3A_1777] : memref<256xi32, #tpu.memory_space<vmem>> -> memref<128xi32, #tpu.memory_space<vmem>>
        %dma_start3A_1779 = arith.constant 0 : i32
        %dma_start3A_1780 = arith.constant 0 : i32
        %dma_start3A_1781 = tpu.memref_slice %arg11[%dma_start3A_1779, %dma_start3A_1780] : memref<1296x128xf32, #tpu.memory_space<vmem_shared>> -> memref<1296x128xf32, #tpu.memory_space<vmem_shared>>
        tpu.enqueue_indirect_dma source(%dma_start3A_1781 : memref<1296x128xf32, #tpu.memory_space<vmem_shared>>) target(%dma_start3A_1776 : memref<128x128xf32, #tpu.memory_space<vmem>>) offsets(%dma_start3A_1778 : memref<128xi32, #tpu.memory_space<vmem>>) semaphore(%arg14 : memref<!tpu.dma_semaphore, #tpu.memory_space<semaphore_mem>>)
      } else {
      }
    }
    %scan3A_572 = arith.constant 50 : i32
    %add3A_573 = arith.constant 25088 : i32
    %add3A_574 = arith.addi %mul3A_2, %add3A_573 : i32
    %multiple_of3A_575 = tpu.assume_multiple %add3A_574, 256 : i32
    %dma_wait3A_576 = arith.constant 0 : i32
    %dma_wait3A_577 = tpu.memref_slice %arg4[%multiple_of3A_575, %dma_wait3A_576] : memref<819200x128xf32, #tpu.memory_space<hbm>> -> memref<256x128xf32, #tpu.memory_space<hbm>>
    %dma_wait3A_578 = arith.constant 0 : i32
    %dma_wait3A_579 = tpu.memref_slice %arg4[%multiple_of3A_575, %dma_wait3A_578] : memref<819200x128xf32, #tpu.memory_space<hbm>> -> memref<256x128xf32, #tpu.memory_space<hbm>>
    tpu.wait_dma2 semaphore(%arg16 : memref<!tpu.dma_semaphore, #tpu.memory_space<semaphore_mem>>) src(%arg9 : memref<256x128xf32, #tpu.memory_space<vmem>>) dst(%dma_wait3A_579 : memref<256x128xf32, #tpu.memory_space<hbm>>)
    %add3A_580 = arith.constant 25344 : i32
    %add3A_581 = arith.addi %mul3A_2, %add3A_580 : i32
    %multiple_of3A_582 = tpu.assume_multiple %add3A_581, 256 : i32
    %dma_wait3A_583 = arith.constant 0 : i32
    %dma_wait3A_584 = tpu.memref_slice %arg4[%multiple_of3A_582, %dma_wait3A_583] : memref<819200x128xf32, #tpu.memory_space<hbm>> -> memref<256x128xf32, #tpu.memory_space<hbm>>
    %dma_wait3A_585 = arith.constant 0 : i32
    %dma_wait3A_586 = tpu.memref_slice %arg4[%multiple_of3A_582, %dma_wait3A_585] : memref<819200x128xf32, #tpu.memory_space<hbm>> -> memref<256x128xf32, #tpu.memory_space<hbm>>
    tpu.wait_dma2 semaphore(%arg17 : memref<!tpu.dma_semaphore, #tpu.memory_space<semaphore_mem>>) src(%arg10 : memref<256x128xf32, #tpu.memory_space<vmem>>) dst(%dma_wait3A_586 : memref<256x128xf32, #tpu.memory_space<hbm>>)
    return
  }
}

</mosaic_0001>

<sc_bundles>
// kernel: kernel.3.cloned.1.call-start
scs
__scs_entry_jumppad:
0x0: {  	(pc) =	sbr.rel $0x88, $3  }
0x1: {  	(tag) =	ssettag $0x0;
	lr =	simm.s32 $0x1  }
0x2: {  	[smem:$0x3F9F] =	sst lr;
	_ =	strace $0xD0000000  }
0x3: {  	_ = 	snop  }
0x4: {  	_ = 	snop  }
0x5: {  	_ = 	snop  }
0x6: {  	_ = 	snop  }
0x7: {  	_ = 	snop  }
__scs_overlays_trampoline_lowered:
0x8: {  	[smem:$0x3FAE] =	sst s0  }
0x9: {  	[smem:$0x3FAF] =	sst s1  }
0xa: {  	[smem:$0x3FB0] =	sst s2  }
0xb: {  	[smem:$0x3FB1] =	sst s3  }
0xc: {  	[smem:$0x3FB2] =	sst s4  }
0xd: {  	[smem:$0x3FB3] =	sst s5  }
0xe: {  	[smem:$0x3FB4] =	sst s6  }
0xf: {  	[smem:$0x3FB5] =	sst s7  }
0x10: {  	[smem:$0x3FB6] =	sst s8  }
0x11: {  	[smem:$0x3FB7] =	sst s9;
	s0 =	simm.s32 @!p0 $0x0  }
0x12: {  	s1 =	sld [smem:$0x3F9D];
	s0 =	simm.s32 @p0 $0x1  }
0x13: {  	[smem:$0x3FB8] =	sst s0;
	s0 =	simm.s32 @!p1 $0x0  }
0x14: {  	s2 =	sld [smem:$0x3F9C];
	s0 =	simm.s32 @p1 $0x1  }
0x15: {  	[smem:$0x3FB9] =	sst s0;
	s0 =	simm.s32 @!p2 $0x0  }
0x16: {  	s3 =	sld [smem:$0x3FDB];
	s0 =	simm.s32 @p2 $0x1  }
0x17: {  	s4 =	simm.s32 $0x1BF5;
	[smem:$0x3FBB] =	sst s0  }
0x18: {  	s0 =	sld [smem:$0x3F9E];
	_ =	swait.ge [sflag:s4], $0x0  }
0x19: {  	s7 =	sld [smem:$0x3F9F]  }
0x1a: {  	s8 =	sadd.s32 $0xFFFFE003, lr  }
0x1b: {  	s9 =	sadd.s32 $0xFFFFFEF7, lr;
	s5 =	simm.s32 $0xFFFFFFFF;
	p2 =	slt.u32 s8, $0xFFFFF086  }
0x1c: {  	p1 =	slt.u32 s9, $0xF7A;
	s5 =	simm.s32 @!p2 $0x0  }
0x1d: {  	s5 =	simm.s32 @p1 $0x1;
	p0 =	seq.s32 s7, s2  }
0x1e: {  	s7 =	smul.u32 @!p0 $0xF7A, s2;
	p2 =	seq.s32 @!p0 s5, $0x0  }
0x1f: {  	s9 =	smul.u32 $0xF7A, s1;
	s8 =	simm.s32 @!p0 $0x1BF5;
	p2 =	por !p2, p0  }
0x20: {  	[sflag:s8] =	ssyncset.s32 @!p0 $0xFFFFF086;
	s6 =	sadd.s32 @!p0 s3, s7;
	s7 =	simm.s32 @!p0 $0x108  }
0x21: {  	s3 =	sadd.s32 s3, s9;
	s6 =	sadd.s32 @!p0 $0x88, s6;
	s7 =	simm.s32 @p2 $0x1082  }
0x22: {  	[simem:s7], [sflag:s8] =	dma.local @!p0 [hbm:s6], $0xF7A  }
0x23: {  	s9 =	sor.u32 $0xD0000000, s2;
	s6 =	simm.s32 $0x108;
	_ =	swait.ge @!p0 [sflag:s8], $0x0  }
0x24: {  	s3 =	sadd.s32 $0x88, s3;
	s6 =	simm.s32 @!p1 $0x1082;
	[sflag:s4] =	ssyncset.s32 $0xFFFFF086  }
0x25: {  	[simem:s6], [sflag:s4] =	dma.local [hbm:s3], $0xF7A  }
0x26: {  	[smem:$0x3F9F] =	sst s1;
	(tag) =	ssettag s2;
	_ =	strace s9  }
0x27: {  	s1 =	sld [smem:$0x3FAF]  }
0x28: {  	s2 =	sld [smem:$0x3FB0]  }
0x29: {  	s4 =	sld [smem:$0x3FB2]  }
0x2a: {  	p0 =	seq.s32 s5, $0x0;
	s5 =	sld [smem:$0x3FB3]  }
0x2b: {  	s6 =	sld [smem:$0x3FB4]  }
0x2c: {  	s7 =	sld [smem:$0x3FB5]  }
0x2d: {  	s3 =	simm.s32 $0x108;
	s8 =	sld [smem:$0x3FB6]  }
0x2e: {  	s3 =	simm.s32 @!p0 $0x1082;
	s9 =	sld [smem:$0x3FB7]  }
0x2f: {  	lr =	sadd.s32 s0, s3;
	s0 =	sld [smem:$0x3FAE]  }
0x30: {  	s3 =	sld [smem:$0x3FB1]  }
0x31: {  	[smem:$0x3FBA] =	sst s10  }
0x32: {  	s10 =	sld [smem:$0x3FB8];
	_ =	sdelay $0x3  }
0x33: {  	p0 =	seq.s32 s10, $0x1;
	s10 =	sld [smem:$0x3FBA];
	_ =	sdelay $0x3  }
0x34: {  	[smem:$0x3FBA] =	sst s10  }
0x35: {  	s10 =	sld [smem:$0x3FB9];
	_ =	sdelay $0x3  }
0x36: {  	p1 =	seq.s32 s10, $0x1;
	s10 =	sld [smem:$0x3FBA];
	_ =	sdelay $0x3  }
0x37: {  	[smem:$0x3FBA] =	sst s10  }
0x38: {  	s10 =	sld [smem:$0x3FBB]  }
0x39: {  	_ = 	snop;
	(pc) =	sbr.ind lr, $3  }
0x3a: {  	_ = 	snop  }
0x3b: {  	_ = 	snop  }
0x3c: {  	p2 =	seq.s32 s10, $0x1;
	s10 =	sld [smem:$0x3FBA]  }
0x3d: {  	_ =	shalt  }
0x3e: {  	_ =	shalt  }
0x3f: {  	_ =	shalt  }
0x40: {  	_ =	shalt  }
0x41: {  	_ =	shalt  }
0x42: {  	_ =	shalt  }
0x43: {  	_ =	shalt  }
0x44: {  	_ =	shalt  }
0x45: {  	_ =	shalt  }
0x46: {  	_ =	shalt  }
0x47: {  	_ =	shalt  }
0x48: {  	_ =	shalt  }
0x49: {  	_ =	shalt  }
0x4a: {  	_ =	shalt  }
0x4b: {  	_ =	shalt  }
0x4c: {  	_ =	shalt  }
0x4d: {  	_ =	shalt  }
0x4e: {  	_ =	shalt  }
0x4f: {  	_ =	shalt  }
0x50: {  	_ =	shalt  }
0x51: {  	_ =	shalt  }
0x52: {  	_ =	shalt  }
0x53: {  	_ =	shalt  }
0x54: {  	_ =	shalt  }
0x55: {  	_ =	shalt  }
0x56: {  	_ =	shalt  }
0x57: {  	_ =	shalt  }
0x58: {  	_ =	shalt  }
0x59: {  	_ =	shalt  }
0x5a: {  	_ =	shalt  }
0x5b: {  	_ =	shalt  }
0x5c: {  	_ =	shalt  }
0x5d: {  	_ =	shalt  }
0x5e: {  	_ =	shalt  }
0x5f: {  	_ =	shalt  }
0x60: {  	_ =	shalt  }
0x61: {  	_ =	shalt  }
0x62: {  	_ =	shalt  }
0x63: {  	_ =	shalt  }
0x64: {  	_ =	shalt  }
0x65: {  	_ =	shalt  }
0x66: {  	_ =	shalt  }
0x67: {  	_ =	shalt  }
0x68: {  	_ =	shalt  }
0x69: {  	_ =	shalt  }
0x6a: {  	_ =	shalt  }
0x6b: {  	_ =	shalt  }
0x6c: {  	_ =	shalt  }
0x6d: {  	_ =	shalt  }
0x6e: {  	_ =	shalt  }
0x6f: {  	_ =	shalt  }
0x70: {  	_ =	shalt  }
0x71: {  	_ =	shalt  }
0x72: {  	_ =	shalt  }
0x73: {  	_ =	shalt  }
0x74: {  	_ =	shalt  }
0x75: {  	_ =	shalt  }
0x76: {  	_ =	shalt  }
0x77: {  	_ =	shalt  }
0x78: {  	_ =	shalt  }
0x79: {  	_ =	shalt  }
0x7a: {  	_ =	shalt  }
0x7b: {  	_ =	shalt  }
0x7c: {  	_ =	shalt  }
0x7d: {  	_ =	shalt  }
0x7e: {  	_ =	shalt  }
0x7f: {  	_ =	shalt  }
0x80: {  	_ =	shalt  }
0x81: {  	_ =	shalt  }
0x82: {  	_ =	shalt  }
0x83: {  	_ =	shalt  }
0x84: {  	_ =	shalt  }
0x85: {  	_ =	shalt  }
0x86: {  	_ =	shalt  }
0x87: {  	_ =	shalt  }
.Lfunc_end0:
.L_simem_size_0:
called_computation_lowered:
.L_overlay_start_0:
0x88: {  	s2 =	sld [smem:$0x3FD9]  }
0x89: {  	s3 =	sld [smem:$0x3FFE];
	_ =	sdelay $0x1  }
0x8a: {  	s1 =	srdreg.scid  }
0x8b: {  	s0 =	sand.u32 $0x1, s1  }
0x8c: {  	s17 =	sshll.u32 s0, $0xA;
	s2 =	sadd.s32 s3, s2  }
0x8d: {  	s2 =	sadd.s32 s2, s17  }
0x8e: {  	[smem:$0x3FC6] =	sst s2  }
0x8f: {  	_ = 	snop  }
0x90: {  	s2 =	sld [smem:$0x3FD0];
	(tm) =	ssettm $0x1  }
0x91: {  	s18 =	sld [smem:$0x3FFB];
	_ =	sdelay $0x3  }
0x92: {  	_ =	strace s18  }
0x93: {  	s3 =	sld [smem:$0x3FFC];
	_ =	sdelay $0x3  }
0x94: {  	_ =	strace s3  }
0x95: {  	s3 =	sld [smem:$0x3FFD];
	_ =	sdelay $0x3  }
0x96: {  	_ =	strace s3  }
0x97: {  	_ =	strace $0x8FFFFFFF  }
0x98: {  	s19 =	sld [smem:$0x3FDB];
	_ =	sdelay $0x1  }
0x99: {  	s4 =	simm.s32 $_scs_section_size  }
0x9a: {  	s5 =	simm.s32 $_size__tile_overlayer_lowered;
	s6 =	simm.s32 $_tile_overlayer_lowered  }
0x9b: {  	s22 =	simm.s32 $0x1BFF;
	s21 =	sshll.u32 s6, $0x1;
	s3 =	sadd.s32 s4, s19  }
0x9c: {  	s7 =	simm.s32 $0x0;
	s20 =	sshll.u32 s5, $0x1;
	s5 =	sadd.s32 s21, s3  }
0x9d: {  	[timem:s7], [sflag:s22] =	dma.local [hbm:s5], s20  }
0x9e: {  	_ =	swait.ge [sflag:s22], s20  }
0x9f: {  	s4 =	ssub.s32 $0x0, s20;
	[sflag:s22] =	ssyncset.done $0x0  }
0xa0: {  	[sflag:s22] =	ssyncadd.s32 s4;
	_ =	sdelay $0x1  }
0xa1: {  	s23 =	simm.s32 $0x1B8B  }
0xa2: {  	_ =	swait.ge [sflag:s23], $0x1  }
0xa3: {  	[sflag:s23] =	ssyncset.done $0x0  }
0xa4: {  	s25 =	simm.s32 $0x1B8E;
	s24 =	sld [smem:$0x3FFE];
	[sflag:s23] =	ssyncadd.s32 $0xFFFFFFFF  }
0xa5: {  	s26 =	simm.s32 $execute0_lowered;
	[smem:$0x3FD2] =	sst s25  }
0xa6: {  	s5 =	sshll.u32 s26, $0x1;
	_ =	strace $0x80000046;
	[dreg:$0x1] =	wrdreg $0xFFFFFFFF  }
0xa7: {  	s28 =	simm.s32 $_size_execute0_lowered;
	s3 =	sadd.s32 s3, s5;
	[dreg:$0x0] =	wrdreg $0x0  }
0xa8: {  	s5 =	sshll.u32 s28, $0x1;
	[dreg:$0x2] =	wrdreg s3  }
0xa9: {  	[dreg:$0x3] =	wrdreg s5  }
0xaa: {  	[dreg:$0x4] =	wrdreg $0xC0  }
0xab: {  	_ =	task [dreg:s7], $0x5FFFF  }
0xac: {  	[dreg:$0x1] =	wrdreg $0xFFFFFFFF  }
0xad: {  	[dreg:$0x0] =	wrdreg $0x60  }
0xae: {  	[dreg:$0x2] =	wrdreg s2  }
0xaf: {  	[dreg:$0x3] =	wrdreg s24  }
0xb0: {  	[dreg:$0x4] =	wrdreg $0x10A000  }
0xb1: {  	[dreg:$0x5] =	wrdreg $0x9  }
0xb2: {  	_ =	task.clear_ibuf [dreg:s7], $0x6FFFF;
	_ =	strace $0x90000046  }
0xb3: {  	s29 =	simm.s32 $0x9;
	_ =	strace $0x80000048  }
0xb4: {  	_ =	swait.ge [sflag:s29], $0x1  }
0xb5: {  	[sflag:s29] =	ssyncadd.s32 $0xFFFFFFFF  }
0xb6: {  	_ =	strace $0x90000048  }
0xb7: {  	_ =	sfence  }
0xb8: {  	s30 =	sld [smem:$0x0];
	_ =	sdelay $0x2  }
0xb9: {  	s31 =	sshll.u32 s1, $0xD;
	s1 =	sshrl.u32 s1, $0x2  }
0xba: {  	s3 =	sand.u32 $0x4000, s31;
	s1 =	sadd.s32 s1, s30  }
0xbb: {  	s0 =	sor.u32 s3, s0;
	s1 =	sshll.u32 s1, $0x11  }
0xbc: {  	s0 =	sor.u32 s1, s0  }
0xbd: {  	s0 =	sadd.s32 $0x8F2B, s0  }
0xbe: {  	[sflag:s0] =	ssyncadd.remote.s32 $0x1  }
0xbf: {  	_ =	sfence.sel $0xFFFF  }
0xc0: {  	[dreg:$0x0] =	wrdreg $0xFFFFFFFF;
	(pc) =	sbr.abs _section_cstart, $3  }
0xc1: {  	[dreg:$0x1] =	wrdreg $0xFFFFFFFF  }
0xc2: {  	_ =	task.clear_ibuf [dreg:s7], $0x2FFFF;
	_ =	strace $0x9FFFFFFF  }
0xc3: {  	(tm) =	ssettm $0x7FFFFFFF  }
tec
execute0_lowered:
.L_overlay_start_1:
0x0: {  	(tag) =	ssettag $0x1  }
0x1: {  	v0 =	vlaneseq.u32  }
0x2: {  	v13 =	vmul.u32 $0x4, v0;
	_ =	sdelay $0x1  }
0x3: {  	s1 =	srdreg.scid;
	v4 =	vor.u32 $0x1, v13;
	v6 =	vor.u32 $0x40, v13;
	v7 =	vor.u32 $0x41, v13  }
0x4: {  	s0 =	stileid.u32;
	s10 =	rddreg [dreg:$0x0];
	v8 =	vor.u32 $0x42, v13;
	v9 =	vor.u32 $0x43, v13;
	v10 =	vor.u32 $0x80, v13  }
0x5: {  	s4 =	rddreg [dreg:$0x1];
	s16 =	simm.s32 $0xA00;
	s17 =	simm.s32 $0x880;
	v11 =	vor.u32 $0x81, v13;
	v12 =	vor.u32 $0x82, v13;
	v0 =	vor.u32 $0x83, v13  }
0x6: {  	s18 =	simm.s32 $0x4A00;
	s19 =	simm.s32 $0x3;
	s20 =	simm.s32 $0x2;
	v3 =	vor.u32 $0xC0, v13;
	v14 =	vor.u32 $0xC1, v13;
	v16 =	vor.u32 $0xC2, v13  }
0x7: {  	s21 =	simm.s32 $0x900;
	s22 =	simm.s32 $0x8A00;
	s7 =	smul.u32 $0xC8000, s0;
	v17 =	vor.u32 $0xC3, v13;
	v18 =	vor.u32 $0x100, v13;
	v19 =	vor.u32 $0x101, v13  }
0x8: {  	s28 =	simm.s32 $0x6;
	s29 =	simm.s32 $0x0;
	s11 =	smul.u32 $0x640000, s0;
	v20 =	vor.u32 $0x102, v13;
	v21 =	vor.u32 $0x103, v13;
	v22 =	vor.u32 $0x140, v13  }
0x9: {  	s5 =	sand.u32 $0x1, s1;
	s23 =	sshll.u32 s0, $0x1;
	s24 =	smul.u32 $0x32000, s0;
	v23 =	vor.u32 $0x141, v13;
	v24 =	vor.u32 $0x142, v13;
	v25 =	vor.u32 $0x143, v13  }
0xa: {  	s1 =	rddreg [dreg:$0x2];
	s3 =	sadd.s32 $0x1A00, s4;
	s8 =	smul.u32 $0x64000, s5;
	v26 =	vor.u32 $0x180, v13;
	v27 =	vor.u32 $0x181, v13;
	v28 =	vor.u32 $0x182, v13  }
0xb: {  	s14 =	sadd.s32 $0x6C00, s4;
	p0 =	sne.s32 s0, $0x0;
	s13 =	smul.u32 $0x320000, s5;
	v29 =	vor.u32 $0x183, v13;
	v30 =	vor.u32 $0x1C0, v13;
	v31 =	vor.u32 $0x1C1, v13  }
0xc: {  	s2 =	sor.u32 s5, s23;
	s9 =	ssub.s32 $0x2, s5;
	s15 =	smul.u32 $0x19000, s5;
	v32 =	vor.u32 $0x1C2, v13;
	v33 =	vor.u32 $0x1C3, v13;
	v34 =	vor.u32 $0x200, v13  }
0xd: {  	s23 =	simm.s32 $0x980;
	s6 =	smul.u32 $0x3200, s2;
	s2 =	simm.s32 $0x0;
	v35 =	vor.u32 $0x201, v13;
	v36 =	vor.u32 $0x202, v13;
	v37 =	vor.u32 $0x203, v13  }
0xe: {  	s12 =	sshrl.u32 s9, $0x1;
	s7 =	sadd.s32 s7, s14;
	v38 =	vor.u32 $0x240, v13;
	v39 =	vor.u32 $0x241, v13;
	v40 =	vor.u32 $0x242, v13;
	[smem:$0x7FF] =	sst s2  }
0xf: {  	v41 =	vor.u32 $0x243, v13;
	v42 =	vor.u32 $0x280, v13;
	v43 =	vor.u32 $0x281, v13;
	s9 =	ssub.s32 s9, s12;
	s7 =	sadd.s32 s8, s7;
	s25 =	sadd.s32 s13, s11  }
0x10: {  	v44 =	vor.u32 $0x282, v13;
	v45 =	vor.u32 $0x283, v13;
	v1 =	vor.u32 $0x3C3, v13;
	s26 =	sadd.s32 s15, s24;
	s12 =	simm.s32 $0x400;
	s13 =	simm.s32 $0x1  }
0x11: {  	v5 =	vor.u32 $0x2, v13;
	v2 =	vor.u32 $0x3, v13;
	v46 =	vor.u32 $0x2C0, v13;
	s15 =	simm.s32 $0x800;
	s24 =	simm.s32 $0xCA00;
	_ =	strace $0x80000047;
	[tilespmem:$0x1FF90] =	vst v1  }
0x12: {  	v47 =	vor.u32 $0x2C1, v13;
	v48 =	vor.u32 $0x2C2, v13;
	v15 =	vor.u32 $0x3C2, v13;
	[dreg:$0x4] =	wrdreg s3;
	s4 =	sadd.s32 s10, s6;
	s6 =	smax.u32 s9, $0x1;
	[tilespmem:$0x1FFA0] =	vst v3  }
.Ltmp0:
0x13: {  	v49 =	vor.u32 $0x2C3, v13;
	v50 =	vor.u32 $0x300, v13;
	v51 =	vor.u32 $0x301, v13;
	s7 =	sadd.s32 $0x1000, s7;
	s8 =	sshrl.u32 s25, $0x3;
	[tilespmem:$0x1FFB0] =	vst v15;
	(pc) =	sbr.rel .LBB2_1-.Ltmp0, $4  }
0x14: {  	v52 =	vor.u32 $0x302, v13;
	v53 =	vor.u32 $0x303, v13;
	v54 =	vor.u32 $0x340, v13;
	s30 =	sor.u32 $0xC00, s26;
	s9 =	sor.u32 $0x800, s26;
	s25 =	simm.s32 $0x4;
	[tilespmem:$0x1FFC0] =	vst v2  }
0x15: {  	v55 =	vor.u32 $0x341, v13;
	v56 =	vor.u32 $0x342, v13;
	v57 =	vor.u32 $0x343, v13;
	s26 =	simm.s32 $0x5;
	[tilespmem:$0x1FFD0] =	vst v6;
	s5 =	sadd.s32 $0x80, s4;
	s8 =	sadd.s32 s8, s14  }
0x16: {  	v58 =	vor.u32 $0x380, v13;
	v59 =	vor.u32 $0x381, v13;
	v60 =	vor.u32 $0x382, v13;
	[tilespmem:$0x1FFE0] =	vst v12;
	s11 =	sshrl.u32 s30, $0x3;
	s31 =	sshrl.u32 s9, $0x3;
	s14 =	simm.s32 $0x80  }
0x17: {  	v61 =	vor.u32 $0x383, v13;
	v62 =	vor.u32 $0x3C0, v13;
	v63 =	vor.u32 $0x3C1, v13;
	[tilespmem:$0x1FFF0] =	vst v51;
	s9 =	sadd.s32 s11, s10;
	s10 =	sadd.s32 s31, s10;
	s11 =	sshrl.u32 @!p0 s1, $0x3  }
.LBB2_4:
0x18: {  	v2 =	vmov v6;
	v6 =	vmov v7  }
0x19: {  	v7 =	vmovc v8;
	v8 =	vmovc v9;
	v9 =	vmov v10;
	v10 =	vmov v11;
	v11 =	vmov v12  }
0x1a: {  	v12 =	vmovc v0;
	v0 =	vmovc v14;
	v14 =	vmov v16;
	v16 =	vmov v17;
	v17 =	vmov v18  }
0x1b: {  	v18 =	vmovc v19;
	v19 =	vmovc v20;
	v20 =	vmov v21;
	v21 =	vmov v22;
	v22 =	vmov v23  }
0x1c: {  	v23 =	vmovc v24;
	v24 =	vmovc v25;
	v25 =	vmov v26;
	v26 =	vmov v27;
	v27 =	vmov v28  }
0x1d: {  	s29 =	sadd.s32 $0x1, s29;
	v28 =	vmovc v29;
	v29 =	vmovc v30;
	v30 =	vmov v31;
	v31 =	vmov v32;
	v32 =	vmov v33  }
0x1e: {  	_ =	swait.ge [sflag:s26], $0x8000;
	v33 =	vmovc v34;
	v34 =	vmovc v35;
	v35 =	vmov v36;
	v36 =	vmov v37;
	v37 =	vmov v38;
	p1 =	sne.s32 s29, s6  }
.Ltmp1:
0x1f: {  	v38 =	vmovc v39;
	v39 =	vmovc v40;
	v40 =	vmov v41;
	v41 =	vmov v42;
	v42 =	vmov v43;
	[sflag:s26] =	ssyncset.done $0x0;
	(pc) =	sbr.rel @!p1 .LBB2_5-.Ltmp1, $4  }
0x20: {  	v43 =	vmovc v44;
	v44 =	vmovc v45;
	v45 =	vmov v46;
	v46 =	vmov v47;
	v47 =	vmov v48;
	[sflag:s26] =	ssyncadd.s32 $0xFFFF8000  }
0x21: {  	v48 =	vmovc v49;
	v49 =	vmovc v50;
	v50 =	vmov v51;
	v52 =	vmov v53;
	v53 =	vmov v54;
	_ =	swait.ge [sflag:s28], $0x8000  }
0x22: {  	v54 =	vmovc v55;
	v55 =	vmovc v56;
	v56 =	vmov v57;
	v57 =	vmov v58;
	v58 =	vmov v59;
	[sflag:s28] =	ssyncset.done $0x0;
	v3 =	vld [tilespmem:$0x1FFA0]  }
0x23: {  	v59 =	vmovc v60;
	v60 =	vmovc v61;
	v61 =	vmov v62;
	v62 =	vmov v63;
	v63 =	vmov v15;
	v15 =	vld [tilespmem:$0x1FFB0];
	[sflag:s28] =	ssyncadd.s32 $0xFFFF8000  }
.LBB2_1:
0x24: {  	s0 =	simm.s32 @!p0 $0x1C07;
	s3 =	rddreg [dreg:$0x4]  }
0x25: {  	[spmem:s11], [sflag:s0] =	dma.local @!p0 [hbm:s3], $0x5100  }
0x26: {  	s0 =	simm.s32 @!p0 $0x7  }
0x27: {  	_ =	swait.ge @!p0 [sflag:s0], $0x5100  }
0x28: {  	[sflag:s0] =	ssyncset.done @!p0 $0x0  }
0x29: {  	[sflag:s0] =	ssyncadd.s32 @!p0 $0xFFFFAF00  }
0x2a: {  	[bflag:$0x0] =	sbarrier.arrive $0xFFFF  }
0x2b: {  	[tilespmem:s2], [sflag:$0x1] =	stream.linear.gather [hbm4b:s4+s2], $0x400, $0x38;
	[tilespmem:$0x13280] =	vst v63  }
0x2c: {  	_ = 	snop  }
0x2d: {  	[tilespmem:s12], [sflag:$0x2] =	stream.linear.gather [hbm4b:s5+s2], $0x400, $0x38;
	[tilespmem:$0x13280] =	vst v63  }
0x2e: {  	_ =	swait.ge [sflag:s13], $0x400  }
0x2f: {  	[sflag:s13] =	ssyncset.done $0x0  }
0x30: {  	[sflag:s13] =	ssyncadd.s32 $0xFFFFFC00  }
0x31: {  	v1 =	vld.idx.msk [tilespmem:v13+s2+$0x0], $0xffff;
	_ =	sdelay $0x4  }
0x32: {  	[tilespmem:$0x1FF40] =	vst v1;
	v1 =	vld.idx.msk [tilespmem:v4+s2+$0x0], $0xffff;
	_ =	sdelay $0x3  }
0x33: {  	v51 =	vmov v50;
	v50 =	vmov v49;
	v49 =	vmov v48  }
0x34: {  	v48 =	vmovc v47;
	v47 =	vmovc v46;
	v46 =	vmov v45;
	v45 =	vmov v44;
	v44 =	vmov v43;
	[tilespmem:$0x1FF50] =	vst v1;
	v1 =	vld.idx.msk [tilespmem:v5+s2+$0x0], $0xffff  }
0x35: {  	v43 =	vmovc v42;
	v42 =	vmovc v41;
	v41 =	vmov v40;
	v40 =	vmov v39;
	v39 =	vmov v38  }
0x36: {  	v38 =	vmovc v37;
	v37 =	vmovc v36;
	v36 =	vmov v35;
	v35 =	vmov v34;
	v34 =	vmov v33  }
0x37: {  	v33 =	vmovc v32;
	v32 =	vmovc v31;
	v31 =	vmov v30;
	v30 =	vmov v29;
	v29 =	vmov v28  }
0x38: {  	v28 =	vmovc v27;
	v27 =	vmovc v26;
	v26 =	vmov v25;
	v25 =	vmov v24;
	v24 =	vmov v23;
	v2 =	vld.idx.msk [tilespmem:v2+s2+$0x0], $0xffff  }
0x39: {  	v23 =	vmovc v22;
	v22 =	vmovc v21;
	v21 =	vmov v20;
	v20 =	vmov v19;
	v19 =	vmov v18;
	[tilespmem:$0x1FF60] =	vst v1;
	v1 =	vld [tilespmem:$0x1FF40]  }
0x3a: {  	v18 =	vmovc v17;
	v17 =	vmovc v16;
	v16 =	vmov v14;
	v14 =	vmov v0;
	v0 =	vmov v12  }
0x3b: {  	v12 =	vmovc v11;
	v11 =	vmovc v10;
	v10 =	vmov v9;
	v9 =	vmov v8;
	v8 =	vmov v7;
	v7 =	vld [tilespmem:$0x1FF50];
	_ =	sdelay $0x2  }
0x3c: {  	[tilespmem:$0x1FF70] =	vst v2;
	v2 =	vmov v3;
	v3 =	vld [tilespmem:$0x1FF60];
	v1 =	vmul.u32 $0x6, v1;
	_ =	sdelay $0x1  }
0x3d: {  	v1 =	vadd.s32 v7, v1  }
0x3e: {  	v1 =	vmul.u32 $0x6, v1;
	_ =	sdelay $0x1  }
0x3f: {  	v1 =	vadd.s32 v3, v1;
	v3 =	vld [tilespmem:$0x1FF70];
	_ =	sdelay $0x2  }
0x40: {  	v1 =	vmul.u32 $0x6, v1;
	_ =	sdelay $0x1  }
0x41: {  	v1 =	vadd.s32 v3, v1  }
0x42: {  	[tilespmem:$0x800] =	vst v1  }
0x43: {  	v1 =	vld.idx.msk [tilespmem:v6+s2+$0x0], $0xffff;
	_ =	sdelay $0x1  }
0x44: {  	v6 =	vld.idx.msk [tilespmem:v8+s2+$0x0], $0xffff;
	_ =	sdelay $0x2  }
0x45: {  	v1 =	vmul.u32 $0x6, v1;
	_ =	sdelay $0x1  }
0x46: {  	v1 =	vadd.s32 v6, v1;
	v6 =	vld.idx.msk [tilespmem:v10+s2+$0x0], $0xffff  }
0x47: {  	v3 =	vld.idx.msk [tilespmem:v9+s2+$0x0], $0xffff;
	_ =	sdelay $0x2  }
0x48: {  	v1 =	vmul.u32 $0x6, v1  }
0x49: {  	[tilespmem:$0x1FF80] =	vst v6  }
0x4a: {  	v1 =	vadd.s32 v3, v1;
	v3 =	vld [tilespmem:$0x1FF80];
	_ =	sdelay $0x2  }
0x4b: {  	v1 =	vmul.u32 $0x6, v1;
	_ =	sdelay $0x1  }
0x4c: {  	v1 =	vadd.s32 v3, v1  }
0x4d: {  	[tilespmem:$0x810] =	vst v1  }
0x4e: {  	v1 =	vld.idx.msk [tilespmem:v11+s2+$0x0], $0xffff;
	_ =	sdelay $0x1  }
0x4f: {  	v6 =	vld.idx.msk [tilespmem:v12+s2+$0x0], $0xffff;
	_ =	sdelay $0x2  }
0x50: {  	v3 =	vld.idx.msk [tilespmem:v0+s2+$0x0], $0xffff;
	v1 =	vmul.u32 $0x6, v1;
	_ =	sdelay $0x1  }
0x51: {  	v1 =	vadd.s32 v6, v1  }
0x52: {  	v6 =	vld.idx.msk [tilespmem:v14+s2+$0x0], $0xffff;
	v1 =	vmul.u32 $0x6, v1;
	_ =	sdelay $0x1  }
0x53: {  	v1 =	vadd.s32 v3, v1  }
0x54: {  	v1 =	vmul.u32 $0x6, v1;
	_ =	sdelay $0x1  }
0x55: {  	v1 =	vadd.s32 v6, v1  }
0x56: {  	[tilespmem:$0x820] =	vst v1  }
0x57: {  	v1 =	vld.idx.msk [tilespmem:v2+s2+$0x0], $0xffff;
	_ =	sdelay $0x1  }
0x58: {  	v0 =	vld.idx.msk [tilespmem:v16+s2+$0x0], $0xffff;
	_ =	sdelay $0x2  }
0x59: {  	v2 =	vld.idx.msk [tilespmem:v17+s2+$0x0], $0xffff;
	v1 =	vmul.u32 $0x6, v1;
	_ =	sdelay $0x1  }
0x5a: {  	v1 =	vadd.s32 v0, v1  }
0x5b: {  	v3 =	vld.idx.msk [tilespmem:v18+s2+$0x0], $0xffff;
	v1 =	vmul.u32 $0x6, v1;
	_ =	sdelay $0x1  }
0x5c: {  	v1 =	vadd.s32 v2, v1  }
0x5d: {  	v1 =	vmul.u32 $0x6, v1;
	_ =	sdelay $0x1  }
0x5e: {  	v1 =	vadd.s32 v3, v1  }
0x5f: {  	[tilespmem:$0x830] =	vst v1  }
0x60: {  	v1 =	vld.idx.msk [tilespmem:v19+s2+$0x0], $0xffff;
	_ =	sdelay $0x1  }
0x61: {  	v0 =	vld.idx.msk [tilespmem:v20+s2+$0x0], $0xffff;
	_ =	sdelay $0x2  }
0x62: {  	v2 =	vld.idx.msk [tilespmem:v21+s2+$0x0], $0xffff;
	v1 =	vmul.u32 $0x6, v1;
	_ =	sdelay $0x1  }
0x63: {  	v1 =	vadd.s32 v0, v1  }
0x64: {  	v3 =	vld.idx.msk [tilespmem:v22+s2+$0x0], $0xffff;
	v1 =	vmul.u32 $0x6, v1;
	_ =	sdelay $0x1  }
0x65: {  	v1 =	vadd.s32 v2, v1  }
0x66: {  	v1 =	vmul.u32 $0x6, v1;
	_ =	sdelay $0x1  }
0x67: {  	v1 =	vadd.s32 v3, v1  }
0x68: {  	[tilespmem:$0x840] =	vst v1  }
0x69: {  	v1 =	vld.idx.msk [tilespmem:v23+s2+$0x0], $0xffff;
	_ =	sdelay $0x1  }
0x6a: {  	v0 =	vld.idx.msk [tilespmem:v24+s2+$0x0], $0xffff;
	_ =	sdelay $0x2  }
0x6b: {  	v2 =	vld.idx.msk [tilespmem:v25+s2+$0x0], $0xffff;
	v1 =	vmul.u32 $0x6, v1;
	_ =	sdelay $0x1  }
0x6c: {  	v1 =	vadd.s32 v0, v1  }
0x6d: {  	v3 =	vld.idx.msk [tilespmem:v26+s2+$0x0], $0xffff;
	v1 =	vmul.u32 $0x6, v1;
	_ =	sdelay $0x1  }
0x6e: {  	v1 =	vadd.s32 v2, v1  }
0x6f: {  	v1 =	vmul.u32 $0x6, v1;
	_ =	sdelay $0x1  }
0x70: {  	v1 =	vadd.s32 v3, v1  }
0x71: {  	[tilespmem:$0x850] =	vst v1  }
0x72: {  	v1 =	vld.idx.msk [tilespmem:v27+s2+$0x0], $0xffff;
	_ =	sdelay $0x1  }
0x73: {  	v0 =	vld.idx.msk [tilespmem:v28+s2+$0x0], $0xffff;
	_ =	sdelay $0x2  }
0x74: {  	v2 =	vld.idx.msk [tilespmem:v29+s2+$0x0], $0xffff;
	v1 =	vmul.u32 $0x6, v1;
	_ =	sdelay $0x1  }
0x75: {  	v1 =	vadd.s32 v0, v1  }
0x76: {  	v3 =	vld.idx.msk [tilespmem:v30+s2+$0x0], $0xffff;
	v1 =	vmul.u32 $0x6, v1;
	_ =	sdelay $0x1  }
0x77: {  	v1 =	vadd.s32 v2, v1  }
0x78: {  	v1 =	vmul.u32 $0x6, v1;
	_ =	sdelay $0x1  }
0x79: {  	v1 =	vadd.s32 v3, v1  }
0x7a: {  	[tilespmem:$0x860] =	vst v1  }
0x7b: {  	v1 =	vld.idx.msk [tilespmem:v31+s2+$0x0], $0xffff;
	_ =	sdelay $0x1  }
0x7c: {  	v0 =	vld.idx.msk [tilespmem:v32+s2+$0x0], $0xffff;
	_ =	sdelay $0x2  }
0x7d: {  	v2 =	vld.idx.msk [tilespmem:v33+s2+$0x0], $0xffff;
	v1 =	vmul.u32 $0x6, v1;
	_ =	sdelay $0x1  }
0x7e: {  	v1 =	vadd.s32 v0, v1  }
0x7f: {  	v3 =	vld.idx.msk [tilespmem:v34+s2+$0x0], $0xffff;
	v1 =	vmul.u32 $0x6, v1;
	_ =	sdelay $0x1  }
0x80: {  	v1 =	vadd.s32 v2, v1  }
0x81: {  	v1 =	vmul.u32 $0x6, v1;
	_ =	sdelay $0x1  }
0x82: {  	v1 =	vadd.s32 v3, v1  }
0x83: {  	[tilespmem:$0x870] =	vst v1  }
0x84: {  	v1 =	vld.idx.msk [tilespmem:v35+s2+$0x0], $0xffff;
	_ =	sdelay $0x1  }
0x85: {  	v0 =	vld.idx.msk [tilespmem:v36+s2+$0x0], $0xffff;
	_ =	sdelay $0x2  }
0x86: {  	v2 =	vld.idx.msk [tilespmem:v37+s2+$0x0], $0xffff;
	v1 =	vmul.u32 $0x6, v1;
	_ =	sdelay $0x1  }
0x87: {  	v1 =	vadd.s32 v0, v1  }
0x88: {  	v3 =	vld.idx.msk [tilespmem:v38+s2+$0x0], $0xffff;
	v1 =	vmul.u32 $0x6, v1;
	_ =	sdelay $0x1  }
0x89: {  	v1 =	vadd.s32 v2, v1  }
0x8a: {  	v1 =	vmul.u32 $0x6, v1;
	_ =	sdelay $0x1  }
0x8b: {  	v1 =	vadd.s32 v3, v1  }
0x8c: {  	[tilespmem:$0x880] =	vst v1  }
0x8d: {  	v1 =	vld.idx.msk [tilespmem:v39+s2+$0x0], $0xffff;
	_ =	sdelay $0x1  }
0x8e: {  	v0 =	vld.idx.msk [tilespmem:v40+s2+$0x0], $0xffff;
	_ =	sdelay $0x2  }
0x8f: {  	v2 =	vld.idx.msk [tilespmem:v41+s2+$0x0], $0xffff;
	v1 =	vmul.u32 $0x6, v1;
	_ =	sdelay $0x1  }
0x90: {  	v1 =	vadd.s32 v0, v1  }
0x91: {  	v3 =	vld.idx.msk [tilespmem:v42+s2+$0x0], $0xffff;
	v1 =	vmul.u32 $0x6, v1;
	_ =	sdelay $0x1  }
0x92: {  	v1 =	vadd.s32 v2, v1  }
0x93: {  	v1 =	vmul.u32 $0x6, v1;
	_ =	sdelay $0x1  }
0x94: {  	v1 =	vadd.s32 v3, v1  }
0x95: {  	[tilespmem:$0x890] =	vst v1  }
0x96: {  	v1 =	vld.idx.msk [tilespmem:v43+s2+$0x0], $0xffff;
	_ =	sdelay $0x1  }
0x97: {  	v0 =	vld.idx.msk [tilespmem:v44+s2+$0x0], $0xffff;
	_ =	sdelay $0x2  }
0x98: {  	v2 =	vld.idx.msk [tilespmem:v45+s2+$0x0], $0xffff;
	v1 =	vmul.u32 $0x6, v1;
	_ =	sdelay $0x1  }
0x99: {  	v1 =	vadd.s32 v0, v1  }
0x9a: {  	v3 =	vld.idx.msk [tilespmem:v46+s2+$0x0], $0xffff;
	v1 =	vmul.u32 $0x6, v1;
	_ =	sdelay $0x1  }
0x9b: {  	v1 =	vadd.s32 v2, v1  }
0x9c: {  	v1 =	vmul.u32 $0x6, v1;
	_ =	sdelay $0x1  }
0x9d: {  	v1 =	vadd.s32 v3, v1  }
0x9e: {  	[tilespmem:$0x8A0] =	vst v1  }
0x9f: {  	v1 =	vld.idx.msk [tilespmem:v47+s2+$0x0], $0xffff;
	_ =	sdelay $0x1  }
0xa0: {  	v0 =	vld.idx.msk [tilespmem:v48+s2+$0x0], $0xffff;
	_ =	sdelay $0x2  }
0xa1: {  	v2 =	vld.idx.msk [tilespmem:v49+s2+$0x0], $0xffff;
	v1 =	vmul.u32 $0x6, v1;
	_ =	sdelay $0x1  }
0xa2: {  	v1 =	vadd.s32 v0, v1;
	v0 =	vmovc v15;
	v15 =	vmovc v63;
	v63 =	vmov v62;
	v62 =	vmov v61  }
0xa3: {  	v3 =	vld.idx.msk [tilespmem:v50+s2+$0x0], $0xffff;
	v61 =	vmovc v60;
	v60 =	vmovc v59;
	v59 =	vmov v58;
	v58 =	vmov v57;
	v1 =	vmul.u32 $0x6, v1  }
0xa4: {  	v57 =	vmovc v56;
	v56 =	vmovc v55;
	v55 =	vmov v54;
	v54 =	vmov v53;
	v53 =	vmov v52;
	v52 =	vld [tilespmem:$0x1FFF0]  }
0xa5: {  	v1 =	vadd.s32 v2, v1  }
0xa6: {  	v1 =	vmul.u32 $0x6, v1;
	_ =	sdelay $0x1  }
0xa7: {  	v1 =	vadd.s32 v3, v1  }
0xa8: {  	[tilespmem:$0x8B0] =	vst v1  }
0xa9: {  	v1 =	vld.idx.msk [tilespmem:v51+s2+$0x0], $0xffff;
	_ =	sdelay $0x1  }
0xaa: {  	v3 =	vld.idx.msk [tilespmem:v52+s2+$0x0], $0xffff;
	_ =	sdelay $0x2  }
0xab: {  	v2 =	vld.idx.msk [tilespmem:v53+s2+$0x0], $0xffff;
	v1 =	vmul.u32 $0x6, v1;
	_ =	sdelay $0x1  }
0xac: {  	v1 =	vadd.s32 v3, v1  }
0xad: {  	v3 =	vld.idx.msk [tilespmem:v54+s2+$0x0], $0xffff;
	v1 =	vmul.u32 $0x6, v1;
	_ =	sdelay $0x1  }
0xae: {  	v1 =	vadd.s32 v2, v1  }
0xaf: {  	v1 =	vmul.u32 $0x6, v1;
	_ =	sdelay $0x1  }
0xb0: {  	v1 =	vadd.s32 v3, v1  }
0xb1: {  	[tilespmem:$0x8C0] =	vst v1  }
0xb2: {  	v1 =	vld.idx.msk [tilespmem:v55+s2+$0x0], $0xffff;
	_ =	sdelay $0x1  }
0xb3: {  	v3 =	vld.idx.msk [tilespmem:v56+s2+$0x0], $0xffff;
	_ =	sdelay $0x2  }
0xb4: {  	v2 =	vld.idx.msk [tilespmem:v57+s2+$0x0], $0xffff;
	v1 =	vmul.u32 $0x6, v1;
	_ =	sdelay $0x1  }
0xb5: {  	v1 =	vadd.s32 v3, v1  }
0xb6: {  	v3 =	vld.idx.msk [tilespmem:v58+s2+$0x0], $0xffff;
	v1 =	vmul.u32 $0x6, v1;
	_ =	sdelay $0x1  }
0xb7: {  	v1 =	vadd.s32 v2, v1  }
0xb8: {  	v1 =	vmul.u32 $0x6, v1;
	_ =	sdelay $0x1  }
0xb9: {  	v1 =	vadd.s32 v3, v1  }
0xba: {  	[tilespmem:$0x8D0] =	vst v1  }
0xbb: {  	v1 =	vld.idx.msk [tilespmem:v59+s2+$0x0], $0xffff;
	_ =	sdelay $0x1  }
0xbc: {  	v3 =	vld.idx.msk [tilespmem:v60+s2+$0x0], $0xffff;
	_ =	sdelay $0x2  }
0xbd: {  	v2 =	vld.idx.msk [tilespmem:v61+s2+$0x0], $0xffff;
	v1 =	vmul.u32 $0x6, v1;
	_ =	sdelay $0x1  }
0xbe: {  	v1 =	vadd.s32 v3, v1  }
0xbf: {  	v3 =	vld.idx.msk [tilespmem:v62+s2+$0x0], $0xffff;
	v1 =	vmul.u32 $0x6, v1;
	_ =	sdelay $0x1  }
0xc0: {  	v1 =	vadd.s32 v2, v1  }
0xc1: {  	v1 =	vmul.u32 $0x6, v1;
	_ =	sdelay $0x1  }
0xc2: {  	v1 =	vadd.s32 v3, v1  }
0xc3: {  	[tilespmem:$0x8E0] =	vst v1  }
0xc4: {  	v1 =	vld.idx.msk [tilespmem:v63+s2+$0x0], $0xffff;
	_ =	sdelay $0x1  }
0xc5: {  	v2 =	vld.idx.msk [tilespmem:v15+s2+$0x0], $0xffff;
	_ =	sdelay $0x2  }
0xc6: {  	v1 =	vmul.u32 $0x6, v1;
	_ =	sdelay $0x1  }
0xc7: {  	v1 =	vadd.s32 v2, v1;
	v2 =	vld [tilespmem:$0x1FF90];
	_ =	sdelay $0x4  }
0xc8: {  	v3 =	vld.idx.msk [tilespmem:v0+s2+$0x0], $0xffff;
	_ =	sdelay $0x2  }
0xc9: {  	v1 =	vmul.u32 $0x6, v1;
	v2 =	vld.idx.msk [tilespmem:v2+s2+$0x0], $0xffff;
	_ =	sdelay $0x1  }
0xca: {  	v1 =	vadd.s32 v3, v1  }
0xcb: {  	v1 =	vmul.u32 $0x6, v1  }
0xcc: {  	v7 =	vld [tilespmem:$0x1FFD0]  }
0xcd: {  	v6 =	vld [tilespmem:$0x1FFC0];
	v1 =	vadd.s32 v2, v1  }
0xce: {  	[tilespmem:$0x8F0] =	vst v1  }
0xcf: {  	v0 =	vld [tilespmem:$0x1FFE0];
	[tilespmem:s16], [sflag:$0x3] =	stream.indirect.gather [spmem:s1], $0x80, s15, s14, $0xb8  }
0xd0: {  	s30 =	smov.u32 s10;
	s31 =	smov.u32 s9;
	s0 =	simm.s32 $0x0  }
0xd1: {  	[tilespmem:s18], [sflag:$0x3] =	stream.indirect.gather [spmem:s1], $0x80, s17, s14, $0xb8;
	[tilespmem:$0x13280] =	vst v63  }
.LBB2_2:
0xd2: {  	_ =	swait.ge [sflag:s19], $0x4000  }
0xd3: {  	[sflag:s19] =	ssyncset.done $0x0  }
0xd4: {  	[sflag:s19] =	ssyncadd.s32 $0xFFFFC000  }
0xd5: {  	_ =	swait.ge [sflag:s19], $0x4000  }
0xd6: {  	[sflag:s19] =	ssyncset.done $0x0  }
0xd7: {  	s3 =	sadd.s32 s0, s8;
	p1 =	seq.s32 s0, $0x62000;
	[sflag:s19] =	ssyncadd.s32 $0xFFFFC000  }
0xd8: {  	[hbm4b:s3+s2] =	stream.linear.scatter [tilespmem:s16], [sflag:$0x5], $0x8000, $0x38;
	[tilespmem:$0x13280] =	vst v63  }
0xd9: {  	s3 =	simm.s32 @!p1 $0x0  }
0xda: {  	[tilespmem:s3], [sflag:$0x1] =	stream.linear.gather @!p1 [hbm4b:s30+s3], $0x400, $0x38;
	[tilespmem:$0x13280] =	vst v63  }
0xdb: {  	_ =	swait.ge [sflag:s20], $0x400  }
0xdc: {  	[sflag:s20] =	ssyncset.done $0x0  }
0xdd: {  	[sflag:s20] =	ssyncadd.s32 $0xFFFFFC00  }
0xde: {  	v1 =	vld.idx.msk [tilespmem:v13+s12+$0x0], $0xffff;
	_ =	sdelay $0x1  }
0xdf: {  	v2 =	vld.idx.msk [tilespmem:v4+s12+$0x0], $0xffff;
	_ =	sdelay $0x2  }
0xe0: {  	v3 =	vld.idx.msk [tilespmem:v5+s12+$0x0], $0xffff;
	v1 =	vmul.u32 $0x6, v1;
	_ =	sdelay $0x1  }
0xe1: {  	v1 =	vadd.s32 v2, v1  }
0xe2: {  	v2 =	vld.idx.msk [tilespmem:v6+s12+$0x0], $0xffff;
	v1 =	vmul.u32 $0x6, v1;
	_ =	sdelay $0x1  }
0xe3: {  	v1 =	vadd.s32 v3, v1  }
0xe4: {  	v1 =	vmul.u32 $0x6, v1;
	_ =	sdelay $0x1  }
0xe5: {  	v1 =	vadd.s32 v2, v1  }
0xe6: {  	[tilespmem:$0x900] =	vst v1  }
0xe7: {  	v1 =	vld.idx.msk [tilespmem:v7+s12+$0x0], $0xffff;
	_ =	sdelay $0x1  }
0xe8: {  	v2 =	vld.idx.msk [tilespmem:v8+s12+$0x0], $0xffff;
	_ =	sdelay $0x2  }
0xe9: {  	v3 =	vld.idx.msk [tilespmem:v9+s12+$0x0], $0xffff;
	v1 =	vmul.u32 $0x6, v1;
	_ =	sdelay $0x1  }
0xea: {  	v1 =	vadd.s32 v2, v1  }
0xeb: {  	v2 =	vld.idx.msk [tilespmem:v10+s12+$0x0], $0xffff;
	v1 =	vmul.u32 $0x6, v1;
	_ =	sdelay $0x1  }
0xec: {  	v1 =	vadd.s32 v3, v1  }
0xed: {  	v1 =	vmul.u32 $0x6, v1;
	_ =	sdelay $0x1  }
0xee: {  	v1 =	vadd.s32 v2, v1  }
0xef: {  	[tilespmem:$0x910] =	vst v1  }
0xf0: {  	v1 =	vld.idx.msk [tilespmem:v11+s12+$0x0], $0xffff;
	_ =	sdelay $0x1  }
0xf1: {  	v2 =	vld.idx.msk [tilespmem:v12+s12+$0x0], $0xffff;
	_ =	sdelay $0x2  }
0xf2: {  	v3 =	vld.idx.msk [tilespmem:v0+s12+$0x0], $0xffff;
	v1 =	vmul.u32 $0x6, v1;
	_ =	sdelay $0x1  }
0xf3: {  	v1 =	vadd.s32 v2, v1  }
0xf4: {  	v2 =	vld.idx.msk [tilespmem:v14+s12+$0x0], $0xffff;
	v1 =	vmul.u32 $0x6, v1;
	_ =	sdelay $0x1  }
0xf5: {  	v1 =	vadd.s32 v3, v1  }
0xf6: {  	v1 =	vmul.u32 $0x6, v1;
	_ =	sdelay $0x1  }
0xf7: {  	v1 =	vadd.s32 v2, v1  }
0xf8: {  	[tilespmem:$0x920] =	vst v1;
	v1 =	vld [tilespmem:$0x1FFA0];
	_ =	sdelay $0x7  }
0xf9: {  	v1 =	vld.idx.msk [tilespmem:v1+s12+$0x0], $0xffff;
	_ =	sdelay $0x1  }
0xfa: {  	v2 =	vld.idx.msk [tilespmem:v16+s12+$0x0], $0xffff;
	_ =	sdelay $0x2  }
0xfb: {  	v3 =	vld.idx.msk [tilespmem:v17+s12+$0x0], $0xffff;
	v1 =	vmul.u32 $0x6, v1;
	_ =	sdelay $0x1  }
0xfc: {  	v1 =	vadd.s32 v2, v1  }
0xfd: {  	v2 =	vld.idx.msk [tilespmem:v18+s12+$0x0], $0xffff;
	v1 =	vmul.u32 $0x6, v1;
	_ =	sdelay $0x1  }
0xfe: {  	v1 =	vadd.s32 v3, v1  }
0xff: {  	v1 =	vmul.u32 $0x6, v1;
	_ =	sdelay $0x1  }
0x100: {  	v1 =	vadd.s32 v2, v1  }
0x101: {  	[tilespmem:$0x930] =	vst v1  }
0x102: {  	v1 =	vld.idx.msk [tilespmem:v19+s12+$0x0], $0xffff;
	_ =	sdelay $0x1  }
0x103: {  	v2 =	vld.idx.msk [tilespmem:v20+s12+$0x0], $0xffff;
	_ =	sdelay $0x2  }
0x104: {  	v3 =	vld.idx.msk [tilespmem:v21+s12+$0x0], $0xffff;
	v1 =	vmul.u32 $0x6, v1;
	_ =	sdelay $0x1  }
0x105: {  	v1 =	vadd.s32 v2, v1  }
0x106: {  	v2 =	vld.idx.msk [tilespmem:v22+s12+$0x0], $0xffff;
	v1 =	vmul.u32 $0x6, v1;
	_ =	sdelay $0x1  }
0x107: {  	v1 =	vadd.s32 v3, v1  }
0x108: {  	v1 =	vmul.u32 $0x6, v1;
	_ =	sdelay $0x1  }
0x109: {  	v1 =	vadd.s32 v2, v1  }
0x10a: {  	[tilespmem:$0x940] =	vst v1  }
0x10b: {  	v1 =	vld.idx.msk [tilespmem:v23+s12+$0x0], $0xffff;
	_ =	sdelay $0x1  }
0x10c: {  	v2 =	vld.idx.msk [tilespmem:v24+s12+$0x0], $0xffff;
	_ =	sdelay $0x2  }
0x10d: {  	v3 =	vld.idx.msk [tilespmem:v25+s12+$0x0], $0xffff;
	v1 =	vmul.u32 $0x6, v1;
	_ =	sdelay $0x1  }
0x10e: {  	v1 =	vadd.s32 v2, v1  }
0x10f: {  	v2 =	vld.idx.msk [tilespmem:v26+s12+$0x0], $0xffff;
	v1 =	vmul.u32 $0x6, v1;
	_ =	sdelay $0x1  }
0x110: {  	v1 =	vadd.s32 v3, v1  }
0x111: {  	v1 =	vmul.u32 $0x6, v1;
	_ =	sdelay $0x1  }
0x112: {  	v1 =	vadd.s32 v2, v1  }
0x113: {  	[tilespmem:$0x950] =	vst v1  }
0x114: {  	v1 =	vld.idx.msk [tilespmem:v27+s12+$0x0], $0xffff;
	_ =	sdelay $0x1  }
0x115: {  	v2 =	vld.idx.msk [tilespmem:v28+s12+$0x0], $0xffff;
	_ =	sdelay $0x2  }
0x116: {  	v3 =	vld.idx.msk [tilespmem:v29+s12+$0x0], $0xffff;
	v1 =	vmul.u32 $0x6, v1;
	_ =	sdelay $0x1  }
0x117: {  	v1 =	vadd.s32 v2, v1  }
0x118: {  	v2 =	vld.idx.msk [tilespmem:v30+s12+$0x0], $0xffff;
	v1 =	vmul.u32 $0x6, v1;
	_ =	sdelay $0x1  }
0x119: {  	v1 =	vadd.s32 v3, v1  }
0x11a: {  	v1 =	vmul.u32 $0x6, v1;
	_ =	sdelay $0x1  }
0x11b: {  	v1 =	vadd.s32 v2, v1  }
0x11c: {  	[tilespmem:$0x960] =	vst v1  }
0x11d: {  	v1 =	vld.idx.msk [tilespmem:v31+s12+$0x0], $0xffff;
	_ =	sdelay $0x1  }
0x11e: {  	v2 =	vld.idx.msk [tilespmem:v32+s12+$0x0], $0xffff;
	_ =	sdelay $0x2  }
0x11f: {  	v3 =	vld.idx.msk [tilespmem:v33+s12+$0x0], $0xffff;
	v1 =	vmul.u32 $0x6, v1;
	_ =	sdelay $0x1  }
0x120: {  	v1 =	vadd.s32 v2, v1  }
0x121: {  	v2 =	vld.idx.msk [tilespmem:v34+s12+$0x0], $0xffff;
	v1 =	vmul.u32 $0x6, v1;
	_ =	sdelay $0x1  }
0x122: {  	v1 =	vadd.s32 v3, v1  }
0x123: {  	v1 =	vmul.u32 $0x6, v1;
	_ =	sdelay $0x1  }
0x124: {  	v1 =	vadd.s32 v2, v1  }
0x125: {  	[tilespmem:$0x970] =	vst v1  }
0x126: {  	v1 =	vld.idx.msk [tilespmem:v35+s12+$0x0], $0xffff;
	_ =	sdelay $0x1  }
0x127: {  	v2 =	vld.idx.msk [tilespmem:v36+s12+$0x0], $0xffff;
	_ =	sdelay $0x2  }
0x128: {  	v3 =	vld.idx.msk [tilespmem:v37+s12+$0x0], $0xffff;
	v1 =	vmul.u32 $0x6, v1;
	_ =	sdelay $0x1  }
0x129: {  	v1 =	vadd.s32 v2, v1  }
0x12a: {  	v2 =	vld.idx.msk [tilespmem:v38+s12+$0x0], $0xffff;
	v1 =	vmul.u32 $0x6, v1;
	_ =	sdelay $0x1  }
0x12b: {  	v1 =	vadd.s32 v3, v1  }
0x12c: {  	v1 =	vmul.u32 $0x6, v1;
	_ =	sdelay $0x1  }
0x12d: {  	v1 =	vadd.s32 v2, v1  }
0x12e: {  	[tilespmem:$0x980] =	vst v1  }
0x12f: {  	v1 =	vld.idx.msk [tilespmem:v39+s12+$0x0], $0xffff;
	_ =	sdelay $0x1  }
0x130: {  	v2 =	vld.idx.msk [tilespmem:v40+s12+$0x0], $0xffff;
	_ =	sdelay $0x2  }
0x131: {  	v3 =	vld.idx.msk [tilespmem:v41+s12+$0x0], $0xffff;
	v1 =	vmul.u32 $0x6, v1;
	_ =	sdelay $0x1  }
0x132: {  	v1 =	vadd.s32 v2, v1  }
0x133: {  	v2 =	vld.idx.msk [tilespmem:v42+s12+$0x0], $0xffff;
	v1 =	vmul.u32 $0x6, v1;
	_ =	sdelay $0x1  }
0x134: {  	v1 =	vadd.s32 v3, v1  }
0x135: {  	v1 =	vmul.u32 $0x6, v1;
	_ =	sdelay $0x1  }
0x136: {  	v1 =	vadd.s32 v2, v1  }
0x137: {  	[tilespmem:$0x990] =	vst v1  }
0x138: {  	v1 =	vld.idx.msk [tilespmem:v43+s12+$0x0], $0xffff;
	_ =	sdelay $0x1  }
0x139: {  	v2 =	vld.idx.msk [tilespmem:v44+s12+$0x0], $0xffff;
	_ =	sdelay $0x2  }
0x13a: {  	v3 =	vld.idx.msk [tilespmem:v45+s12+$0x0], $0xffff;
	v1 =	vmul.u32 $0x6, v1;
	_ =	sdelay $0x1  }
0x13b: {  	v1 =	vadd.s32 v2, v1  }
0x13c: {  	v2 =	vld.idx.msk [tilespmem:v46+s12+$0x0], $0xffff;
	v1 =	vmul.u32 $0x6, v1;
	_ =	sdelay $0x1  }
0x13d: {  	v1 =	vadd.s32 v3, v1  }
0x13e: {  	v1 =	vmul.u32 $0x6, v1;
	_ =	sdelay $0x1  }
0x13f: {  	v1 =	vadd.s32 v2, v1  }
0x140: {  	[tilespmem:$0x9A0] =	vst v1  }
0x141: {  	v1 =	vld.idx.msk [tilespmem:v47+s12+$0x0], $0xffff;
	_ =	sdelay $0x1  }
0x142: {  	v2 =	vld.idx.msk [tilespmem:v48+s12+$0x0], $0xffff;
	_ =	sdelay $0x2  }
0x143: {  	v3 =	vld.idx.msk [tilespmem:v49+s12+$0x0], $0xffff;
	v1 =	vmul.u32 $0x6, v1;
	_ =	sdelay $0x1  }
0x144: {  	v1 =	vadd.s32 v2, v1  }
0x145: {  	v2 =	vld.idx.msk [tilespmem:v50+s12+$0x0], $0xffff;
	v1 =	vmul.u32 $0x6, v1;
	_ =	sdelay $0x1  }
0x146: {  	v1 =	vadd.s32 v3, v1  }
0x147: {  	v1 =	vmul.u32 $0x6, v1;
	_ =	sdelay $0x1  }
0x148: {  	v1 =	vadd.s32 v2, v1  }
0x149: {  	[tilespmem:$0x9B0] =	vst v1  }
0x14a: {  	v1 =	vld.idx.msk [tilespmem:v51+s12+$0x0], $0xffff;
	_ =	sdelay $0x1  }
0x14b: {  	v2 =	vld.idx.msk [tilespmem:v52+s12+$0x0], $0xffff;
	_ =	sdelay $0x2  }
0x14c: {  	v3 =	vld.idx.msk [tilespmem:v53+s12+$0x0], $0xffff;
	v1 =	vmul.u32 $0x6, v1;
	_ =	sdelay $0x1  }
0x14d: {  	v1 =	vadd.s32 v2, v1  }
0x14e: {  	v2 =	vld.idx.msk [tilespmem:v54+s12+$0x0], $0xffff;
	v1 =	vmul.u32 $0x6, v1;
	_ =	sdelay $0x1  }
0x14f: {  	v1 =	vadd.s32 v3, v1  }
0x150: {  	v1 =	vmul.u32 $0x6, v1;
	_ =	sdelay $0x1  }
0x151: {  	v1 =	vadd.s32 v2, v1  }
0x152: {  	[tilespmem:$0x9C0] =	vst v1  }
0x153: {  	v1 =	vld.idx.msk [tilespmem:v55+s12+$0x0], $0xffff;
	_ =	sdelay $0x1  }
0x154: {  	v2 =	vld.idx.msk [tilespmem:v56+s12+$0x0], $0xffff;
	_ =	sdelay $0x2  }
0x155: {  	v3 =	vld.idx.msk [tilespmem:v57+s12+$0x0], $0xffff;
	v1 =	vmul.u32 $0x6, v1;
	_ =	sdelay $0x1  }
0x156: {  	v1 =	vadd.s32 v2, v1  }
0x157: {  	v2 =	vld.idx.msk [tilespmem:v58+s12+$0x0], $0xffff;
	v1 =	vmul.u32 $0x6, v1;
	_ =	sdelay $0x1  }
0x158: {  	v1 =	vadd.s32 v3, v1  }
0x159: {  	v1 =	vmul.u32 $0x6, v1;
	_ =	sdelay $0x1  }
0x15a: {  	v1 =	vadd.s32 v2, v1  }
0x15b: {  	[tilespmem:$0x9D0] =	vst v1  }
0x15c: {  	v1 =	vld.idx.msk [tilespmem:v59+s12+$0x0], $0xffff;
	_ =	sdelay $0x1  }
0x15d: {  	v2 =	vld.idx.msk [tilespmem:v60+s12+$0x0], $0xffff;
	_ =	sdelay $0x2  }
0x15e: {  	v3 =	vld.idx.msk [tilespmem:v61+s12+$0x0], $0xffff;
	v1 =	vmul.u32 $0x6, v1;
	_ =	sdelay $0x1  }
0x15f: {  	v1 =	vadd.s32 v2, v1  }
0x160: {  	v2 =	vld.idx.msk [tilespmem:v62+s12+$0x0], $0xffff;
	v1 =	vmul.u32 $0x6, v1;
	_ =	sdelay $0x1  }
0x161: {  	v1 =	vadd.s32 v3, v1  }
0x162: {  	v1 =	vmul.u32 $0x6, v1;
	_ =	sdelay $0x1  }
0x163: {  	v1 =	vadd.s32 v2, v1  }
0x164: {  	[tilespmem:$0x9E0] =	vst v1  }
0x165: {  	v1 =	vld.idx.msk [tilespmem:v63+s12+$0x0], $0xffff;
	_ =	sdelay $0x1  }
0x166: {  	v2 =	vld.idx.msk [tilespmem:v15+s12+$0x0], $0xffff;
	_ =	sdelay $0x1  }
0x167: {  	v3 =	vld [tilespmem:$0x1FFB0]  }
0x168: {  	v1 =	vmul.u32 $0x6, v1;
	_ =	sdelay $0x1  }
0x169: {  	v1 =	vadd.s32 v2, v1;
	v2 =	vld [tilespmem:$0x1FF90];
	_ =	sdelay $0x4  }
0x16a: {  	v3 =	vld.idx.msk [tilespmem:v3+s12+$0x0], $0xffff;
	_ =	sdelay $0x2  }
0x16b: {  	v1 =	vmul.u32 $0x6, v1;
	v2 =	vld.idx.msk [tilespmem:v2+s12+$0x0], $0xffff;
	_ =	sdelay $0x1  }
0x16c: {  	v1 =	vadd.s32 v3, v1  }
0x16d: {  	v1 =	vmul.u32 $0x6, v1;
	_ =	sdelay $0x1  }
0x16e: {  	p2 =	seq.s32 s0, $0x0;
	v1 =	vadd.s32 v2, v1  }
0x16f: {  	s3 =	simm.s32 @!p2 $0x6;
	[tilespmem:$0x9F0] =	vst v1  }
0x170: {  	_ =	swait.ge @!p2 [sflag:s3], $0x8000  }
0x171: {  	[sflag:s3] =	ssyncset.done @!p2 $0x0  }
0x172: {  	[sflag:s3] =	ssyncadd.s32 @!p2 $0xFFFF8000  }
0x173: {  	[tilespmem:s22], [sflag:$0x4] =	stream.indirect.gather [spmem:s1], $0x80, s21, s14, $0xb8;
	[tilespmem:$0x13280] =	vst v63  }
0x174: {  	_ = 	snop  }
0x175: {  	[tilespmem:s24], [sflag:$0x4] =	stream.indirect.gather [spmem:s1], $0x80, s23, s14, $0xb8;
	[tilespmem:$0x13280] =	vst v63  }
0x176: {  	_ =	swait.ge [sflag:s25], $0x4000  }
0x177: {  	[sflag:s25] =	ssyncset.done $0x0  }
.Ltmp2:
0x178: {  	[sflag:s25] =	ssyncadd.s32 $0xFFFFC000;
	(pc) =	sbr.rel @p1 .LBB2_4-.Ltmp2, $4  }
0x179: {  	_ =	swait.ge [sflag:s25], $0x4000  }
0x17a: {  	[sflag:s25] =	ssyncset.done $0x0  }
0x17b: {  	s3 =	sadd.s32 s0, s7;
	[sflag:s25] =	ssyncadd.s32 $0xFFFFC000  }
0x17c: {  	[hbm4b:s3+s2] =	stream.linear.scatter [tilespmem:s22], [sflag:$0x6], $0x8000, $0x38;
	[tilespmem:$0x13280] =	vst v63  }
0x17d: {  	[tilespmem:s12], [sflag:$0x2] =	stream.linear.gather [hbm4b:s31+s2], $0x400, $0x38;
	[tilespmem:$0x13280] =	vst v63  }
0x17e: {  	_ =	swait.ge [sflag:s13], $0x400  }
0x17f: {  	[sflag:s13] =	ssyncset.done $0x0  }
0x180: {  	[sflag:s13] =	ssyncadd.s32 $0xFFFFFC00  }
0x181: {  	v1 =	vld.idx.msk [tilespmem:v13+s2+$0x0], $0xffff;
	_ =	sdelay $0x1  }
0x182: {  	v2 =	vld.idx.msk [tilespmem:v4+s2+$0x0], $0xffff;
	_ =	sdelay $0x2  }
0x183: {  	v3 =	vld.idx.msk [tilespmem:v5+s2+$0x0], $0xffff;
	v1 =	vmul.u32 $0x6, v1;
	_ =	sdelay $0x1  }
0x184: {  	v1 =	vadd.s32 v2, v1  }
0x185: {  	v2 =	vld.idx.msk [tilespmem:v6+s2+$0x0], $0xffff;
	v1 =	vmul.u32 $0x6, v1;
	_ =	sdelay $0x1  }
0x186: {  	v1 =	vadd.s32 v3, v1  }
0x187: {  	v1 =	vmul.u32 $0x6, v1;
	_ =	sdelay $0x1  }
0x188: {  	v1 =	vadd.s32 v2, v1  }
0x189: {  	[tilespmem:$0x800] =	vst v1  }
0x18a: {  	v1 =	vld.idx.msk [tilespmem:v7+s2+$0x0], $0xffff;
	_ =	sdelay $0x1  }
0x18b: {  	v2 =	vld.idx.msk [tilespmem:v8+s2+$0x0], $0xffff;
	_ =	sdelay $0x2  }
0x18c: {  	v3 =	vld.idx.msk [tilespmem:v9+s2+$0x0], $0xffff;
	v1 =	vmul.u32 $0x6, v1;
	_ =	sdelay $0x1  }
0x18d: {  	v1 =	vadd.s32 v2, v1  }
0x18e: {  	v2 =	vld.idx.msk [tilespmem:v10+s2+$0x0], $0xffff;
	v1 =	vmul.u32 $0x6, v1;
	_ =	sdelay $0x1  }
0x18f: {  	v1 =	vadd.s32 v3, v1  }
0x190: {  	v1 =	vmul.u32 $0x6, v1;
	_ =	sdelay $0x1  }
0x191: {  	v1 =	vadd.s32 v2, v1  }
0x192: {  	[tilespmem:$0x810] =	vst v1  }
0x193: {  	v1 =	vld.idx.msk [tilespmem:v11+s2+$0x0], $0xffff;
	_ =	sdelay $0x1  }
0x194: {  	v2 =	vld.idx.msk [tilespmem:v12+s2+$0x0], $0xffff;
	_ =	sdelay $0x2  }
0x195: {  	v3 =	vld.idx.msk [tilespmem:v0+s2+$0x0], $0xffff;
	v1 =	vmul.u32 $0x6, v1;
	_ =	sdelay $0x1  }
0x196: {  	v1 =	vadd.s32 v2, v1  }
0x197: {  	v2 =	vld.idx.msk [tilespmem:v14+s2+$0x0], $0xffff;
	v1 =	vmul.u32 $0x6, v1;
	_ =	sdelay $0x1  }
0x198: {  	v1 =	vadd.s32 v3, v1  }
0x199: {  	v1 =	vmul.u32 $0x6, v1;
	_ =	sdelay $0x1  }
0x19a: {  	v1 =	vadd.s32 v2, v1  }
0x19b: {  	[tilespmem:$0x820] =	vst v1;
	v1 =	vld [tilespmem:$0x1FFA0];
	_ =	sdelay $0x7  }
0x19c: {  	v1 =	vld.idx.msk [tilespmem:v1+s2+$0x0], $0xffff;
	_ =	sdelay $0x1  }
0x19d: {  	v2 =	vld.idx.msk [tilespmem:v16+s2+$0x0], $0xffff;
	_ =	sdelay $0x2  }
0x19e: {  	v3 =	vld.idx.msk [tilespmem:v17+s2+$0x0], $0xffff;
	v1 =	vmul.u32 $0x6, v1;
	_ =	sdelay $0x1  }
0x19f: {  	v1 =	vadd.s32 v2, v1  }
0x1a0: {  	v2 =	vld.idx.msk [tilespmem:v18+s2+$0x0], $0xffff;
	v1 =	vmul.u32 $0x6, v1;
	_ =	sdelay $0x1  }
0x1a1: {  	v1 =	vadd.s32 v3, v1  }
0x1a2: {  	v1 =	vmul.u32 $0x6, v1;
	_ =	sdelay $0x1  }
0x1a3: {  	v1 =	vadd.s32 v2, v1  }
0x1a4: {  	[tilespmem:$0x830] =	vst v1  }
0x1a5: {  	v1 =	vld.idx.msk [tilespmem:v19+s2+$0x0], $0xffff;
	_ =	sdelay $0x1  }
0x1a6: {  	v2 =	vld.idx.msk [tilespmem:v20+s2+$0x0], $0xffff;
	_ =	sdelay $0x2  }
0x1a7: {  	v3 =	vld.idx.msk [tilespmem:v21+s2+$0x0], $0xffff;
	v1 =	vmul.u32 $0x6, v1;
	_ =	sdelay $0x1  }
0x1a8: {  	v1 =	vadd.s32 v2, v1  }
0x1a9: {  	v2 =	vld.idx.msk [tilespmem:v22+s2+$0x0], $0xffff;
	v1 =	vmul.u32 $0x6, v1;
	_ =	sdelay $0x1  }
0x1aa: {  	v1 =	vadd.s32 v3, v1  }
0x1ab: {  	v1 =	vmul.u32 $0x6, v1;
	_ =	sdelay $0x1  }
0x1ac: {  	v1 =	vadd.s32 v2, v1  }
0x1ad: {  	[tilespmem:$0x840] =	vst v1  }
0x1ae: {  	v1 =	vld.idx.msk [tilespmem:v23+s2+$0x0], $0xffff;
	_ =	sdelay $0x1  }
0x1af: {  	v2 =	vld.idx.msk [tilespmem:v24+s2+$0x0], $0xffff;
	_ =	sdelay $0x2  }
0x1b0: {  	v3 =	vld.idx.msk [tilespmem:v25+s2+$0x0], $0xffff;
	v1 =	vmul.u32 $0x6, v1;
	_ =	sdelay $0x1  }
0x1b1: {  	v1 =	vadd.s32 v2, v1  }
0x1b2: {  	v2 =	vld.idx.msk [tilespmem:v26+s2+$0x0], $0xffff;
	v1 =	vmul.u32 $0x6, v1;
	_ =	sdelay $0x1  }
0x1b3: {  	v1 =	vadd.s32 v3, v1  }
0x1b4: {  	v1 =	vmul.u32 $0x6, v1;
	_ =	sdelay $0x1  }
0x1b5: {  	v1 =	vadd.s32 v2, v1  }
0x1b6: {  	[tilespmem:$0x850] =	vst v1  }
0x1b7: {  	v1 =	vld.idx.msk [tilespmem:v27+s2+$0x0], $0xffff;
	_ =	sdelay $0x1  }
0x1b8: {  	v2 =	vld.idx.msk [tilespmem:v28+s2+$0x0], $0xffff;
	_ =	sdelay $0x2  }
0x1b9: {  	v3 =	vld.idx.msk [tilespmem:v29+s2+$0x0], $0xffff;
	v1 =	vmul.u32 $0x6, v1;
	_ =	sdelay $0x1  }
0x1ba: {  	v1 =	vadd.s32 v2, v1  }
0x1bb: {  	v2 =	vld.idx.msk [tilespmem:v30+s2+$0x0], $0xffff;
	v1 =	vmul.u32 $0x6, v1;
	_ =	sdelay $0x1  }
0x1bc: {  	v1 =	vadd.s32 v3, v1  }
0x1bd: {  	v1 =	vmul.u32 $0x6, v1;
	_ =	sdelay $0x1  }
0x1be: {  	v1 =	vadd.s32 v2, v1  }
0x1bf: {  	[tilespmem:$0x860] =	vst v1  }
0x1c0: {  	v1 =	vld.idx.msk [tilespmem:v31+s2+$0x0], $0xffff;
	_ =	sdelay $0x1  }
0x1c1: {  	v2 =	vld.idx.msk [tilespmem:v32+s2+$0x0], $0xffff;
	_ =	sdelay $0x2  }
0x1c2: {  	v3 =	vld.idx.msk [tilespmem:v33+s2+$0x0], $0xffff;
	v1 =	vmul.u32 $0x6, v1;
	_ =	sdelay $0x1  }
0x1c3: {  	v1 =	vadd.s32 v2, v1  }
0x1c4: {  	v2 =	vld.idx.msk [tilespmem:v34+s2+$0x0], $0xffff;
	v1 =	vmul.u32 $0x6, v1;
	_ =	sdelay $0x1  }
0x1c5: {  	v1 =	vadd.s32 v3, v1  }
0x1c6: {  	v1 =	vmul.u32 $0x6, v1;
	_ =	sdelay $0x1  }
0x1c7: {  	v1 =	vadd.s32 v2, v1  }
0x1c8: {  	[tilespmem:$0x870] =	vst v1  }
0x1c9: {  	v1 =	vld.idx.msk [tilespmem:v35+s2+$0x0], $0xffff;
	_ =	sdelay $0x1  }
0x1ca: {  	v2 =	vld.idx.msk [tilespmem:v36+s2+$0x0], $0xffff;
	_ =	sdelay $0x2  }
0x1cb: {  	v3 =	vld.idx.msk [tilespmem:v37+s2+$0x0], $0xffff;
	v1 =	vmul.u32 $0x6, v1;
	_ =	sdelay $0x1  }
0x1cc: {  	v1 =	vadd.s32 v2, v1  }
0x1cd: {  	v2 =	vld.idx.msk [tilespmem:v38+s2+$0x0], $0xffff;
	v1 =	vmul.u32 $0x6, v1;
	_ =	sdelay $0x1  }
0x1ce: {  	v1 =	vadd.s32 v3, v1  }
0x1cf: {  	v1 =	vmul.u32 $0x6, v1;
	_ =	sdelay $0x1  }
0x1d0: {  	v1 =	vadd.s32 v2, v1  }
0x1d1: {  	[tilespmem:$0x880] =	vst v1  }
0x1d2: {  	v1 =	vld.idx.msk [tilespmem:v39+s2+$0x0], $0xffff;
	_ =	sdelay $0x1  }
0x1d3: {  	v2 =	vld.idx.msk [tilespmem:v40+s2+$0x0], $0xffff;
	_ =	sdelay $0x2  }
0x1d4: {  	v3 =	vld.idx.msk [tilespmem:v41+s2+$0x0], $0xffff;
	v1 =	vmul.u32 $0x6, v1;
	_ =	sdelay $0x1  }
0x1d5: {  	v1 =	vadd.s32 v2, v1  }
0x1d6: {  	v2 =	vld.idx.msk [tilespmem:v42+s2+$0x0], $0xffff;
	v1 =	vmul.u32 $0x6, v1;
	_ =	sdelay $0x1  }
0x1d7: {  	v1 =	vadd.s32 v3, v1  }
0x1d8: {  	v1 =	vmul.u32 $0x6, v1;
	_ =	sdelay $0x1  }
0x1d9: {  	v1 =	vadd.s32 v2, v1  }
0x1da: {  	[tilespmem:$0x890] =	vst v1  }
0x1db: {  	v1 =	vld.idx.msk [tilespmem:v43+s2+$0x0], $0xffff;
	_ =	sdelay $0x1  }
0x1dc: {  	v2 =	vld.idx.msk [tilespmem:v44+s2+$0x0], $0xffff;
	_ =	sdelay $0x2  }
0x1dd: {  	v3 =	vld.idx.msk [tilespmem:v45+s2+$0x0], $0xffff;
	v1 =	vmul.u32 $0x6, v1;
	_ =	sdelay $0x1  }
0x1de: {  	v1 =	vadd.s32 v2, v1  }
0x1df: {  	v2 =	vld.idx.msk [tilespmem:v46+s2+$0x0], $0xffff;
	v1 =	vmul.u32 $0x6, v1;
	_ =	sdelay $0x1  }
0x1e0: {  	v1 =	vadd.s32 v3, v1  }
0x1e1: {  	v1 =	vmul.u32 $0x6, v1;
	_ =	sdelay $0x1  }
0x1e2: {  	v1 =	vadd.s32 v2, v1  }
0x1e3: {  	[tilespmem:$0x8A0] =	vst v1  }
0x1e4: {  	v1 =	vld.idx.msk [tilespmem:v47+s2+$0x0], $0xffff;
	_ =	sdelay $0x1  }
0x1e5: {  	v2 =	vld.idx.msk [tilespmem:v48+s2+$0x0], $0xffff;
	_ =	sdelay $0x2  }
0x1e6: {  	v3 =	vld.idx.msk [tilespmem:v49+s2+$0x0], $0xffff;
	v1 =	vmul.u32 $0x6, v1;
	_ =	sdelay $0x1  }
0x1e7: {  	v1 =	vadd.s32 v2, v1  }
0x1e8: {  	v2 =	vld.idx.msk [tilespmem:v50+s2+$0x0], $0xffff;
	v1 =	vmul.u32 $0x6, v1;
	_ =	sdelay $0x1  }
0x1e9: {  	v1 =	vadd.s32 v3, v1  }
0x1ea: {  	v1 =	vmul.u32 $0x6, v1;
	_ =	sdelay $0x1  }
0x1eb: {  	v1 =	vadd.s32 v2, v1  }
0x1ec: {  	[tilespmem:$0x8B0] =	vst v1  }
0x1ed: {  	v1 =	vld.idx.msk [tilespmem:v51+s2+$0x0], $0xffff;
	_ =	sdelay $0x1  }
0x1ee: {  	v2 =	vld.idx.msk [tilespmem:v52+s2+$0x0], $0xffff;
	_ =	sdelay $0x2  }
0x1ef: {  	v3 =	vld.idx.msk [tilespmem:v53+s2+$0x0], $0xffff;
	v1 =	vmul.u32 $0x6, v1;
	_ =	sdelay $0x1  }
0x1f0: {  	v1 =	vadd.s32 v2, v1  }
0x1f1: {  	v2 =	vld.idx.msk [tilespmem:v54+s2+$0x0], $0xffff;
	v1 =	vmul.u32 $0x6, v1;
	_ =	sdelay $0x1  }
0x1f2: {  	v1 =	vadd.s32 v3, v1  }
0x1f3: {  	v1 =	vmul.u32 $0x6, v1;
	_ =	sdelay $0x1  }
0x1f4: {  	v1 =	vadd.s32 v2, v1  }
0x1f5: {  	[tilespmem:$0x8C0] =	vst v1  }
0x1f6: {  	v1 =	vld.idx.msk [tilespmem:v55+s2+$0x0], $0xffff;
	_ =	sdelay $0x1  }
0x1f7: {  	v2 =	vld.idx.msk [tilespmem:v56+s2+$0x0], $0xffff;
	_ =	sdelay $0x2  }
0x1f8: {  	v3 =	vld.idx.msk [tilespmem:v57+s2+$0x0], $0xffff;
	v1 =	vmul.u32 $0x6, v1;
	_ =	sdelay $0x1  }
0x1f9: {  	v1 =	vadd.s32 v2, v1  }
0x1fa: {  	v2 =	vld.idx.msk [tilespmem:v58+s2+$0x0], $0xffff;
	v1 =	vmul.u32 $0x6, v1;
	_ =	sdelay $0x1  }
0x1fb: {  	v1 =	vadd.s32 v3, v1  }
0x1fc: {  	v1 =	vmul.u32 $0x6, v1;
	_ =	sdelay $0x1  }
0x1fd: {  	v1 =	vadd.s32 v2, v1  }
0x1fe: {  	[tilespmem:$0x8D0] =	vst v1  }
0x1ff: {  	v1 =	vld.idx.msk [tilespmem:v59+s2+$0x0], $0xffff;
	_ =	sdelay $0x1  }
0x200: {  	v2 =	vld.idx.msk [tilespmem:v60+s2+$0x0], $0xffff;
	_ =	sdelay $0x2  }
0x201: {  	v3 =	vld.idx.msk [tilespmem:v61+s2+$0x0], $0xffff;
	v1 =	vmul.u32 $0x6, v1;
	_ =	sdelay $0x1  }
0x202: {  	v1 =	vadd.s32 v2, v1  }
0x203: {  	v2 =	vld.idx.msk [tilespmem:v62+s2+$0x0], $0xffff;
	v1 =	vmul.u32 $0x6, v1;
	_ =	sdelay $0x1  }
0x204: {  	v1 =	vadd.s32 v3, v1  }
0x205: {  	v1 =	vmul.u32 $0x6, v1;
	_ =	sdelay $0x1  }
0x206: {  	v1 =	vadd.s32 v2, v1  }
0x207: {  	[tilespmem:$0x8E0] =	vst v1  }
0x208: {  	v1 =	vld.idx.msk [tilespmem:v63+s2+$0x0], $0xffff;
	_ =	sdelay $0x1  }
0x209: {  	v2 =	vld.idx.msk [tilespmem:v15+s2+$0x0], $0xffff;
	_ =	sdelay $0x1  }
0x20a: {  	v3 =	vld [tilespmem:$0x1FFB0]  }
0x20b: {  	v1 =	vmul.u32 $0x6, v1;
	_ =	sdelay $0x1  }
0x20c: {  	v1 =	vadd.s32 v2, v1;
	v2 =	vld [tilespmem:$0x1FF90];
	_ =	sdelay $0x4  }
0x20d: {  	v3 =	vld.idx.msk [tilespmem:v3+s2+$0x0], $0xffff;
	_ =	sdelay $0x2  }
0x20e: {  	v1 =	vmul.u32 $0x6, v1;
	v2 =	vld.idx.msk [tilespmem:v2+s2+$0x0], $0xffff;
	_ =	sdelay $0x1  }
0x20f: {  	v1 =	vadd.s32 v3, v1  }
0x210: {  	v1 =	vmul.u32 $0x6, v1;
	_ =	sdelay $0x1  }
0x211: {  	v1 =	vadd.s32 v2, v1  }
0x212: {  	[tilespmem:$0x8F0] =	vst v1  }
0x213: {  	_ =	swait.ge [sflag:s26], $0x8000  }
.Ltmp3:
0x214: {  	[sflag:s26] =	ssyncset.done $0x0;
	(pc) =	sbr.rel .LBB2_2-.Ltmp3, $4  }
0x215: {  	[sflag:s26] =	ssyncadd.s32 $0xFFFF8000  }
0x216: {  	[tilespmem:s16], [sflag:$0x3] =	stream.indirect.gather [spmem:s1], $0x80, s15, s14, $0xb8;
	[tilespmem:$0x13280] =	vst v63  }
0x217: {  	s0 =	sadd.s32 $0x2000, s0;
	s31 =	sadd.s32 $0x100, s31;
	s30 =	sadd.s32 $0x100, s30  }
0x218: {  	[tilespmem:s18], [sflag:$0x3] =	stream.indirect.gather [spmem:s1], $0x80, s17, s14, $0xb8;
	[tilespmem:$0x13280] =	vst v63  }
.LBB2_5:
0x219: {  	_ =	sfence.sel $0x180000  }
0x21a: {  	[bflag:$0x0] =	sbarrier.arrive $0xFFFF  }
0x21b: {  	_ =	strace $0x90000047  }
0x21c: {  	[bflag:$0x2] =	sbarrier.arrive $0xFFFF  }
0x21d: {  	s0 =	rddreg [dreg:$0x3]  }
0x21e: {  	s0 =	sadd.s32 @!p0 $0x100000, s0  }
0x21f: {  	[sflag:s0] =	ssyncadd.tile.s32 @!p0 $0x1;
	_ =	shalt  }
.Lfunc_end2:
_tile_overlayer_lowered:
.L_overlay_start_2:
0x220: {  	(tag) =	ssettag $0x2  }
0x221: {  	s0 =	rddreg [dreg:$0x0];
	s2 =	stileid.u32  }
0x222: {  	s1 =	rddreg [dreg:$0x1];
	p0 =	sne.s32 s2, $0x0  }
0x223: {  	s3 =	rddreg [dreg:$0x2];
	[bflag:$0x3] =	sbarrier.arrive $0xFFFF;
	s2 =	simm.s32 @!p0 $0x1C07  }
0x224: {  	[timem:s3], [sflag:s2] =	dma.local @!p0 [hbm:s0], s1  }
0x225: {  	s0 =	simm.s32 @!p0 $0x7  }
0x226: {  	_ =	swait.ge @!p0 [sflag:s0], s1  }
0x227: {  	s1 =	ssub.s32 @!p0 $0x0, s1;
	[sflag:s0] =	ssyncset.done @!p0 $0x0  }
0x228: {  	[sflag:s0] =	ssyncadd.s32 @!p0 s1  }
0x229: {  	[bflag:$0x3] =	sbarrier.arrive $0xFFFF  }
0x22a: {  	_ =	shalt  }

</sc_bundles>
